<compile_context>
chip_gen: v7x
topology: tpu7x:2x2x1
jax: 0.10.2.dev20260603
libtpu: 0.0.44.dev20260713+nightly
codegen_flags: <defaults>
</compile_context>

<pallas_src>
import functools

import jax
import jax.numpy as jnp
from jax import lax
from jax.experimental import pallas as pl
from jax.experimental.pallas import tpu as pltpu
from jax.experimental.pallas import tpu_sc as plsc

NC = 2
NS = 16
NW = NC * NS
LANES = 16

B = 4096
L = 200
D = 128
H = 256
NCLS = 6

ROWS_W = B // NW
NTOK_W = ROWS_W * L
NCHUNK = (L + LANES - 1) // LANES
CH = 8
NDMA = (L + CH - 1) // CH
GCAP = NDMA * CH
DCH = D // LANES


def _sc_pool(ids_flat, mask_flat, emb):
  mesh = plsc.VectorSubcoreMesh(core_axis_name="c", subcore_axis_name="s")

  @functools.partial(
      pl.kernel,
      out_type=jax.ShapeDtypeStruct((B, D), jnp.float32),
      mesh=mesh,
      compiler_params=pltpu.CompilerParams(needs_layout_passes=False),
      scratch_types=[
          pltpu.VMEM((NTOK_W + LANES,), jnp.int32),
          pltpu.VMEM((NTOK_W + LANES,), jnp.int32),
          pltpu.VMEM((GCAP + LANES,), jnp.int32),
          pltpu.VMEM((GCAP + LANES,), jnp.int32),
          pltpu.VMEM((GCAP, D), jnp.float32),
          pltpu.VMEM((GCAP, D), jnp.float32),
          pltpu.VMEM((ROWS_W, D), jnp.float32),
          pltpu.SemaphoreType.DMA,
          pltpu.SemaphoreType.DMA,
      ],
  )
  def k(ids_hbm, mask_hbm, emb_hbm, out_hbm,
        ids_v, mask_v, idx0_v, idx1_v, row0_v, row1_v, avg_v,
        sem0, sem1):
    w = lax.axis_index("s") * NC + lax.axis_index("c")
    tok0 = w * NTOK_W
    pltpu.sync_copy(ids_hbm.at[pl.ds(tok0, NTOK_W)], ids_v.at[pl.ds(0, NTOK_W)])
    pltpu.sync_copy(mask_hbm.at[pl.ds(tok0, NTOK_W)],
                    mask_v.at[pl.ds(0, NTOK_W)])

    lane = jnp.arange(LANES, dtype=jnp.int32)
    sems = (sem0, sem1)
    idxs = (idx0_v, idx1_v)
    rows = (row0_v, row1_v)

    for c in range(GCAP // LANES):
      v = lane + c * LANES + 1
      idx0_v[pl.ds(c * LANES, LANES)] = v
      idx1_v[pl.ds(c * LANES, LANES)] = v

    def build_idx(r, buf):
      base = r * L
      mcnt = jnp.zeros((LANES,), jnp.int32)
      off = jnp.int32(0)
      for c in range(NCHUNK):
        ids = ids_v[pl.ds(base + c * LANES, LANES)]
        msk = mask_v[pl.ds(base + c * LANES, LANES)]
        ok = msk != 0
        if (c + 1) * LANES > L:
          ok = ok & (lane < (L - c * LANES))
        valid = ok & (ids != 0)
        plsc.store_compressed(idxs[buf].at[pl.ds(off, LANES)], ids, mask=valid)
        off = off + plsc.all_reduce_population_count(valid)[0]
        mcnt = mcnt + jnp.where(ok, 1, 0)
      return off, jnp.sum(mcnt)

    def fire(buf, nch):
      def fb(j, _):
        pltpu.async_copy(emb_hbm.at[idxs[buf].at[pl.ds(j * CH, CH)]],
                         rows[buf].at[pl.ds(j * CH, CH)], sems[buf])
        return 0
      lax.fori_loop(0, nch, fb, 0)

    def wait(buf, nch):
      def wb(j, _):
        pltpu.make_async_copy(emb_hbm.at[idxs[buf].at[pl.ds(0, CH)]],
                              rows[buf].at[pl.ds(0, CH)],
                              sems[buf]).wait()
        return 0
      lax.fori_loop(0, nch, wb, 0)

    def accum(buf, kv):
      def body(j, accs):
        return tuple(a + rows[buf][j, pl.ds(d * LANES, LANES)]
                     for d, a in enumerate(accs))
      zero = tuple(jnp.zeros((LANES,), jnp.float32) for _ in range(DCH))
      return lax.fori_loop(0, kv, body, zero)

    def finalize(r, cm, accs):
      cnt = jnp.maximum(jnp.full((LANES,), cm, jnp.int32),
                        1).astype(jnp.float32)
      for d in range(DCH):
        avg_v[r, pl.ds(d * LANES, LANES)] = accs[d] / cnt

    def nchunks(kv):
      return (kv + (CH - 1)) >> 3

    k0, cm0 = build_idx(0, 0)
    n0 = nchunks(k0)
    fire(0, n0)

    def loop(r2, carry):
      ka, cma, na = carry
      ra = 2 * r2
      rb = ra + 1
      kb, cmb = build_idx(rb, 1)
      nb = nchunks(kb)
      fire(1, nb)
      wait(0, na)
      finalize(ra, cma, accum(0, ka))
      rc = jnp.minimum(ra + 2, ROWS_W - 1)
      kc, cmc = build_idx(rc, 0)
      nc = nchunks(kc)
      fire(0, nc)
      wait(1, nb)
      finalize(rb, cmb, accum(1, kb))
      return kc, cmc, nc

    _, _, nlast = lax.fori_loop(0, ROWS_W // 2, loop, (k0, cm0, n0))
    wait(0, nlast)

    pltpu.sync_copy(avg_v, out_hbm.at[pl.ds(w * ROWS_W, ROWS_W)])

  return k(ids_flat, mask_flat, emb)


def _mlp(avg, W1, b1, W2p, b2p):
  blk = 512

  def body(a_ref, w1_ref, b1_ref, w2_ref, b2_ref, o_ref):
    h = jnp.maximum(
        jnp.dot(a_ref[...], w1_ref[...], preferred_element_type=jnp.float32)
        + b1_ref[...], 0.0)
    o_ref[...] = jnp.dot(
        h, w2_ref[...], preferred_element_type=jnp.float32) + b2_ref[...]

  return pl.pallas_call(
      body,
      grid=(B // blk,),
      in_specs=[
          pl.BlockSpec((blk, D), lambda i: (i, 0)),
          pl.BlockSpec((D, H), lambda i: (0, 0)),
          pl.BlockSpec((1, H), lambda i: (0, 0)),
          pl.BlockSpec((H, 8), lambda i: (0, 0)),
          pl.BlockSpec((1, 8), lambda i: (0, 0)),
      ],
      out_specs=pl.BlockSpec((blk, 8), lambda i: (i, 0)),
      out_shape=jax.ShapeDtypeStruct((B, 8), jnp.float32),
  )(avg, W1, b1, W2p, b2p)


@jax.jit
def kernel(input_ids, attention_mask, emb, W1, b1, W2, b2):
  ids_flat = input_ids.reshape(-1).astype(jnp.int32)
  mask_flat = attention_mask.reshape(-1).astype(jnp.int32)
  avg = _sc_pool(ids_flat, mask_flat, emb)
  W2p = jnp.pad(W2, ((0, 0), (0, 8 - NCLS)))
  b2p = jnp.pad(b2, (0, 8 - NCLS)).reshape(1, 8)
  out = _mlp(avg, W1, b1.reshape(1, H), W2p, b2p)
  return out[:, :NCLS]

# --- scband reference (transcript-rebuilt; emitter-appended) ---
"""Pipeline reference for scband-danclassifier-1417339208325 (READ-ONLY COPY).

The authoritative reference and input builder live on the scoring server;
editing this copy changes nothing except your own understanding.
"""

import jax, jax.numpy as jnp
import numpy as np

VOCAB = 1000000
D = 128   # DAN_EMBED_DIM
H = 256   # DAN_HIDDEN_DIM
B = 4096
L = 200
N_CLASSES = 6


def setup_inputs(seed: int = 0) -> dict:
    key = jax.random.key(seed)
    k1, k2, k3, k4, k5 = jax.random.split(key, 5)
    input_ids = jax.random.randint(k1, (B, L), 0, VOCAB, dtype=jnp.int64 if jax.config.jax_enable_x64 else jnp.int32).astype(jnp.int32)
    attention_mask = jax.random.randint(k2, (B, L), 0, 2).astype(jnp.int32)
    emb = jax.random.normal(k3, (VOCAB, D), dtype=jnp.float32) * 0.02
    W1 = jax.random.normal(k4, (D, H), dtype=jnp.float32) * 0.05
    b1 = jnp.zeros((H,), dtype=jnp.float32)
    W2 = jax.random.normal(k5, (H, N_CLASSES), dtype=jnp.float32) * 0.05
    b2 = jnp.zeros((N_CLASSES,), dtype=jnp.float32)
    return {"input_ids": input_ids, "attention_mask": attention_mask,
            "emb": emb, "W1": W1, "b1": b1, "W2": W2, "b2": b2}


def reference(input_ids, attention_mask, emb, W1, b1, W2, b2):
    # padding_idx=0 -> row 0 of the embedding table is zero
    emb = emb.at[0].set(jnp.zeros((emb.shape[1],), dtype=emb.dtype))
    x = jnp.take(emb, input_ids, axis=0)                 # [B, L, D] gather
    mask = attention_mask[..., None].astype(jnp.float32) # [B, L, 1]
    summed = (x * mask).sum(axis=1)                      # [B, D]
    counts = jnp.clip(mask.sum(axis=1), 1.0, None)       # [B, 1]
    avg = summed / counts
    # classifier: Linear -> ReLU -> Dropout(eval=identity) -> Linear
    h = jnp.maximum(avg @ W1 + b1, 0.0)
    return h @ W2 + b2

if __name__ == "__main__":
    import jax
    _d = setup_inputs()
    print(jax.jit(kernel)(*tuple(_d.values())))

</pallas_src>

<mosaic_0001>
#map = affine_map<(d0, d1) -> (0)>
#map1 = affine_map<(d0, d1) -> (0, 0)>
module attributes {stable_mosaic.version = 14 : i64} {
  func.func @k(%arg0: i32, %arg1: i32, %arg2: memref<819200xi32, #tpu.memory_space<hbm>>, %arg3: memref<819200xi32, #tpu.memory_space<hbm>>, %arg4: memref<1000000x128xf32, #tpu.memory_space<hbm>>, %arg5: memref<4096x128xf32, #tpu.memory_space<hbm>>, %arg6: memref<25616xi32, #tpu.memory_space<vmem>>, %arg7: memref<25616xi32, #tpu.memory_space<vmem>>, %arg8: memref<216xi32, #tpu.memory_space<vmem>>, %arg9: memref<216xi32, #tpu.memory_space<vmem>>, %arg10: memref<200x128xf32, #tpu.memory_space<vmem>>, %arg11: memref<200x128xf32, #tpu.memory_space<vmem>>, %arg12: memref<128x128xf32, #tpu.memory_space<vmem>>, %arg13: memref<!tpu.dma_semaphore, #tpu.memory_space<semaphore_mem>>, %arg14: memref<!tpu.dma_semaphore, #tpu.memory_space<semaphore_mem>>) attributes {dimension_semantics = [#tpu.dimension_semantics<core_parallel>, #tpu.dimension_semantics<subcore_parallel>], iteration_bounds = array<i64: 2, 16>, scalar_prefetch = 0 : i64, scratch_operands = 9 : i64, tpu.core_type = #tpu.core_type<sc_vector_subcore>, window_params = [{transform_indices = #map}, {transform_indices = #map}, {transform_indices = #map1}, {transform_indices = #map1}]} {
    %mul3A = arith.constant 2 : i32
    %mul3A_0 = arith.muli %arg1, %mul3A : i32
    %add3A = arith.addi %mul3A_0, %arg0 : i32
    %mul3A_1 = arith.constant 25600 : i32
    %mul3A_2 = arith.muli %add3A, %mul3A_1 : i32
    "tpu.region"() ({
      %run_scoped3A = tpu.sem_alloc : memref<!tpu.dma_semaphore, #tpu.memory_space<semaphore_mem>>
      %dma_start3A = arith.constant 0 : i32
      %dma_start3A_455 = tpu.memref_slice %arg6[%dma_start3A] : memref<25616xi32, #tpu.memory_space<vmem>> -> memref<25600xi32, #tpu.memory_space<vmem>>
      %dma_start3A_456 = tpu.memref_slice %arg2[%mul3A_2] : memref<819200xi32, #tpu.memory_space<hbm>> -> memref<25600xi32, #tpu.memory_space<hbm>>
      %dma_start3A_457 = arith.constant 0 : i32
      %dma_start3A_458 = tpu.memref_slice %arg6[%dma_start3A_457] : memref<25616xi32, #tpu.memory_space<vmem>> -> memref<25600xi32, #tpu.memory_space<vmem>>
      %dma_start3A_459 = tpu.memref_slice %arg2[%mul3A_2] : memref<819200xi32, #tpu.memory_space<hbm>> -> memref<25600xi32, #tpu.memory_space<hbm>>
      tpu.enqueue_dma source(%dma_start3A_459 : memref<25600xi32, #tpu.memory_space<hbm>>) target(%dma_start3A_458 : memref<25600xi32, #tpu.memory_space<vmem>>) target_semaphore(%run_scoped3A : memref<!tpu.dma_semaphore, #tpu.memory_space<semaphore_mem>>)
      %dma_wait3A = arith.constant 0 : i32
      %dma_wait3A_460 = tpu.memref_slice %arg6[%dma_wait3A] : memref<25616xi32, #tpu.memory_space<vmem>> -> memref<25600xi32, #tpu.memory_space<vmem>>
      %dma_wait3A_461 = tpu.memref_slice %arg2[%mul3A_2] : memref<819200xi32, #tpu.memory_space<hbm>> -> memref<25600xi32, #tpu.memory_space<hbm>>
      %dma_wait3A_462 = arith.constant 0 : i32
      %dma_wait3A_463 = tpu.memref_slice %arg6[%dma_wait3A_462] : memref<25616xi32, #tpu.memory_space<vmem>> -> memref<25600xi32, #tpu.memory_space<vmem>>
      %dma_wait3A_464 = tpu.memref_slice %arg2[%mul3A_2] : memref<819200xi32, #tpu.memory_space<hbm>> -> memref<25600xi32, #tpu.memory_space<hbm>>
      tpu.wait_dma2 semaphore(%run_scoped3A : memref<!tpu.dma_semaphore, #tpu.memory_space<semaphore_mem>>) src(%dma_wait3A_464 : memref<25600xi32, #tpu.memory_space<hbm>>) dst(%dma_wait3A_463 : memref<25600xi32, #tpu.memory_space<vmem>>)
      tpu.yield
    }) : () -> ()
    "tpu.region"() ({
      %run_scoped3A = tpu.sem_alloc : memref<!tpu.dma_semaphore, #tpu.memory_space<semaphore_mem>>
      %dma_start3A = arith.constant 0 : i32
      %dma_start3A_455 = tpu.memref_slice %arg7[%dma_start3A] : memref<25616xi32, #tpu.memory_space<vmem>> -> memref<25600xi32, #tpu.memory_space<vmem>>
      %dma_start3A_456 = tpu.memref_slice %arg3[%mul3A_2] : memref<819200xi32, #tpu.memory_space<hbm>> -> memref<25600xi32, #tpu.memory_space<hbm>>
      %dma_start3A_457 = arith.constant 0 : i32
      %dma_start3A_458 = tpu.memref_slice %arg7[%dma_start3A_457] : memref<25616xi32, #tpu.memory_space<vmem>> -> memref<25600xi32, #tpu.memory_space<vmem>>
      %dma_start3A_459 = tpu.memref_slice %arg3[%mul3A_2] : memref<819200xi32, #tpu.memory_space<hbm>> -> memref<25600xi32, #tpu.memory_space<hbm>>
      tpu.enqueue_dma source(%dma_start3A_459 : memref<25600xi32, #tpu.memory_space<hbm>>) target(%dma_start3A_458 : memref<25600xi32, #tpu.memory_space<vmem>>) target_semaphore(%run_scoped3A : memref<!tpu.dma_semaphore, #tpu.memory_space<semaphore_mem>>)
      %dma_wait3A = arith.constant 0 : i32
      %dma_wait3A_460 = tpu.memref_slice %arg7[%dma_wait3A] : memref<25616xi32, #tpu.memory_space<vmem>> -> memref<25600xi32, #tpu.memory_space<vmem>>
      %dma_wait3A_461 = tpu.memref_slice %arg3[%mul3A_2] : memref<819200xi32, #tpu.memory_space<hbm>> -> memref<25600xi32, #tpu.memory_space<hbm>>
      %dma_wait3A_462 = arith.constant 0 : i32
      %dma_wait3A_463 = tpu.memref_slice %arg7[%dma_wait3A_462] : memref<25616xi32, #tpu.memory_space<vmem>> -> memref<25600xi32, #tpu.memory_space<vmem>>
      %dma_wait3A_464 = tpu.memref_slice %arg3[%mul3A_2] : memref<819200xi32, #tpu.memory_space<hbm>> -> memref<25600xi32, #tpu.memory_space<hbm>>
      tpu.wait_dma2 semaphore(%run_scoped3A : memref<!tpu.dma_semaphore, #tpu.memory_space<semaphore_mem>>) src(%dma_wait3A_464 : memref<25600xi32, #tpu.memory_space<hbm>>) dst(%dma_wait3A_463 : memref<25600xi32, #tpu.memory_space<vmem>>)
      tpu.yield
    }) : () -> ()
    %iota3A = tpu.iota {dimensions = array<i32: 0>} : vector<16xi32>
    %add3A_3 = arith.constant 0 : i32
    %add3A_4 = vector.broadcast %add3A_3 : i32 to vector<16xi32>
    %add3A_5 = arith.addi %iota3A, %add3A_4 : vector<16xi32>
    %add3A_6 = arith.constant 1 : i32
    %add3A_7 = vector.broadcast %add3A_6 : i32 to vector<16xi32>
    %add3A_8 = arith.addi %add3A_5, %add3A_7 : vector<16xi32>
    %swap3A = arith.constant 0 : index
    %swap3A_9 = tpu.vector_load %arg8[%swap3A] {strides = array<i32>} : memref<216xi32, #tpu.memory_space<vmem>>, vector<16xi32>,
    tpu.vector_store %arg8[%swap3A], %add3A_8 {strides = array<i32>} : memref<216xi32, #tpu.memory_space<vmem>>, vector<16xi32>,
    %swap3A_10 = arith.constant 0 : index
    %swap3A_11 = tpu.vector_load %arg9[%swap3A_10] {strides = array<i32>} : memref<216xi32, #tpu.memory_space<vmem>>, vector<16xi32>,
    tpu.vector_store %arg9[%swap3A_10], %add3A_8 {strides = array<i32>} : memref<216xi32, #tpu.memory_space<vmem>>, vector<16xi32>,
    %add3A_12 = arith.constant 16 : i32
    %add3A_13 = vector.broadcast %add3A_12 : i32 to vector<16xi32>
    %add3A_14 = arith.addi %iota3A, %add3A_13 : vector<16xi32>
    %add3A_15 = arith.constant 1 : i32
    %add3A_16 = vector.broadcast %add3A_15 : i32 to vector<16xi32>
    %add3A_17 = arith.addi %add3A_14, %add3A_16 : vector<16xi32>
    %swap3A_18 = arith.constant 16 : index
    %swap3A_19 = tpu.vector_load %arg8[%swap3A_18] {strides = array<i32>} : memref<216xi32, #tpu.memory_space<vmem>>, vector<16xi32>,
    tpu.vector_store %arg8[%swap3A_18], %add3A_17 {strides = array<i32>} : memref<216xi32, #tpu.memory_space<vmem>>, vector<16xi32>,
    %swap3A_20 = arith.constant 16 : index
    %swap3A_21 = tpu.vector_load %arg9[%swap3A_20] {strides = array<i32>} : memref<216xi32, #tpu.memory_space<vmem>>, vector<16xi32>,
    tpu.vector_store %arg9[%swap3A_20], %add3A_17 {strides = array<i32>} : memref<216xi32, #tpu.memory_space<vmem>>, vector<16xi32>,
    %add3A_22 = arith.constant 32 : i32
    %add3A_23 = vector.broadcast %add3A_22 : i32 to vector<16xi32>
    %add3A_24 = arith.addi %iota3A, %add3A_23 : vector<16xi32>
    %add3A_25 = arith.constant 1 : i32
    %add3A_26 = vector.broadcast %add3A_25 : i32 to vector<16xi32>
    %add3A_27 = arith.addi %add3A_24, %add3A_26 : vector<16xi32>
    %swap3A_28 = arith.constant 32 : index
    %swap3A_29 = tpu.vector_load %arg8[%swap3A_28] {strides = array<i32>} : memref<216xi32, #tpu.memory_space<vmem>>, vector<16xi32>,
    tpu.vector_store %arg8[%swap3A_28], %add3A_27 {strides = array<i32>} : memref<216xi32, #tpu.memory_space<vmem>>, vector<16xi32>,
    %swap3A_30 = arith.constant 32 : index
    %swap3A_31 = tpu.vector_load %arg9[%swap3A_30] {strides = array<i32>} : memref<216xi32, #tpu.memory_space<vmem>>, vector<16xi32>,
    tpu.vector_store %arg9[%swap3A_30], %add3A_27 {strides = array<i32>} : memref<216xi32, #tpu.memory_space<vmem>>, vector<16xi32>,
    %add3A_32 = arith.constant 48 : i32
    %add3A_33 = vector.broadcast %add3A_32 : i32 to vector<16xi32>
    %add3A_34 = arith.addi %iota3A, %add3A_33 : vector<16xi32>
    %add3A_35 = arith.constant 1 : i32
    %add3A_36 = vector.broadcast %add3A_35 : i32 to vector<16xi32>
    %add3A_37 = arith.addi %add3A_34, %add3A_36 : vector<16xi32>
    %swap3A_38 = arith.constant 48 : index
    %swap3A_39 = tpu.vector_load %arg8[%swap3A_38] {strides = array<i32>} : memref<216xi32, #tpu.memory_space<vmem>>, vector<16xi32>,
    tpu.vector_store %arg8[%swap3A_38], %add3A_37 {strides = array<i32>} : memref<216xi32, #tpu.memory_space<vmem>>, vector<16xi32>,
    %swap3A_40 = arith.constant 48 : index
    %swap3A_41 = tpu.vector_load %arg9[%swap3A_40] {strides = array<i32>} : memref<216xi32, #tpu.memory_space<vmem>>, vector<16xi32>,
    tpu.vector_store %arg9[%swap3A_40], %add3A_37 {strides = array<i32>} : memref<216xi32, #tpu.memory_space<vmem>>, vector<16xi32>,
    %add3A_42 = arith.constant 64 : i32
    %add3A_43 = vector.broadcast %add3A_42 : i32 to vector<16xi32>
    %add3A_44 = arith.addi %iota3A, %add3A_43 : vector<16xi32>
    %add3A_45 = arith.constant 1 : i32
    %add3A_46 = vector.broadcast %add3A_45 : i32 to vector<16xi32>
    %add3A_47 = arith.addi %add3A_44, %add3A_46 : vector<16xi32>
    %swap3A_48 = arith.constant 64 : index
    %swap3A_49 = tpu.vector_load %arg8[%swap3A_48] {strides = array<i32>} : memref<216xi32, #tpu.memory_space<vmem>>, vector<16xi32>,
    tpu.vector_store %arg8[%swap3A_48], %add3A_47 {strides = array<i32>} : memref<216xi32, #tpu.memory_space<vmem>>, vector<16xi32>,
    %swap3A_50 = arith.constant 64 : index
    %swap3A_51 = tpu.vector_load %arg9[%swap3A_50] {strides = array<i32>} : memref<216xi32, #tpu.memory_space<vmem>>, vector<16xi32>,
    tpu.vector_store %arg9[%swap3A_50], %add3A_47 {strides = array<i32>} : memref<216xi32, #tpu.memory_space<vmem>>, vector<16xi32>,
    %add3A_52 = arith.constant 80 : i32
    %add3A_53 = vector.broadcast %add3A_52 : i32 to vector<16xi32>
    %add3A_54 = arith.addi %iota3A, %add3A_53 : vector<16xi32>
    %add3A_55 = arith.constant 1 : i32
    %add3A_56 = vector.broadcast %add3A_55 : i32 to vector<16xi32>
    %add3A_57 = arith.addi %add3A_54, %add3A_56 : vector<16xi32>
    %swap3A_58 = arith.constant 80 : index
    %swap3A_59 = tpu.vector_load %arg8[%swap3A_58] {strides = array<i32>} : memref<216xi32, #tpu.memory_space<vmem>>, vector<16xi32>,
    tpu.vector_store %arg8[%swap3A_58], %add3A_57 {strides = array<i32>} : memref<216xi32, #tpu.memory_space<vmem>>, vector<16xi32>,
    %swap3A_60 = arith.constant 80 : index
    %swap3A_61 = tpu.vector_load %arg9[%swap3A_60] {strides = array<i32>} : memref<216xi32, #tpu.memory_space<vmem>>, vector<16xi32>,
    tpu.vector_store %arg9[%swap3A_60], %add3A_57 {strides = array<i32>} : memref<216xi32, #tpu.memory_space<vmem>>, vector<16xi32>,
    %add3A_62 = arith.constant 96 : i32
    %add3A_63 = vector.broadcast %add3A_62 : i32 to vector<16xi32>
    %add3A_64 = arith.addi %iota3A, %add3A_63 : vector<16xi32>
    %add3A_65 = arith.constant 1 : i32
    %add3A_66 = vector.broadcast %add3A_65 : i32 to vector<16xi32>
    %add3A_67 = arith.addi %add3A_64, %add3A_66 : vector<16xi32>
    %swap3A_68 = arith.constant 96 : index
    %swap3A_69 = tpu.vector_load %arg8[%swap3A_68] {strides = array<i32>} : memref<216xi32, #tpu.memory_space<vmem>>, vector<16xi32>,
    tpu.vector_store %arg8[%swap3A_68], %add3A_67 {strides = array<i32>} : memref<216xi32, #tpu.memory_space<vmem>>, vector<16xi32>,
    %swap3A_70 = arith.constant 96 : index
    %swap3A_71 = tpu.vector_load %arg9[%swap3A_70] {strides = array<i32>} : memref<216xi32, #tpu.memory_space<vmem>>, vector<16xi32>,
    tpu.vector_store %arg9[%swap3A_70], %add3A_67 {strides = array<i32>} : memref<216xi32, #tpu.memory_space<vmem>>, vector<16xi32>,
    %add3A_72 = arith.constant 112 : i32
    %add3A_73 = vector.broadcast %add3A_72 : i32 to vector<16xi32>
    %add3A_74 = arith.addi %iota3A, %add3A_73 : vector<16xi32>
    %add3A_75 = arith.constant 1 : i32
    %add3A_76 = vector.broadcast %add3A_75 : i32 to vector<16xi32>
    %add3A_77 = arith.addi %add3A_74, %add3A_76 : vector<16xi32>
    %swap3A_78 = arith.constant 112 : index
    %swap3A_79 = tpu.vector_load %arg8[%swap3A_78] {strides = array<i32>} : memref<216xi32, #tpu.memory_space<vmem>>, vector<16xi32>,
    tpu.vector_store %arg8[%swap3A_78], %add3A_77 {strides = array<i32>} : memref<216xi32, #tpu.memory_space<vmem>>, vector<16xi32>,
    %swap3A_80 = arith.constant 112 : index
    %swap3A_81 = tpu.vector_load %arg9[%swap3A_80] {strides = array<i32>} : memref<216xi32, #tpu.memory_space<vmem>>, vector<16xi32>,
    tpu.vector_store %arg9[%swap3A_80], %add3A_77 {strides = array<i32>} : memref<216xi32, #tpu.memory_space<vmem>>, vector<16xi32>,
    %add3A_82 = arith.constant 128 : i32
    %add3A_83 = vector.broadcast %add3A_82 : i32 to vector<16xi32>
    %add3A_84 = arith.addi %iota3A, %add3A_83 : vector<16xi32>
    %add3A_85 = arith.constant 1 : i32
    %add3A_86 = vector.broadcast %add3A_85 : i32 to vector<16xi32>
    %add3A_87 = arith.addi %add3A_84, %add3A_86 : vector<16xi32>
    %swap3A_88 = arith.constant 128 : index
    %swap3A_89 = tpu.vector_load %arg8[%swap3A_88] {strides = array<i32>} : memref<216xi32, #tpu.memory_space<vmem>>, vector<16xi32>,
    tpu.vector_store %arg8[%swap3A_88], %add3A_87 {strides = array<i32>} : memref<216xi32, #tpu.memory_space<vmem>>, vector<16xi32>,
    %swap3A_90 = arith.constant 128 : index
    %swap3A_91 = tpu.vector_load %arg9[%swap3A_90] {strides = array<i32>} : memref<216xi32, #tpu.memory_space<vmem>>, vector<16xi32>,
    tpu.vector_store %arg9[%swap3A_90], %add3A_87 {strides = array<i32>} : memref<216xi32, #tpu.memory_space<vmem>>, vector<16xi32>,
    %add3A_92 = arith.constant 144 : i32
    %add3A_93 = vector.broadcast %add3A_92 : i32 to vector<16xi32>
    %add3A_94 = arith.addi %iota3A, %add3A_93 : vector<16xi32>
    %add3A_95 = arith.constant 1 : i32
    %add3A_96 = vector.broadcast %add3A_95 : i32 to vector<16xi32>
    %add3A_97 = arith.addi %add3A_94, %add3A_96 : vector<16xi32>
    %swap3A_98 = arith.constant 144 : index
    %swap3A_99 = tpu.vector_load %arg8[%swap3A_98] {strides = array<i32>} : memref<216xi32, #tpu.memory_space<vmem>>, vector<16xi32>,
    tpu.vector_store %arg8[%swap3A_98], %add3A_97 {strides = array<i32>} : memref<216xi32, #tpu.memory_space<vmem>>, vector<16xi32>,
    %swap3A_100 = arith.constant 144 : index
    %swap3A_101 = tpu.vector_load %arg9[%swap3A_100] {strides = array<i32>} : memref<216xi32, #tpu.memory_space<vmem>>, vector<16xi32>,
    tpu.vector_store %arg9[%swap3A_100], %add3A_97 {strides = array<i32>} : memref<216xi32, #tpu.memory_space<vmem>>, vector<16xi32>,
    %add3A_102 = arith.constant 160 : i32
    %add3A_103 = vector.broadcast %add3A_102 : i32 to vector<16xi32>
    %add3A_104 = arith.addi %iota3A, %add3A_103 : vector<16xi32>
    %add3A_105 = arith.constant 1 : i32
    %add3A_106 = vector.broadcast %add3A_105 : i32 to vector<16xi32>
    %add3A_107 = arith.addi %add3A_104, %add3A_106 : vector<16xi32>
    %swap3A_108 = arith.constant 160 : index
    %swap3A_109 = tpu.vector_load %arg8[%swap3A_108] {strides = array<i32>} : memref<216xi32, #tpu.memory_space<vmem>>, vector<16xi32>,
    tpu.vector_store %arg8[%swap3A_108], %add3A_107 {strides = array<i32>} : memref<216xi32, #tpu.memory_space<vmem>>, vector<16xi32>,
    %swap3A_110 = arith.constant 160 : index
    %swap3A_111 = tpu.vector_load %arg9[%swap3A_110] {strides = array<i32>} : memref<216xi32, #tpu.memory_space<vmem>>, vector<16xi32>,
    tpu.vector_store %arg9[%swap3A_110], %add3A_107 {strides = array<i32>} : memref<216xi32, #tpu.memory_space<vmem>>, vector<16xi32>,
    %add3A_112 = arith.constant 176 : i32
    %add3A_113 = vector.broadcast %add3A_112 : i32 to vector<16xi32>
    %add3A_114 = arith.addi %iota3A, %add3A_113 : vector<16xi32>
    %add3A_115 = arith.constant 1 : i32
    %add3A_116 = vector.broadcast %add3A_115 : i32 to vector<16xi32>
    %add3A_117 = arith.addi %add3A_114, %add3A_116 : vector<16xi32>
    %swap3A_118 = arith.constant 176 : index
    %swap3A_119 = tpu.vector_load %arg8[%swap3A_118] {strides = array<i32>} : memref<216xi32, #tpu.memory_space<vmem>>, vector<16xi32>,
    tpu.vector_store %arg8[%swap3A_118], %add3A_117 {strides = array<i32>} : memref<216xi32, #tpu.memory_space<vmem>>, vector<16xi32>,
    %swap3A_120 = arith.constant 176 : index
    %swap3A_121 = tpu.vector_load %arg9[%swap3A_120] {strides = array<i32>} : memref<216xi32, #tpu.memory_space<vmem>>, vector<16xi32>,
    tpu.vector_store %arg9[%swap3A_120], %add3A_117 {strides = array<i32>} : memref<216xi32, #tpu.memory_space<vmem>>, vector<16xi32>,
    %broadcast_in_dim3A = arith.constant 0 : i32
    %broadcast_in_dim3A_122 = vector.broadcast %broadcast_in_dim3A : i32 to vector<16xi32>
    %get3A = arith.constant 0 : index
    %get3A_123 = tpu.vector_load %arg6[%get3A] {strides = array<i32>} : memref<25616xi32, #tpu.memory_space<vmem>>, vector<16xi32>,
    %get3A_124 = arith.constant 0 : index
    %get3A_125 = tpu.vector_load %arg7[%get3A_124] {strides = array<i32>} : memref<25616xi32, #tpu.memory_space<vmem>>, vector<16xi32>,
    %ne3A = arith.constant 0 : i32
    %ne3A_126 = vector.broadcast %ne3A : i32 to vector<16xi32>
    %ne3A_127 = arith.cmpi ne, %get3A_125, %ne3A_126 : vector<16xi32>
    %ne3A_128 = arith.constant 0 : i32
    %ne3A_129 = vector.broadcast %ne3A_128 : i32 to vector<16xi32>
    %ne3A_130 = arith.cmpi ne, %get3A_123, %ne3A_129 : vector<16xi32>
    %and3A = arith.andi %ne3A_127, %ne3A_130 : vector<16xi1>
    %swap3A_131 = arith.constant 0 : i32
    %swap3A_132 = arith.index_cast %swap3A_131 : i32 to index
    %swap3A_133 = tpu.vector_load %arg8[%swap3A_132] masked %and3A {strides = array<i32>} : memref<216xi32, #tpu.memory_space<vmem>>, vector<16xi32>, vector<16xi1>
    tpu.vector_store %arg8[%swap3A_132], %get3A_123 masked %and3A {strides = array<i32>} : memref<216xi32, #tpu.memory_space<vmem>>, vector<16xi32>, vector<16xi1>
    %all_reduce_population_count3A = tpu.all_reduce %and3A {dim = 0 : i64, kind = #tpu.reduction_kind<sum>} : vector<16xi1> -> vector<16xi32>
    %slice3A = vector.extract_strided_slice %all_reduce_population_count3A {offsets = [0], sizes = [1], strides = [1]} : vector<16xi32> to vector<1xi32>
    %squeeze3A = vector.extract %slice3A[0] : i32 from vector<1xi32>
    %add3A_134 = arith.constant 0 : i32
    %add3A_135 = arith.addi %add3A_134, %squeeze3A : i32
    %jit3A = arith.constant 1 : i32
    %jit3A_136 = arith.constant 0 : i32
    %broadcast_in_dim3A_137 = vector.broadcast %jit3A : i32 to vector<16xi32>
    %broadcast_in_dim3A_138 = vector.broadcast %jit3A_136 : i32 to vector<16xi32>
    %select_n3A = arith.select %ne3A_127, %broadcast_in_dim3A_137, %broadcast_in_dim3A_138 : vector<16xi1>, vector<16xi32>
    %add3A_139 = arith.addi %broadcast_in_dim3A_122, %select_n3A : vector<16xi32>
    %get3A_140 = arith.constant 16 : index
    %get3A_141 = tpu.vector_load %arg6[%get3A_140] {strides = array<i32>} : memref<25616xi32, #tpu.memory_space<vmem>>, vector<16xi32>,
    %get3A_142 = arith.constant 16 : index
    %get3A_143 = tpu.vector_load %arg7[%get3A_142] {strides = array<i32>} : memref<25616xi32, #tpu.memory_space<vmem>>, vector<16xi32>,
    %ne3A_144 = arith.constant 0 : i32
    %ne3A_145 = vector.broadcast %ne3A_144 : i32 to vector<16xi32>
    %ne3A_146 = arith.cmpi ne, %get3A_143, %ne3A_145 : vector<16xi32>
    %ne3A_147 = arith.constant 0 : i32
    %ne3A_148 = vector.broadcast %ne3A_147 : i32 to vector<16xi32>
    %ne3A_149 = arith.cmpi ne, %get3A_141, %ne3A_148 : vector<16xi32>
    %and3A_150 = arith.andi %ne3A_146, %ne3A_149 : vector<16xi1>
    %swap3A_151 = arith.index_cast %add3A_135 : i32 to index
    %swap3A_152 = tpu.vector_load %arg8[%swap3A_151] masked %and3A_150 {strides = array<i32>} : memref<216xi32, #tpu.memory_space<vmem>>, vector<16xi32>, vector<16xi1>
    tpu.vector_store %arg8[%swap3A_151], %get3A_141 masked %and3A_150 {strides = array<i32>} : memref<216xi32, #tpu.memory_space<vmem>>, vector<16xi32>, vector<16xi1>
    %all_reduce_population_count3A_153 = tpu.all_reduce %and3A_150 {dim = 0 : i64, kind = #tpu.reduction_kind<sum>} : vector<16xi1> -> vector<16xi32>
    %slice3A_154 = vector.extract_strided_slice %all_reduce_population_count3A_153 {offsets = [0], sizes = [1], strides = [1]} : vector<16xi32> to vector<1xi32>
    %squeeze3A_155 = vector.extract %slice3A_154[0] : i32 from vector<1xi32>
    %add3A_156 = arith.addi %add3A_135, %squeeze3A_155 : i32
    %jit3A_157 = arith.constant 1 : i32
    %jit3A_158 = arith.constant 0 : i32
    %broadcast_in_dim3A_159 = vector.broadcast %jit3A_157 : i32 to vector<16xi32>
    %broadcast_in_dim3A_160 = vector.broadcast %jit3A_158 : i32 to vector<16xi32>
    %select_n3A_161 = arith.select %ne3A_146, %broadcast_in_dim3A_159, %broadcast_in_dim3A_160 : vector<16xi1>, vector<16xi32>
    %add3A_162 = arith.addi %add3A_139, %select_n3A_161 : vector<16xi32>
    %get3A_163 = arith.constant 32 : index
    %get3A_164 = tpu.vector_load %arg6[%get3A_163] {strides = array<i32>} : memref<25616xi32, #tpu.memory_space<vmem>>, vector<16xi32>,
    %get3A_165 = arith.constant 32 : index
    %get3A_166 = tpu.vector_load %arg7[%get3A_165] {strides = array<i32>} : memref<25616xi32, #tpu.memory_space<vmem>>, vector<16xi32>,
    %ne3A_167 = arith.constant 0 : i32
    %ne3A_168 = vector.broadcast %ne3A_167 : i32 to vector<16xi32>
    %ne3A_169 = arith.cmpi ne, %get3A_166, %ne3A_168 : vector<16xi32>
    %ne3A_170 = arith.constant 0 : i32
    %ne3A_171 = vector.broadcast %ne3A_170 : i32 to vector<16xi32>
    %ne3A_172 = arith.cmpi ne, %get3A_164, %ne3A_171 : vector<16xi32>
    %and3A_173 = arith.andi %ne3A_169, %ne3A_172 : vector<16xi1>
    %swap3A_174 = arith.index_cast %add3A_156 : i32 to index
    %swap3A_175 = tpu.vector_load %arg8[%swap3A_174] masked %and3A_173 {strides = array<i32>} : memref<216xi32, #tpu.memory_space<vmem>>, vector<16xi32>, vector<16xi1>
    tpu.vector_store %arg8[%swap3A_174], %get3A_164 masked %and3A_173 {strides = array<i32>} : memref<216xi32, #tpu.memory_space<vmem>>, vector<16xi32>, vector<16xi1>
    %all_reduce_population_count3A_176 = tpu.all_reduce %and3A_173 {dim = 0 : i64, kind = #tpu.reduction_kind<sum>} : vector<16xi1> -> vector<16xi32>
    %slice3A_177 = vector.extract_strided_slice %all_reduce_population_count3A_176 {offsets = [0], sizes = [1], strides = [1]} : vector<16xi32> to vector<1xi32>
    %squeeze3A_178 = vector.extract %slice3A_177[0] : i32 from vector<1xi32>
    %add3A_179 = arith.addi %add3A_156, %squeeze3A_178 : i32
    %jit3A_180 = arith.constant 1 : i32
    %jit3A_181 = arith.constant 0 : i32
    %broadcast_in_dim3A_182 = vector.broadcast %jit3A_180 : i32 to vector<16xi32>
    %broadcast_in_dim3A_183 = vector.broadcast %jit3A_181 : i32 to vector<16xi32>
    %select_n3A_184 = arith.select %ne3A_169, %broadcast_in_dim3A_182, %broadcast_in_dim3A_183 : vector<16xi1>, vector<16xi32>
    %add3A_185 = arith.addi %add3A_162, %select_n3A_184 : vector<16xi32>
    %get3A_186 = arith.constant 48 : index
    %get3A_187 = tpu.vector_load %arg6[%get3A_186] {strides = array<i32>} : memref<25616xi32, #tpu.memory_space<vmem>>, vector<16xi32>,
    %get3A_188 = arith.constant 48 : index
    %get3A_189 = tpu.vector_load %arg7[%get3A_188] {strides = array<i32>} : memref<25616xi32, #tpu.memory_space<vmem>>, vector<16xi32>,
    %ne3A_190 = arith.constant 0 : i32
    %ne3A_191 = vector.broadcast %ne3A_190 : i32 to vector<16xi32>
    %ne3A_192 = arith.cmpi ne, %get3A_189, %ne3A_191 : vector<16xi32>
    %ne3A_193 = arith.constant 0 : i32
    %ne3A_194 = vector.broadcast %ne3A_193 : i32 to vector<16xi32>
    %ne3A_195 = arith.cmpi ne, %get3A_187, %ne3A_194 : vector<16xi32>
    %and3A_196 = arith.andi %ne3A_192, %ne3A_195 : vector<16xi1>
    %swap3A_197 = arith.index_cast %add3A_179 : i32 to index
    %swap3A_198 = tpu.vector_load %arg8[%swap3A_197] masked %and3A_196 {strides = array<i32>} : memref<216xi32, #tpu.memory_space<vmem>>, vector<16xi32>, vector<16xi1>
    tpu.vector_store %arg8[%swap3A_197], %get3A_187 masked %and3A_196 {strides = array<i32>} : memref<216xi32, #tpu.memory_space<vmem>>, vector<16xi32>, vector<16xi1>
    %all_reduce_population_count3A_199 = tpu.all_reduce %and3A_196 {dim = 0 : i64, kind = #tpu.reduction_kind<sum>} : vector<16xi1> -> vector<16xi32>
    %slice3A_200 = vector.extract_strided_slice %all_reduce_population_count3A_199 {offsets = [0], sizes = [1], strides = [1]} : vector<16xi32> to vector<1xi32>
    %squeeze3A_201 = vector.extract %slice3A_200[0] : i32 from vector<1xi32>
    %add3A_202 = arith.addi %add3A_179, %squeeze3A_201 : i32
    %jit3A_203 = arith.constant 1 : i32
    %jit3A_204 = arith.constant 0 : i32
    %broadcast_in_dim3A_205 = vector.broadcast %jit3A_203 : i32 to vector<16xi32>
    %broadcast_in_dim3A_206 = vector.broadcast %jit3A_204 : i32 to vector<16xi32>
    %select_n3A_207 = arith.select %ne3A_192, %broadcast_in_dim3A_205, %broadcast_in_dim3A_206 : vector<16xi1>, vector<16xi32>
    %add3A_208 = arith.addi %add3A_185, %select_n3A_207 : vector<16xi32>
    %get3A_209 = arith.constant 64 : index
    %get3A_210 = tpu.vector_load %arg6[%get3A_209] {strides = array<i32>} : memref<25616xi32, #tpu.memory_space<vmem>>, vector<16xi32>,
    %get3A_211 = arith.constant 64 : index
    %get3A_212 = tpu.vector_load %arg7[%get3A_211] {strides = array<i32>} : memref<25616xi32, #tpu.memory_space<vmem>>, vector<16xi32>,
    %ne3A_213 = arith.constant 0 : i32
    %ne3A_214 = vector.broadcast %ne3A_213 : i32 to vector<16xi32>
    %ne3A_215 = arith.cmpi ne, %get3A_212, %ne3A_214 : vector<16xi32>
    %ne3A_216 = arith.constant 0 : i32
    %ne3A_217 = vector.broadcast %ne3A_216 : i32 to vector<16xi32>
    %ne3A_218 = arith.cmpi ne, %get3A_210, %ne3A_217 : vector<16xi32>
    %and3A_219 = arith.andi %ne3A_215, %ne3A_218 : vector<16xi1>
    %swap3A_220 = arith.index_cast %add3A_202 : i32 to index
    %swap3A_221 = tpu.vector_load %arg8[%swap3A_220] masked %and3A_219 {strides = array<i32>} : memref<216xi32, #tpu.memory_space<vmem>>, vector<16xi32>, vector<16xi1>
    tpu.vector_store %arg8[%swap3A_220], %get3A_210 masked %and3A_219 {strides = array<i32>} : memref<216xi32, #tpu.memory_space<vmem>>, vector<16xi32>, vector<16xi1>
    %all_reduce_population_count3A_222 = tpu.all_reduce %and3A_219 {dim = 0 : i64, kind = #tpu.reduction_kind<sum>} : vector<16xi1> -> vector<16xi32>
    %slice3A_223 = vector.extract_strided_slice %all_reduce_population_count3A_222 {offsets = [0], sizes = [1], strides = [1]} : vector<16xi32> to vector<1xi32>
    %squeeze3A_224 = vector.extract %slice3A_223[0] : i32 from vector<1xi32>
    %add3A_225 = arith.addi %add3A_202, %squeeze3A_224 : i32
    %jit3A_226 = arith.constant 1 : i32
    %jit3A_227 = arith.constant 0 : i32
    %broadcast_in_dim3A_228 = vector.broadcast %jit3A_226 : i32 to vector<16xi32>
    %broadcast_in_dim3A_229 = vector.broadcast %jit3A_227 : i32 to vector<16xi32>
    %select_n3A_230 = arith.select %ne3A_215, %broadcast_in_dim3A_228, %broadcast_in_dim3A_229 : vector<16xi1>, vector<16xi32>
    %add3A_231 = arith.addi %add3A_208, %select_n3A_230 : vector<16xi32>
    %get3A_232 = arith.constant 80 : index
    %get3A_233 = tpu.vector_load %arg6[%get3A_232] {strides = array<i32>} : memref<25616xi32, #tpu.memory_space<vmem>>, vector<16xi32>,
    %get3A_234 = arith.constant 80 : index
    %get3A_235 = tpu.vector_load %arg7[%get3A_234] {strides = array<i32>} : memref<25616xi32, #tpu.memory_space<vmem>>, vector<16xi32>,
    %ne3A_236 = arith.constant 0 : i32
    %ne3A_237 = vector.broadcast %ne3A_236 : i32 to vector<16xi32>
    %ne3A_238 = arith.cmpi ne, %get3A_235, %ne3A_237 : vector<16xi32>
    %ne3A_239 = arith.constant 0 : i32
    %ne3A_240 = vector.broadcast %ne3A_239 : i32 to vector<16xi32>
    %ne3A_241 = arith.cmpi ne, %get3A_233, %ne3A_240 : vector<16xi32>
    %and3A_242 = arith.andi %ne3A_238, %ne3A_241 : vector<16xi1>
    %swap3A_243 = arith.index_cast %add3A_225 : i32 to index
    %swap3A_244 = tpu.vector_load %arg8[%swap3A_243] masked %and3A_242 {strides = array<i32>} : memref<216xi32, #tpu.memory_space<vmem>>, vector<16xi32>, vector<16xi1>
    tpu.vector_store %arg8[%swap3A_243], %get3A_233 masked %and3A_242 {strides = array<i32>} : memref<216xi32, #tpu.memory_space<vmem>>, vector<16xi32>, vector<16xi1>
    %all_reduce_population_count3A_245 = tpu.all_reduce %and3A_242 {dim = 0 : i64, kind = #tpu.reduction_kind<sum>} : vector<16xi1> -> vector<16xi32>
    %slice3A_246 = vector.extract_strided_slice %all_reduce_population_count3A_245 {offsets = [0], sizes = [1], strides = [1]} : vector<16xi32> to vector<1xi32>
    %squeeze3A_247 = vector.extract %slice3A_246[0] : i32 from vector<1xi32>
    %add3A_248 = arith.addi %add3A_225, %squeeze3A_247 : i32
    %jit3A_249 = arith.constant 1 : i32
    %jit3A_250 = arith.constant 0 : i32
    %broadcast_in_dim3A_251 = vector.broadcast %jit3A_249 : i32 to vector<16xi32>
    %broadcast_in_dim3A_252 = vector.broadcast %jit3A_250 : i32 to vector<16xi32>
    %select_n3A_253 = arith.select %ne3A_238, %broadcast_in_dim3A_251, %broadcast_in_dim3A_252 : vector<16xi1>, vector<16xi32>
    %add3A_254 = arith.addi %add3A_231, %select_n3A_253 : vector<16xi32>
    %get3A_255 = arith.constant 96 : index
    %get3A_256 = tpu.vector_load %arg6[%get3A_255] {strides = array<i32>} : memref<25616xi32, #tpu.memory_space<vmem>>, vector<16xi32>,
    %get3A_257 = arith.constant 96 : index
    %get3A_258 = tpu.vector_load %arg7[%get3A_257] {strides = array<i32>} : memref<25616xi32, #tpu.memory_space<vmem>>, vector<16xi32>,
    %ne3A_259 = arith.constant 0 : i32
    %ne3A_260 = vector.broadcast %ne3A_259 : i32 to vector<16xi32>
    %ne3A_261 = arith.cmpi ne, %get3A_258, %ne3A_260 : vector<16xi32>
    %ne3A_262 = arith.constant 0 : i32
    %ne3A_263 = vector.broadcast %ne3A_262 : i32 to vector<16xi32>
    %ne3A_264 = arith.cmpi ne, %get3A_256, %ne3A_263 : vector<16xi32>
    %and3A_265 = arith.andi %ne3A_261, %ne3A_264 : vector<16xi1>
    %swap3A_266 = arith.index_cast %add3A_248 : i32 to index
    %swap3A_267 = tpu.vector_load %arg8[%swap3A_266] masked %and3A_265 {strides = array<i32>} : memref<216xi32, #tpu.memory_space<vmem>>, vector<16xi32>, vector<16xi1>
    tpu.vector_store %arg8[%swap3A_266], %get3A_256 masked %and3A_265 {strides = array<i32>} : memref<216xi32, #tpu.memory_space<vmem>>, vector<16xi32>, vector<16xi1>
    %all_reduce_population_count3A_268 = tpu.all_reduce %and3A_265 {dim = 0 : i64, kind = #tpu.reduction_kind<sum>} : vector<16xi1> -> vector<16xi32>
    %slice3A_269 = vector.extract_strided_slice %all_reduce_population_count3A_268 {offsets = [0], sizes = [1], strides = [1]} : vector<16xi32> to vector<1xi32>
    %squeeze3A_270 = vector.extract %slice3A_269[0] : i32 from vector<1xi32>
    %add3A_271 = arith.addi %add3A_248, %squeeze3A_270 : i32
    %jit3A_272 = arith.constant 1 : i32
    %jit3A_273 = arith.constant 0 : i32
    %broadcast_in_dim3A_274 = vector.broadcast %jit3A_272 : i32 to vector<16xi32>
    %broadcast_in_dim3A_275 = vector.broadcast %jit3A_273 : i32 to vector<16xi32>
    %select_n3A_276 = arith.select %ne3A_261, %broadcast_in_dim3A_274, %broadcast_in_dim3A_275 : vector<16xi1>, vector<16xi32>
    %add3A_277 = arith.addi %add3A_254, %select_n3A_276 : vector<16xi32>
    %get3A_278 = arith.constant 112 : index
    %get3A_279 = tpu.vector_load %arg6[%get3A_278] {strides = array<i32>} : memref<25616xi32, #tpu.memory_space<vmem>>, vector<16xi32>,
    %get3A_280 = arith.constant 112 : index
    %get3A_281 = tpu.vector_load %arg7[%get3A_280] {strides = array<i32>} : memref<25616xi32, #tpu.memory_space<vmem>>, vector<16xi32>,
    %ne3A_282 = arith.constant 0 : i32
    %ne3A_283 = vector.broadcast %ne3A_282 : i32 to vector<16xi32>
    %ne3A_284 = arith.cmpi ne, %get3A_281, %ne3A_283 : vector<16xi32>
    %ne3A_285 = arith.constant 0 : i32
    %ne3A_286 = vector.broadcast %ne3A_285 : i32 to vector<16xi32>
    %ne3A_287 = arith.cmpi ne, %get3A_279, %ne3A_286 : vector<16xi32>
    %and3A_288 = arith.andi %ne3A_284, %ne3A_287 : vector<16xi1>
    %swap3A_289 = arith.index_cast %add3A_271 : i32 to index
    %swap3A_290 = tpu.vector_load %arg8[%swap3A_289] masked %and3A_288 {strides = array<i32>} : memref<216xi32, #tpu.memory_space<vmem>>, vector<16xi32>, vector<16xi1>
    tpu.vector_store %arg8[%swap3A_289], %get3A_279 masked %and3A_288 {strides = array<i32>} : memref<216xi32, #tpu.memory_space<vmem>>, vector<16xi32>, vector<16xi1>
    %all_reduce_population_count3A_291 = tpu.all_reduce %and3A_288 {dim = 0 : i64, kind = #tpu.reduction_kind<sum>} : vector<16xi1> -> vector<16xi32>
    %slice3A_292 = vector.extract_strided_slice %all_reduce_population_count3A_291 {offsets = [0], sizes = [1], strides = [1]} : vector<16xi32> to vector<1xi32>
    %squeeze3A_293 = vector.extract %slice3A_292[0] : i32 from vector<1xi32>
    %add3A_294 = arith.addi %add3A_271, %squeeze3A_293 : i32
    %jit3A_295 = arith.constant 1 : i32
    %jit3A_296 = arith.constant 0 : i32
    %broadcast_in_dim3A_297 = vector.broadcast %jit3A_295 : i32 to vector<16xi32>
    %broadcast_in_dim3A_298 = vector.broadcast %jit3A_296 : i32 to vector<16xi32>
    %select_n3A_299 = arith.select %ne3A_284, %broadcast_in_dim3A_297, %broadcast_in_dim3A_298 : vector<16xi1>, vector<16xi32>
    %add3A_300 = arith.addi %add3A_277, %select_n3A_299 : vector<16xi32>
    %get3A_301 = arith.constant 128 : index
    %get3A_302 = tpu.vector_load %arg6[%get3A_301] {strides = array<i32>} : memref<25616xi32, #tpu.memory_space<vmem>>, vector<16xi32>,
    %get3A_303 = arith.constant 128 : index
    %get3A_304 = tpu.vector_load %arg7[%get3A_303] {strides = array<i32>} : memref<25616xi32, #tpu.memory_space<vmem>>, vector<16xi32>,
    %ne3A_305 = arith.constant 0 : i32
    %ne3A_306 = vector.broadcast %ne3A_305 : i32 to vector<16xi32>
    %ne3A_307 = arith.cmpi ne, %get3A_304, %ne3A_306 : vector<16xi32>
    %ne3A_308 = arith.constant 0 : i32
    %ne3A_309 = vector.broadcast %ne3A_308 : i32 to vector<16xi32>
    %ne3A_310 = arith.cmpi ne, %get3A_302, %ne3A_309 : vector<16xi32>
    %and3A_311 = arith.andi %ne3A_307, %ne3A_310 : vector<16xi1>
    %swap3A_312 = arith.index_cast %add3A_294 : i32 to index
    %swap3A_313 = tpu.vector_load %arg8[%swap3A_312] masked %and3A_311 {strides = array<i32>} : memref<216xi32, #tpu.memory_space<vmem>>, vector<16xi32>, vector<16xi1>
    tpu.vector_store %arg8[%swap3A_312], %get3A_302 masked %and3A_311 {strides = array<i32>} : memref<216xi32, #tpu.memory_space<vmem>>, vector<16xi32>, vector<16xi1>
    %all_reduce_population_count3A_314 = tpu.all_reduce %and3A_311 {dim = 0 : i64, kind = #tpu.reduction_kind<sum>} : vector<16xi1> -> vector<16xi32>
    %slice3A_315 = vector.extract_strided_slice %all_reduce_population_count3A_314 {offsets = [0], sizes = [1], strides = [1]} : vector<16xi32> to vector<1xi32>
    %squeeze3A_316 = vector.extract %slice3A_315[0] : i32 from vector<1xi32>
    %add3A_317 = arith.addi %add3A_294, %squeeze3A_316 : i32
    %jit3A_318 = arith.constant 1 : i32
    %jit3A_319 = arith.constant 0 : i32
    %broadcast_in_dim3A_320 = vector.broadcast %jit3A_318 : i32 to vector<16xi32>
    %broadcast_in_dim3A_321 = vector.broadcast %jit3A_319 : i32 to vector<16xi32>
    %select_n3A_322 = arith.select %ne3A_307, %broadcast_in_dim3A_320, %broadcast_in_dim3A_321 : vector<16xi1>, vector<16xi32>
    %add3A_323 = arith.addi %add3A_300, %select_n3A_322 : vector<16xi32>
    %get3A_324 = arith.constant 144 : index
    %get3A_325 = tpu.vector_load %arg6[%get3A_324] {strides = array<i32>} : memref<25616xi32, #tpu.memory_space<vmem>>, vector<16xi32>,
    %get3A_326 = arith.constant 144 : index
    %get3A_327 = tpu.vector_load %arg7[%get3A_326] {strides = array<i32>} : memref<25616xi32, #tpu.memory_space<vmem>>, vector<16xi32>,
    %ne3A_328 = arith.constant 0 : i32
    %ne3A_329 = vector.broadcast %ne3A_328 : i32 to vector<16xi32>
    %ne3A_330 = arith.cmpi ne, %get3A_327, %ne3A_329 : vector<16xi32>
    %ne3A_331 = arith.constant 0 : i32
    %ne3A_332 = vector.broadcast %ne3A_331 : i32 to vector<16xi32>
    %ne3A_333 = arith.cmpi ne, %get3A_325, %ne3A_332 : vector<16xi32>
    %and3A_334 = arith.andi %ne3A_330, %ne3A_333 : vector<16xi1>
    %swap3A_335 = arith.index_cast %add3A_317 : i32 to index
    %swap3A_336 = tpu.vector_load %arg8[%swap3A_335] masked %and3A_334 {strides = array<i32>} : memref<216xi32, #tpu.memory_space<vmem>>, vector<16xi32>, vector<16xi1>
    tpu.vector_store %arg8[%swap3A_335], %get3A_325 masked %and3A_334 {strides = array<i32>} : memref<216xi32, #tpu.memory_space<vmem>>, vector<16xi32>, vector<16xi1>
    %all_reduce_population_count3A_337 = tpu.all_reduce %and3A_334 {dim = 0 : i64, kind = #tpu.reduction_kind<sum>} : vector<16xi1> -> vector<16xi32>
    %slice3A_338 = vector.extract_strided_slice %all_reduce_population_count3A_337 {offsets = [0], sizes = [1], strides = [1]} : vector<16xi32> to vector<1xi32>
    %squeeze3A_339 = vector.extract %slice3A_338[0] : i32 from vector<1xi32>
    %add3A_340 = arith.addi %add3A_317, %squeeze3A_339 : i32
    %jit3A_341 = arith.constant 1 : i32
    %jit3A_342 = arith.constant 0 : i32
    %broadcast_in_dim3A_343 = vector.broadcast %jit3A_341 : i32 to vector<16xi32>
    %broadcast_in_dim3A_344 = vector.broadcast %jit3A_342 : i32 to vector<16xi32>
    %select_n3A_345 = arith.select %ne3A_330, %broadcast_in_dim3A_343, %broadcast_in_dim3A_344 : vector<16xi1>, vector<16xi32>
    %add3A_346 = arith.addi %add3A_323, %select_n3A_345 : vector<16xi32>
    %get3A_347 = arith.constant 160 : index
    %get3A_348 = tpu.vector_load %arg6[%get3A_347] {strides = array<i32>} : memref<25616xi32, #tpu.memory_space<vmem>>, vector<16xi32>,
    %get3A_349 = arith.constant 160 : index
    %get3A_350 = tpu.vector_load %arg7[%get3A_349] {strides = array<i32>} : memref<25616xi32, #tpu.memory_space<vmem>>, vector<16xi32>,
    %ne3A_351 = arith.constant 0 : i32
    %ne3A_352 = vector.broadcast %ne3A_351 : i32 to vector<16xi32>
    %ne3A_353 = arith.cmpi ne, %get3A_350, %ne3A_352 : vector<16xi32>
    %ne3A_354 = arith.constant 0 : i32
    %ne3A_355 = vector.broadcast %ne3A_354 : i32 to vector<16xi32>
    %ne3A_356 = arith.cmpi ne, %get3A_348, %ne3A_355 : vector<16xi32>
    %and3A_357 = arith.andi %ne3A_353, %ne3A_356 : vector<16xi1>
    %swap3A_358 = arith.index_cast %add3A_340 : i32 to index
    %swap3A_359 = tpu.vector_load %arg8[%swap3A_358] masked %and3A_357 {strides = array<i32>} : memref<216xi32, #tpu.memory_space<vmem>>, vector<16xi32>, vector<16xi1>
    tpu.vector_store %arg8[%swap3A_358], %get3A_348 masked %and3A_357 {strides = array<i32>} : memref<216xi32, #tpu.memory_space<vmem>>, vector<16xi32>, vector<16xi1>
    %all_reduce_population_count3A_360 = tpu.all_reduce %and3A_357 {dim = 0 : i64, kind = #tpu.reduction_kind<sum>} : vector<16xi1> -> vector<16xi32>
    %slice3A_361 = vector.extract_strided_slice %all_reduce_population_count3A_360 {offsets = [0], sizes = [1], strides = [1]} : vector<16xi32> to vector<1xi32>
    %squeeze3A_362 = vector.extract %slice3A_361[0] : i32 from vector<1xi32>
    %add3A_363 = arith.addi %add3A_340, %squeeze3A_362 : i32
    %jit3A_364 = arith.constant 1 : i32
    %jit3A_365 = arith.constant 0 : i32
    %broadcast_in_dim3A_366 = vector.broadcast %jit3A_364 : i32 to vector<16xi32>
    %broadcast_in_dim3A_367 = vector.broadcast %jit3A_365 : i32 to vector<16xi32>
    %select_n3A_368 = arith.select %ne3A_353, %broadcast_in_dim3A_366, %broadcast_in_dim3A_367 : vector<16xi1>, vector<16xi32>
    %add3A_369 = arith.addi %add3A_346, %select_n3A_368 : vector<16xi32>
    %get3A_370 = arith.constant 176 : index
    %get3A_371 = tpu.vector_load %arg6[%get3A_370] {strides = array<i32>} : memref<25616xi32, #tpu.memory_space<vmem>>, vector<16xi32>,
    %get3A_372 = arith.constant 176 : index
    %get3A_373 = tpu.vector_load %arg7[%get3A_372] {strides = array<i32>} : memref<25616xi32, #tpu.memory_space<vmem>>, vector<16xi32>,
    %ne3A_374 = arith.constant 0 : i32
    %ne3A_375 = vector.broadcast %ne3A_374 : i32 to vector<16xi32>
    %ne3A_376 = arith.cmpi ne, %get3A_373, %ne3A_375 : vector<16xi32>
    %ne3A_377 = arith.constant 0 : i32
    %ne3A_378 = vector.broadcast %ne3A_377 : i32 to vector<16xi32>
    %ne3A_379 = arith.cmpi ne, %get3A_371, %ne3A_378 : vector<16xi32>
    %and3A_380 = arith.andi %ne3A_376, %ne3A_379 : vector<16xi1>
    %swap3A_381 = arith.index_cast %add3A_363 : i32 to index
    %swap3A_382 = tpu.vector_load %arg8[%swap3A_381] masked %and3A_380 {strides = array<i32>} : memref<216xi32, #tpu.memory_space<vmem>>, vector<16xi32>, vector<16xi1>
    tpu.vector_store %arg8[%swap3A_381], %get3A_371 masked %and3A_380 {strides = array<i32>} : memref<216xi32, #tpu.memory_space<vmem>>, vector<16xi32>, vector<16xi1>
    %all_reduce_population_count3A_383 = tpu.all_reduce %and3A_380 {dim = 0 : i64, kind = #tpu.reduction_kind<sum>} : vector<16xi1> -> vector<16xi32>
    %slice3A_384 = vector.extract_strided_slice %all_reduce_population_count3A_383 {offsets = [0], sizes = [1], strides = [1]} : vector<16xi32> to vector<1xi32>
    %squeeze3A_385 = vector.extract %slice3A_384[0] : i32 from vector<1xi32>
    %add3A_386 = arith.addi %add3A_363, %squeeze3A_385 : i32
    %jit3A_387 = arith.constant 1 : i32
    %jit3A_388 = arith.constant 0 : i32
    %broadcast_in_dim3A_389 = vector.broadcast %jit3A_387 : i32 to vector<16xi32>
    %broadcast_in_dim3A_390 = vector.broadcast %jit3A_388 : i32 to vector<16xi32>
    %select_n3A_391 = arith.select %ne3A_376, %broadcast_in_dim3A_389, %broadcast_in_dim3A_390 : vector<16xi1>, vector<16xi32>
    %add3A_392 = arith.addi %add3A_369, %select_n3A_391 : vector<16xi32>
    %get3A_393 = arith.constant 192 : index
    %get3A_394 = tpu.vector_load %arg6[%get3A_393] {strides = array<i32>} : memref<25616xi32, #tpu.memory_space<vmem>>, vector<16xi32>,
    %get3A_395 = arith.constant 192 : index
    %get3A_396 = tpu.vector_load %arg7[%get3A_395] {strides = array<i32>} : memref<25616xi32, #tpu.memory_space<vmem>>, vector<16xi32>,
    %ne3A_397 = arith.constant 0 : i32
    %ne3A_398 = vector.broadcast %ne3A_397 : i32 to vector<16xi32>
    %ne3A_399 = arith.cmpi ne, %get3A_396, %ne3A_398 : vector<16xi32>
    %lt3A = arith.constant 8 : i32
    %lt3A_400 = vector.broadcast %lt3A : i32 to vector<16xi32>
    %lt3A_401 = arith.cmpi slt, %iota3A, %lt3A_400 : vector<16xi32>
    %and3A_402 = arith.andi %ne3A_399, %lt3A_401 : vector<16xi1>
    %ne3A_403 = arith.constant 0 : i32
    %ne3A_404 = vector.broadcast %ne3A_403 : i32 to vector<16xi32>
    %ne3A_405 = arith.cmpi ne, %get3A_394, %ne3A_404 : vector<16xi32>
    %and3A_406 = arith.andi %and3A_402, %ne3A_405 : vector<16xi1>
    %swap3A_407 = arith.index_cast %add3A_386 : i32 to index
    %swap3A_408 = tpu.vector_load %arg8[%swap3A_407] masked %and3A_406 {strides = array<i32>} : memref<216xi32, #tpu.memory_space<vmem>>, vector<16xi32>, vector<16xi1>
    tpu.vector_store %arg8[%swap3A_407], %get3A_394 masked %and3A_406 {strides = array<i32>} : memref<216xi32, #tpu.memory_space<vmem>>, vector<16xi32>, vector<16xi1>
    %all_reduce_population_count3A_409 = tpu.all_reduce %and3A_406 {dim = 0 : i64, kind = #tpu.reduction_kind<sum>} : vector<16xi1> -> vector<16xi32>
    %slice3A_410 = vector.extract_strided_slice %all_reduce_population_count3A_409 {offsets = [0], sizes = [1], strides = [1]} : vector<16xi32> to vector<1xi32>
    %squeeze3A_411 = vector.extract %slice3A_410[0] : i32 from vector<1xi32>
    %add3A_412 = arith.addi %add3A_386, %squeeze3A_411 : i32
    %jit3A_413 = arith.constant 1 : i32
    %jit3A_414 = arith.constant 0 : i32
    %broadcast_in_dim3A_415 = vector.broadcast %jit3A_413 : i32 to vector<16xi32>
    %broadcast_in_dim3A_416 = vector.broadcast %jit3A_414 : i32 to vector<16xi32>
    %select_n3A_417 = arith.select %and3A_402, %broadcast_in_dim3A_415, %broadcast_in_dim3A_416 : vector<16xi1>, vector<16xi32>
    %add3A_418 = arith.addi %add3A_392, %select_n3A_417 : vector<16xi32>
    %reduce_sum3A = arith.constant true
    %reduce_sum3A_419 = vector.broadcast %reduce_sum3A : i1 to vector<16xi1>
    %reduce_sum3A_420 = tpu.scan <sum>, %add3A_418 masked %reduce_sum3A_419 : vector<16xi32>, vector<16xi1> -> vector<16xi32>
    %reduce_sum3A_421 = vector.extract %reduce_sum3A_420[15] : i32 from vector<16xi32>
    %add3A_422 = arith.constant 7 : i32
    %add3A_423 = arith.addi %add3A_412, %add3A_422 : i32
    %shift_right_arithmetic3A = arith.constant 3 : i32
    %shift_right_arithmetic3A_424 = arith.shrsi %add3A_423, %shift_right_arithmetic3A : i32
    %while3A = arith.constant 0 : i32
    %while3A_425 = arith.constant 0 : i32
    %while3A_426 = arith.subi %shift_right_arithmetic3A_424, %while3A : i32
    %while3A_427 = arith.addi %while3A, %while3A_426 : i32
    %while3A_428 = arith.constant 1 : i32
    %while3A_429 = arith.divsi %while3A_426, %while3A_428 : i32
    %while3A_430 = arith.muli %while3A_429, %while3A_428 : i32
    %while3A_431 = arith.addi %while3A, %while3A_430 : i32
    %while3A_432 = arith.constant 1 : i32
    %while3A_433 = scf.for %while3A_455 = %while3A to %while3A_431 step %while3A_432 iter_args(%while3A_456 = %while3A_425) -> (i32)  : i32 {
      %mul3A_457 = arith.constant 8 : i32
      %mul3A_458 = arith.muli %while3A_455, %mul3A_457 : i32
      %mul3A_459 = arith.constant 8 : i32
      %mul3A_460 = arith.muli %while3A_455, %mul3A_459 : i32
      %dma_start3A = arith.constant 0 : i32
      %dma_start3A_461 = tpu.memref_slice %arg10[%mul3A_460, %dma_start3A] : memref<200x128xf32, #tpu.memory_space<vmem>> -> memref<8x128xf32, #tpu.memory_space<vmem>>
      %dma_start3A_462 = tpu.memref_slice %arg8[%mul3A_458] : memref<216xi32, #tpu.memory_space<vmem>> -> memref<8xi32, #tpu.memory_space<vmem>>
      %dma_start3A_463 = arith.constant 0 : i32
      %dma_start3A_464 = arith.constant 0 : i32
      %dma_start3A_465 = tpu.memref_slice %arg4[%dma_start3A_463, %dma_start3A_464] : memref<1000000x128xf32, #tpu.memory_space<hbm>> -> memref<1000000x128xf32, #tpu.memory_space<hbm>>
      tpu.enqueue_indirect_dma source(%dma_start3A_465 : memref<1000000x128xf32, #tpu.memory_space<hbm>>) target(%dma_start3A_461 : memref<8x128xf32, #tpu.memory_space<vmem>>) offsets(%dma_start3A_462 : memref<8xi32, #tpu.memory_space<vmem>>) semaphore(%arg13 : memref<!tpu.dma_semaphore, #tpu.memory_space<semaphore_mem>>)
      %while3A_466 = arith.constant 0 : i32
      scf.yield %while3A_466 : i32
    }
    %while3A_434 = arith.constant 1 : i32
    %while3A_435 = scf.for %while3A_455 = %while3A_431 to %while3A_427 step %while3A_434 iter_args(%while3A_456 = %while3A_433) -> (i32)  : i32 {
      %mul3A_457 = arith.constant 8 : i32
      %mul3A_458 = arith.muli %while3A_455, %mul3A_457 : i32
      %mul3A_459 = arith.constant 8 : i32
      %mul3A_460 = arith.muli %while3A_455, %mul3A_459 : i32
      %dma_start3A = arith.constant 0 : i32
      %dma_start3A_461 = tpu.memref_slice %arg10[%mul3A_460, %dma_start3A] : memref<200x128xf32, #tpu.memory_space<vmem>> -> memref<8x128xf32, #tpu.memory_space<vmem>>
      %dma_start3A_462 = tpu.memref_slice %arg8[%mul3A_458] : memref<216xi32, #tpu.memory_space<vmem>> -> memref<8xi32, #tpu.memory_space<vmem>>
      %dma_start3A_463 = arith.constant 0 : i32
      %dma_start3A_464 = arith.constant 0 : i32
      %dma_start3A_465 = tpu.memref_slice %arg4[%dma_start3A_463, %dma_start3A_464] : memref<1000000x128xf32, #tpu.memory_space<hbm>> -> memref<1000000x128xf32, #tpu.memory_space<hbm>>
      tpu.enqueue_indirect_dma source(%dma_start3A_465 : memref<1000000x128xf32, #tpu.memory_space<hbm>>) target(%dma_start3A_461 : memref<8x128xf32, #tpu.memory_space<vmem>>) offsets(%dma_start3A_462 : memref<8xi32, #tpu.memory_space<vmem>>) semaphore(%arg13 : memref<!tpu.dma_semaphore, #tpu.memory_space<semaphore_mem>>)
      %while3A_466 = arith.constant 0 : i32
      scf.yield %while3A_466 : i32
    }
    %scan3A = arith.constant 0 : i32
    %scan3A_436 = arith.constant 64 : i32
    %scan3A_437 = arith.addi %scan3A, %scan3A_436 : i32
    %scan3A_438 = arith.constant 1 : i32
    %scan3A_439:3 = scf.for %scan3A_455 = %scan3A to %scan3A_437 step %scan3A_438 iter_args(%scan3A_456 = %add3A_412, %scan3A_457 = %reduce_sum3A_421, %scan3A_458 = %shift_right_arithmetic3A_424) -> (i32, i32, i32)  : i32 {
      %mul3A_459 = arith.constant 2 : i32
      %mul3A_460 = arith.muli %mul3A_459, %scan3A_455 : i32
      %add3A_461 = arith.constant 1 : i32
      %add3A_462 = arith.addi %mul3A_460, %add3A_461 : i32
      %mul3A_463 = arith.constant 200 : i32
      %mul3A_464 = arith.muli %add3A_462, %mul3A_463 : i32
      %broadcast_in_dim3A_465 = arith.constant 0 : i32
      %broadcast_in_dim3A_466 = vector.broadcast %broadcast_in_dim3A_465 : i32 to vector<16xi32>
      %add3A_467 = arith.constant 0 : i32
      %add3A_468 = arith.addi %mul3A_464, %add3A_467 : i32
      %get3A_469 = arith.index_cast %add3A_468 : i32 to index
      %get3A_470 = tpu.vector_load %arg6[%get3A_469] {strides = array<i32>} : memref<25616xi32, #tpu.memory_space<vmem>>, vector<16xi32>,
      %add3A_471 = arith.constant 0 : i32
      %add3A_472 = arith.addi %mul3A_464, %add3A_471 : i32
      %get3A_473 = arith.index_cast %add3A_472 : i32 to index
      %get3A_474 = tpu.vector_load %arg7[%get3A_473] {strides = array<i32>} : memref<25616xi32, #tpu.memory_space<vmem>>, vector<16xi32>,
      %ne3A_475 = arith.constant 0 : i32
      %ne3A_476 = vector.broadcast %ne3A_475 : i32 to vector<16xi32>
      %ne3A_477 = arith.cmpi ne, %get3A_474, %ne3A_476 : vector<16xi32>
      %ne3A_478 = arith.constant 0 : i32
      %ne3A_479 = vector.broadcast %ne3A_478 : i32 to vector<16xi32>
      %ne3A_480 = arith.cmpi ne, %get3A_470, %ne3A_479 : vector<16xi32>
      %and3A_481 = arith.andi %ne3A_477, %ne3A_480 : vector<16xi1>
      %swap3A_482 = arith.constant 0 : i32
      %swap3A_483 = arith.index_cast %swap3A_482 : i32 to index
      %swap3A_484 = tpu.vector_load %arg9[%swap3A_483] masked %and3A_481 {strides = array<i32>} : memref<216xi32, #tpu.memory_space<vmem>>, vector<16xi32>, vector<16xi1>
      tpu.vector_store %arg9[%swap3A_483], %get3A_470 masked %and3A_481 {strides = array<i32>} : memref<216xi32, #tpu.memory_space<vmem>>, vector<16xi32>, vector<16xi1>
      %all_reduce_population_count3A_485 = tpu.all_reduce %and3A_481 {dim = 0 : i64, kind = #tpu.reduction_kind<sum>} : vector<16xi1> -> vector<16xi32>
      %slice3A_486 = vector.extract_strided_slice %all_reduce_population_count3A_485 {offsets = [0], sizes = [1], strides = [1]} : vector<16xi32> to vector<1xi32>
      %squeeze3A_487 = vector.extract %slice3A_486[0] : i32 from vector<1xi32>
      %add3A_488 = arith.constant 0 : i32
      %add3A_489 = arith.addi %add3A_488, %squeeze3A_487 : i32
      %jit3A_490 = arith.constant 1 : i32
      %jit3A_491 = arith.constant 0 : i32
      %broadcast_in_dim3A_492 = vector.broadcast %jit3A_490 : i32 to vector<16xi32>
      %broadcast_in_dim3A_493 = vector.broadcast %jit3A_491 : i32 to vector<16xi32>
      %select_n3A_494 = arith.select %ne3A_477, %broadcast_in_dim3A_492, %broadcast_in_dim3A_493 : vector<16xi1>, vector<16xi32>
      %add3A_495 = arith.addi %broadcast_in_dim3A_466, %select_n3A_494 : vector<16xi32>
      %add3A_496 = arith.constant 16 : i32
      %add3A_497 = arith.addi %mul3A_464, %add3A_496 : i32
      %get3A_498 = arith.index_cast %add3A_497 : i32 to index
      %get3A_499 = tpu.vector_load %arg6[%get3A_498] {strides = array<i32>} : memref<25616xi32, #tpu.memory_space<vmem>>, vector<16xi32>,
      %add3A_500 = arith.constant 16 : i32
      %add3A_501 = arith.addi %mul3A_464, %add3A_500 : i32
      %get3A_502 = arith.index_cast %add3A_501 : i32 to index
      %get3A_503 = tpu.vector_load %arg7[%get3A_502] {strides = array<i32>} : memref<25616xi32, #tpu.memory_space<vmem>>, vector<16xi32>,
      %ne3A_504 = arith.constant 0 : i32
      %ne3A_505 = vector.broadcast %ne3A_504 : i32 to vector<16xi32>
      %ne3A_506 = arith.cmpi ne, %get3A_503, %ne3A_505 : vector<16xi32>
      %ne3A_507 = arith.constant 0 : i32
      %ne3A_508 = vector.broadcast %ne3A_507 : i32 to vector<16xi32>
      %ne3A_509 = arith.cmpi ne, %get3A_499, %ne3A_508 : vector<16xi32>
      %and3A_510 = arith.andi %ne3A_506, %ne3A_509 : vector<16xi1>
      %swap3A_511 = arith.index_cast %add3A_489 : i32 to index
      %swap3A_512 = tpu.vector_load %arg9[%swap3A_511] masked %and3A_510 {strides = array<i32>} : memref<216xi32, #tpu.memory_space<vmem>>, vector<16xi32>, vector<16xi1>
      tpu.vector_store %arg9[%swap3A_511], %get3A_499 masked %and3A_510 {strides = array<i32>} : memref<216xi32, #tpu.memory_space<vmem>>, vector<16xi32>, vector<16xi1>
      %all_reduce_population_count3A_513 = tpu.all_reduce %and3A_510 {dim = 0 : i64, kind = #tpu.reduction_kind<sum>} : vector<16xi1> -> vector<16xi32>
      %slice3A_514 = vector.extract_strided_slice %all_reduce_population_count3A_513 {offsets = [0], sizes = [1], strides = [1]} : vector<16xi32> to vector<1xi32>
      %squeeze3A_515 = vector.extract %slice3A_514[0] : i32 from vector<1xi32>
      %add3A_516 = arith.addi %add3A_489, %squeeze3A_515 : i32
      %jit3A_517 = arith.constant 1 : i32
      %jit3A_518 = arith.constant 0 : i32
      %broadcast_in_dim3A_519 = vector.broadcast %jit3A_517 : i32 to vector<16xi32>
      %broadcast_in_dim3A_520 = vector.broadcast %jit3A_518 : i32 to vector<16xi32>
      %select_n3A_521 = arith.select %ne3A_506, %broadcast_in_dim3A_519, %broadcast_in_dim3A_520 : vector<16xi1>, vector<16xi32>
      %add3A_522 = arith.addi %add3A_495, %select_n3A_521 : vector<16xi32>
      %add3A_523 = arith.constant 32 : i32
      %add3A_524 = arith.addi %mul3A_464, %add3A_523 : i32
      %get3A_525 = arith.index_cast %add3A_524 : i32 to index
      %get3A_526 = tpu.vector_load %arg6[%get3A_525] {strides = array<i32>} : memref<25616xi32, #tpu.memory_space<vmem>>, vector<16xi32>,
      %add3A_527 = arith.constant 32 : i32
      %add3A_528 = arith.addi %mul3A_464, %add3A_527 : i32
      %get3A_529 = arith.index_cast %add3A_528 : i32 to index
      %get3A_530 = tpu.vector_load %arg7[%get3A_529] {strides = array<i32>} : memref<25616xi32, #tpu.memory_space<vmem>>, vector<16xi32>,
      %ne3A_531 = arith.constant 0 : i32
      %ne3A_532 = vector.broadcast %ne3A_531 : i32 to vector<16xi32>
      %ne3A_533 = arith.cmpi ne, %get3A_530, %ne3A_532 : vector<16xi32>
      %ne3A_534 = arith.constant 0 : i32
      %ne3A_535 = vector.broadcast %ne3A_534 : i32 to vector<16xi32>
      %ne3A_536 = arith.cmpi ne, %get3A_526, %ne3A_535 : vector<16xi32>
      %and3A_537 = arith.andi %ne3A_533, %ne3A_536 : vector<16xi1>
      %swap3A_538 = arith.index_cast %add3A_516 : i32 to index
      %swap3A_539 = tpu.vector_load %arg9[%swap3A_538] masked %and3A_537 {strides = array<i32>} : memref<216xi32, #tpu.memory_space<vmem>>, vector<16xi32>, vector<16xi1>
      tpu.vector_store %arg9[%swap3A_538], %get3A_526 masked %and3A_537 {strides = array<i32>} : memref<216xi32, #tpu.memory_space<vmem>>, vector<16xi32>, vector<16xi1>
      %all_reduce_population_count3A_540 = tpu.all_reduce %and3A_537 {dim = 0 : i64, kind = #tpu.reduction_kind<sum>} : vector<16xi1> -> vector<16xi32>
      %slice3A_541 = vector.extract_strided_slice %all_reduce_population_count3A_540 {offsets = [0], sizes = [1], strides = [1]} : vector<16xi32> to vector<1xi32>
      %squeeze3A_542 = vector.extract %slice3A_541[0] : i32 from vector<1xi32>
      %add3A_543 = arith.addi %add3A_516, %squeeze3A_542 : i32
      %jit3A_544 = arith.constant 1 : i32
      %jit3A_545 = arith.constant 0 : i32
      %broadcast_in_dim3A_546 = vector.broadcast %jit3A_544 : i32 to vector<16xi32>
      %broadcast_in_dim3A_547 = vector.broadcast %jit3A_545 : i32 to vector<16xi32>
      %select_n3A_548 = arith.select %ne3A_533, %broadcast_in_dim3A_546, %broadcast_in_dim3A_547 : vector<16xi1>, vector<16xi32>
      %add3A_549 = arith.addi %add3A_522, %select_n3A_548 : vector<16xi32>
      %add3A_550 = arith.constant 48 : i32
      %add3A_551 = arith.addi %mul3A_464, %add3A_550 : i32
      %get3A_552 = arith.index_cast %add3A_551 : i32 to index
      %get3A_553 = tpu.vector_load %arg6[%get3A_552] {strides = array<i32>} : memref<25616xi32, #tpu.memory_space<vmem>>, vector<16xi32>,
      %add3A_554 = arith.constant 48 : i32
      %add3A_555 = arith.addi %mul3A_464, %add3A_554 : i32
      %get3A_556 = arith.index_cast %add3A_555 : i32 to index
      %get3A_557 = tpu.vector_load %arg7[%get3A_556] {strides = array<i32>} : memref<25616xi32, #tpu.memory_space<vmem>>, vector<16xi32>,
      %ne3A_558 = arith.constant 0 : i32
      %ne3A_559 = vector.broadcast %ne3A_558 : i32 to vector<16xi32>
      %ne3A_560 = arith.cmpi ne, %get3A_557, %ne3A_559 : vector<16xi32>
      %ne3A_561 = arith.constant 0 : i32
      %ne3A_562 = vector.broadcast %ne3A_561 : i32 to vector<16xi32>
      %ne3A_563 = arith.cmpi ne, %get3A_553, %ne3A_562 : vector<16xi32>
      %and3A_564 = arith.andi %ne3A_560, %ne3A_563 : vector<16xi1>
      %swap3A_565 = arith.index_cast %add3A_543 : i32 to index
      %swap3A_566 = tpu.vector_load %arg9[%swap3A_565] masked %and3A_564 {strides = array<i32>} : memref<216xi32, #tpu.memory_space<vmem>>, vector<16xi32>, vector<16xi1>
      tpu.vector_store %arg9[%swap3A_565], %get3A_553 masked %and3A_564 {strides = array<i32>} : memref<216xi32, #tpu.memory_space<vmem>>, vector<16xi32>, vector<16xi1>
      %all_reduce_population_count3A_567 = tpu.all_reduce %and3A_564 {dim = 0 : i64, kind = #tpu.reduction_kind<sum>} : vector<16xi1> -> vector<16xi32>
      %slice3A_568 = vector.extract_strided_slice %all_reduce_population_count3A_567 {offsets = [0], sizes = [1], strides = [1]} : vector<16xi32> to vector<1xi32>
      %squeeze3A_569 = vector.extract %slice3A_568[0] : i32 from vector<1xi32>
      %add3A_570 = arith.addi %add3A_543, %squeeze3A_569 : i32
      %jit3A_571 = arith.constant 1 : i32
      %jit3A_572 = arith.constant 0 : i32
      %broadcast_in_dim3A_573 = vector.broadcast %jit3A_571 : i32 to vector<16xi32>
      %broadcast_in_dim3A_574 = vector.broadcast %jit3A_572 : i32 to vector<16xi32>
      %select_n3A_575 = arith.select %ne3A_560, %broadcast_in_dim3A_573, %broadcast_in_dim3A_574 : vector<16xi1>, vector<16xi32>
      %add3A_576 = arith.addi %add3A_549, %select_n3A_575 : vector<16xi32>
      %add3A_577 = arith.constant 64 : i32
      %add3A_578 = arith.addi %mul3A_464, %add3A_577 : i32
      %get3A_579 = arith.index_cast %add3A_578 : i32 to index
      %get3A_580 = tpu.vector_load %arg6[%get3A_579] {strides = array<i32>} : memref<25616xi32, #tpu.memory_space<vmem>>, vector<16xi32>,
      %add3A_581 = arith.constant 64 : i32
      %add3A_582 = arith.addi %mul3A_464, %add3A_581 : i32
      %get3A_583 = arith.index_cast %add3A_582 : i32 to index
      %get3A_584 = tpu.vector_load %arg7[%get3A_583] {strides = array<i32>} : memref<25616xi32, #tpu.memory_space<vmem>>, vector<16xi32>,
      %ne3A_585 = arith.constant 0 : i32
      %ne3A_586 = vector.broadcast %ne3A_585 : i32 to vector<16xi32>
      %ne3A_587 = arith.cmpi ne, %get3A_584, %ne3A_586 : vector<16xi32>
      %ne3A_588 = arith.constant 0 : i32
      %ne3A_589 = vector.broadcast %ne3A_588 : i32 to vector<16xi32>
      %ne3A_590 = arith.cmpi ne, %get3A_580, %ne3A_589 : vector<16xi32>
      %and3A_591 = arith.andi %ne3A_587, %ne3A_590 : vector<16xi1>
      %swap3A_592 = arith.index_cast %add3A_570 : i32 to index
      %swap3A_593 = tpu.vector_load %arg9[%swap3A_592] masked %and3A_591 {strides = array<i32>} : memref<216xi32, #tpu.memory_space<vmem>>, vector<16xi32>, vector<16xi1>
      tpu.vector_store %arg9[%swap3A_592], %get3A_580 masked %and3A_591 {strides = array<i32>} : memref<216xi32, #tpu.memory_space<vmem>>, vector<16xi32>, vector<16xi1>
      %all_reduce_population_count3A_594 = tpu.all_reduce %and3A_591 {dim = 0 : i64, kind = #tpu.reduction_kind<sum>} : vector<16xi1> -> vector<16xi32>
      %slice3A_595 = vector.extract_strided_slice %all_reduce_population_count3A_594 {offsets = [0], sizes = [1], strides = [1]} : vector<16xi32> to vector<1xi32>
      %squeeze3A_596 = vector.extract %slice3A_595[0] : i32 from vector<1xi32>
      %add3A_597 = arith.addi %add3A_570, %squeeze3A_596 : i32
      %jit3A_598 = arith.constant 1 : i32
      %jit3A_599 = arith.constant 0 : i32
      %broadcast_in_dim3A_600 = vector.broadcast %jit3A_598 : i32 to vector<16xi32>
      %broadcast_in_dim3A_601 = vector.broadcast %jit3A_599 : i32 to vector<16xi32>
      %select_n3A_602 = arith.select %ne3A_587, %broadcast_in_dim3A_600, %broadcast_in_dim3A_601 : vector<16xi1>, vector<16xi32>
      %add3A_603 = arith.addi %add3A_576, %select_n3A_602 : vector<16xi32>
      %add3A_604 = arith.constant 80 : i32
      %add3A_605 = arith.addi %mul3A_464, %add3A_604 : i32
      %get3A_606 = arith.index_cast %add3A_605 : i32 to index
      %get3A_607 = tpu.vector_load %arg6[%get3A_606] {strides = array<i32>} : memref<25616xi32, #tpu.memory_space<vmem>>, vector<16xi32>,
      %add3A_608 = arith.constant 80 : i32
      %add3A_609 = arith.addi %mul3A_464, %add3A_608 : i32
      %get3A_610 = arith.index_cast %add3A_609 : i32 to index
      %get3A_611 = tpu.vector_load %arg7[%get3A_610] {strides = array<i32>} : memref<25616xi32, #tpu.memory_space<vmem>>, vector<16xi32>,
      %ne3A_612 = arith.constant 0 : i32
      %ne3A_613 = vector.broadcast %ne3A_612 : i32 to vector<16xi32>
      %ne3A_614 = arith.cmpi ne, %get3A_611, %ne3A_613 : vector<16xi32>
      %ne3A_615 = arith.constant 0 : i32
      %ne3A_616 = vector.broadcast %ne3A_615 : i32 to vector<16xi32>
      %ne3A_617 = arith.cmpi ne, %get3A_607, %ne3A_616 : vector<16xi32>
      %and3A_618 = arith.andi %ne3A_614, %ne3A_617 : vector<16xi1>
      %swap3A_619 = arith.index_cast %add3A_597 : i32 to index
      %swap3A_620 = tpu.vector_load %arg9[%swap3A_619] masked %and3A_618 {strides = array<i32>} : memref<216xi32, #tpu.memory_space<vmem>>, vector<16xi32>, vector<16xi1>
      tpu.vector_store %arg9[%swap3A_619], %get3A_607 masked %and3A_618 {strides = array<i32>} : memref<216xi32, #tpu.memory_space<vmem>>, vector<16xi32>, vector<16xi1>
      %all_reduce_population_count3A_621 = tpu.all_reduce %and3A_618 {dim = 0 : i64, kind = #tpu.reduction_kind<sum>} : vector<16xi1> -> vector<16xi32>
      %slice3A_622 = vector.extract_strided_slice %all_reduce_population_count3A_621 {offsets = [0], sizes = [1], strides = [1]} : vector<16xi32> to vector<1xi32>
      %squeeze3A_623 = vector.extract %slice3A_622[0] : i32 from vector<1xi32>
      %add3A_624 = arith.addi %add3A_597, %squeeze3A_623 : i32
      %jit3A_625 = arith.constant 1 : i32
      %jit3A_626 = arith.constant 0 : i32
      %broadcast_in_dim3A_627 = vector.broadcast %jit3A_625 : i32 to vector<16xi32>
      %broadcast_in_dim3A_628 = vector.broadcast %jit3A_626 : i32 to vector<16xi32>
      %select_n3A_629 = arith.select %ne3A_614, %broadcast_in_dim3A_627, %broadcast_in_dim3A_628 : vector<16xi1>, vector<16xi32>
      %add3A_630 = arith.addi %add3A_603, %select_n3A_629 : vector<16xi32>
      %add3A_631 = arith.constant 96 : i32
      %add3A_632 = arith.addi %mul3A_464, %add3A_631 : i32
      %get3A_633 = arith.index_cast %add3A_632 : i32 to index
      %get3A_634 = tpu.vector_load %arg6[%get3A_633] {strides = array<i32>} : memref<25616xi32, #tpu.memory_space<vmem>>, vector<16xi32>,
      %add3A_635 = arith.constant 96 : i32
      %add3A_636 = arith.addi %mul3A_464, %add3A_635 : i32
      %get3A_637 = arith.index_cast %add3A_636 : i32 to index
      %get3A_638 = tpu.vector_load %arg7[%get3A_637] {strides = array<i32>} : memref<25616xi32, #tpu.memory_space<vmem>>, vector<16xi32>,
      %ne3A_639 = arith.constant 0 : i32
      %ne3A_640 = vector.broadcast %ne3A_639 : i32 to vector<16xi32>
      %ne3A_641 = arith.cmpi ne, %get3A_638, %ne3A_640 : vector<16xi32>
      %ne3A_642 = arith.constant 0 : i32
      %ne3A_643 = vector.broadcast %ne3A_642 : i32 to vector<16xi32>
      %ne3A_644 = arith.cmpi ne, %get3A_634, %ne3A_643 : vector<16xi32>
      %and3A_645 = arith.andi %ne3A_641, %ne3A_644 : vector<16xi1>
      %swap3A_646 = arith.index_cast %add3A_624 : i32 to index
      %swap3A_647 = tpu.vector_load %arg9[%swap3A_646] masked %and3A_645 {strides = array<i32>} : memref<216xi32, #tpu.memory_space<vmem>>, vector<16xi32>, vector<16xi1>
      tpu.vector_store %arg9[%swap3A_646], %get3A_634 masked %and3A_645 {strides = array<i32>} : memref<216xi32, #tpu.memory_space<vmem>>, vector<16xi32>, vector<16xi1>
      %all_reduce_population_count3A_648 = tpu.all_reduce %and3A_645 {dim = 0 : i64, kind = #tpu.reduction_kind<sum>} : vector<16xi1> -> vector<16xi32>
      %slice3A_649 = vector.extract_strided_slice %all_reduce_population_count3A_648 {offsets = [0], sizes = [1], strides = [1]} : vector<16xi32> to vector<1xi32>
      %squeeze3A_650 = vector.extract %slice3A_649[0] : i32 from vector<1xi32>
      %add3A_651 = arith.addi %add3A_624, %squeeze3A_650 : i32
      %jit3A_652 = arith.constant 1 : i32
      %jit3A_653 = arith.constant 0 : i32
      %broadcast_in_dim3A_654 = vector.broadcast %jit3A_652 : i32 to vector<16xi32>
      %broadcast_in_dim3A_655 = vector.broadcast %jit3A_653 : i32 to vector<16xi32>
      %select_n3A_656 = arith.select %ne3A_641, %broadcast_in_dim3A_654, %broadcast_in_dim3A_655 : vector<16xi1>, vector<16xi32>
      %add3A_657 = arith.addi %add3A_630, %select_n3A_656 : vector<16xi32>
      %add3A_658 = arith.constant 112 : i32
      %add3A_659 = arith.addi %mul3A_464, %add3A_658 : i32
      %get3A_660 = arith.index_cast %add3A_659 : i32 to index
      %get3A_661 = tpu.vector_load %arg6[%get3A_660] {strides = array<i32>} : memref<25616xi32, #tpu.memory_space<vmem>>, vector<16xi32>,
      %add3A_662 = arith.constant 112 : i32
      %add3A_663 = arith.addi %mul3A_464, %add3A_662 : i32
      %get3A_664 = arith.index_cast %add3A_663 : i32 to index
      %get3A_665 = tpu.vector_load %arg7[%get3A_664] {strides = array<i32>} : memref<25616xi32, #tpu.memory_space<vmem>>, vector<16xi32>,
      %ne3A_666 = arith.constant 0 : i32
      %ne3A_667 = vector.broadcast %ne3A_666 : i32 to vector<16xi32>
      %ne3A_668 = arith.cmpi ne, %get3A_665, %ne3A_667 : vector<16xi32>
      %ne3A_669 = arith.constant 0 : i32
      %ne3A_670 = vector.broadcast %ne3A_669 : i32 to vector<16xi32>
      %ne3A_671 = arith.cmpi ne, %get3A_661, %ne3A_670 : vector<16xi32>
      %and3A_672 = arith.andi %ne3A_668, %ne3A_671 : vector<16xi1>
      %swap3A_673 = arith.index_cast %add3A_651 : i32 to index
      %swap3A_674 = tpu.vector_load %arg9[%swap3A_673] masked %and3A_672 {strides = array<i32>} : memref<216xi32, #tpu.memory_space<vmem>>, vector<16xi32>, vector<16xi1>
      tpu.vector_store %arg9[%swap3A_673], %get3A_661 masked %and3A_672 {strides = array<i32>} : memref<216xi32, #tpu.memory_space<vmem>>, vector<16xi32>, vector<16xi1>
      %all_reduce_population_count3A_675 = tpu.all_reduce %and3A_672 {dim = 0 : i64, kind = #tpu.reduction_kind<sum>} : vector<16xi1> -> vector<16xi32>
      %slice3A_676 = vector.extract_strided_slice %all_reduce_population_count3A_675 {offsets = [0], sizes = [1], strides = [1]} : vector<16xi32> to vector<1xi32>
      %squeeze3A_677 = vector.extract %slice3A_676[0] : i32 from vector<1xi32>
      %add3A_678 = arith.addi %add3A_651, %squeeze3A_677 : i32
      %jit3A_679 = arith.constant 1 : i32
      %jit3A_680 = arith.constant 0 : i32
      %broadcast_in_dim3A_681 = vector.broadcast %jit3A_679 : i32 to vector<16xi32>
      %broadcast_in_dim3A_682 = vector.broadcast %jit3A_680 : i32 to vector<16xi32>
      %select_n3A_683 = arith.select %ne3A_668, %broadcast_in_dim3A_681, %broadcast_in_dim3A_682 : vector<16xi1>, vector<16xi32>
      %add3A_684 = arith.addi %add3A_657, %select_n3A_683 : vector<16xi32>
      %add3A_685 = arith.constant 128 : i32
      %add3A_686 = arith.addi %mul3A_464, %add3A_685 : i32
      %get3A_687 = arith.index_cast %add3A_686 : i32 to index
      %get3A_688 = tpu.vector_load %arg6[%get3A_687] {strides = array<i32>} : memref<25616xi32, #tpu.memory_space<vmem>>, vector<16xi32>,
      %add3A_689 = arith.constant 128 : i32
      %add3A_690 = arith.addi %mul3A_464, %add3A_689 : i32
      %get3A_691 = arith.index_cast %add3A_690 : i32 to index
      %get3A_692 = tpu.vector_load %arg7[%get3A_691] {strides = array<i32>} : memref<25616xi32, #tpu.memory_space<vmem>>, vector<16xi32>,
      %ne3A_693 = arith.constant 0 : i32
      %ne3A_694 = vector.broadcast %ne3A_693 : i32 to vector<16xi32>
      %ne3A_695 = arith.cmpi ne, %get3A_692, %ne3A_694 : vector<16xi32>
      %ne3A_696 = arith.constant 0 : i32
      %ne3A_697 = vector.broadcast %ne3A_696 : i32 to vector<16xi32>
      %ne3A_698 = arith.cmpi ne, %get3A_688, %ne3A_697 : vector<16xi32>
      %and3A_699 = arith.andi %ne3A_695, %ne3A_698 : vector<16xi1>
      %swap3A_700 = arith.index_cast %add3A_678 : i32 to index
      %swap3A_701 = tpu.vector_load %arg9[%swap3A_700] masked %and3A_699 {strides = array<i32>} : memref<216xi32, #tpu.memory_space<vmem>>, vector<16xi32>, vector<16xi1>
      tpu.vector_store %arg9[%swap3A_700], %get3A_688 masked %and3A_699 {strides = array<i32>} : memref<216xi32, #tpu.memory_space<vmem>>, vector<16xi32>, vector<16xi1>
      %all_reduce_population_count3A_702 = tpu.all_reduce %and3A_699 {dim = 0 : i64, kind = #tpu.reduction_kind<sum>} : vector<16xi1> -> vector<16xi32>
      %slice3A_703 = vector.extract_strided_slice %all_reduce_population_count3A_702 {offsets = [0], sizes = [1], strides = [1]} : vector<16xi32> to vector<1xi32>
      %squeeze3A_704 = vector.extract %slice3A_703[0] : i32 from vector<1xi32>
      %add3A_705 = arith.addi %add3A_678, %squeeze3A_704 : i32
      %jit3A_706 = arith.constant 1 : i32
      %jit3A_707 = arith.constant 0 : i32
      %broadcast_in_dim3A_708 = vector.broadcast %jit3A_706 : i32 to vector<16xi32>
      %broadcast_in_dim3A_709 = vector.broadcast %jit3A_707 : i32 to vector<16xi32>
      %select_n3A_710 = arith.select %ne3A_695, %broadcast_in_dim3A_708, %broadcast_in_dim3A_709 : vector<16xi1>, vector<16xi32>
      %add3A_711 = arith.addi %add3A_684, %select_n3A_710 : vector<16xi32>
      %add3A_712 = arith.constant 144 : i32
      %add3A_713 = arith.addi %mul3A_464, %add3A_712 : i32
      %get3A_714 = arith.index_cast %add3A_713 : i32 to index
      %get3A_715 = tpu.vector_load %arg6[%get3A_714] {strides = array<i32>} : memref<25616xi32, #tpu.memory_space<vmem>>, vector<16xi32>,
      %add3A_716 = arith.constant 144 : i32
      %add3A_717 = arith.addi %mul3A_464, %add3A_716 : i32
      %get3A_718 = arith.index_cast %add3A_717 : i32 to index
      %get3A_719 = tpu.vector_load %arg7[%get3A_718] {strides = array<i32>} : memref<25616xi32, #tpu.memory_space<vmem>>, vector<16xi32>,
      %ne3A_720 = arith.constant 0 : i32
      %ne3A_721 = vector.broadcast %ne3A_720 : i32 to vector<16xi32>
      %ne3A_722 = arith.cmpi ne, %get3A_719, %ne3A_721 : vector<16xi32>
      %ne3A_723 = arith.constant 0 : i32
      %ne3A_724 = vector.broadcast %ne3A_723 : i32 to vector<16xi32>
      %ne3A_725 = arith.cmpi ne, %get3A_715, %ne3A_724 : vector<16xi32>
      %and3A_726 = arith.andi %ne3A_722, %ne3A_725 : vector<16xi1>
      %swap3A_727 = arith.index_cast %add3A_705 : i32 to index
      %swap3A_728 = tpu.vector_load %arg9[%swap3A_727] masked %and3A_726 {strides = array<i32>} : memref<216xi32, #tpu.memory_space<vmem>>, vector<16xi32>, vector<16xi1>
      tpu.vector_store %arg9[%swap3A_727], %get3A_715 masked %and3A_726 {strides = array<i32>} : memref<216xi32, #tpu.memory_space<vmem>>, vector<16xi32>, vector<16xi1>
      %all_reduce_population_count3A_729 = tpu.all_reduce %and3A_726 {dim = 0 : i64, kind = #tpu.reduction_kind<sum>} : vector<16xi1> -> vector<16xi32>
      %slice3A_730 = vector.extract_strided_slice %all_reduce_population_count3A_729 {offsets = [0], sizes = [1], strides = [1]} : vector<16xi32> to vector<1xi32>
      %squeeze3A_731 = vector.extract %slice3A_730[0] : i32 from vector<1xi32>
      %add3A_732 = arith.addi %add3A_705, %squeeze3A_731 : i32
      %jit3A_733 = arith.constant 1 : i32
      %jit3A_734 = arith.constant 0 : i32
      %broadcast_in_dim3A_735 = vector.broadcast %jit3A_733 : i32 to vector<16xi32>
      %broadcast_in_dim3A_736 = vector.broadcast %jit3A_734 : i32 to vector<16xi32>
      %select_n3A_737 = arith.select %ne3A_722, %broadcast_in_dim3A_735, %broadcast_in_dim3A_736 : vector<16xi1>, vector<16xi32>
      %add3A_738 = arith.addi %add3A_711, %select_n3A_737 : vector<16xi32>
      %add3A_739 = arith.constant 160 : i32
      %add3A_740 = arith.addi %mul3A_464, %add3A_739 : i32
      %get3A_741 = arith.index_cast %add3A_740 : i32 to index
      %get3A_742 = tpu.vector_load %arg6[%get3A_741] {strides = array<i32>} : memref<25616xi32, #tpu.memory_space<vmem>>, vector<16xi32>,
      %add3A_743 = arith.constant 160 : i32
      %add3A_744 = arith.addi %mul3A_464, %add3A_743 : i32
      %get3A_745 = arith.index_cast %add3A_744 : i32 to index
      %get3A_746 = tpu.vector_load %arg7[%get3A_745] {strides = array<i32>} : memref<25616xi32, #tpu.memory_space<vmem>>, vector<16xi32>,
      %ne3A_747 = arith.constant 0 : i32
      %ne3A_748 = vector.broadcast %ne3A_747 : i32 to vector<16xi32>
      %ne3A_749 = arith.cmpi ne, %get3A_746, %ne3A_748 : vector<16xi32>
      %ne3A_750 = arith.constant 0 : i32
      %ne3A_751 = vector.broadcast %ne3A_750 : i32 to vector<16xi32>
      %ne3A_752 = arith.cmpi ne, %get3A_742, %ne3A_751 : vector<16xi32>
      %and3A_753 = arith.andi %ne3A_749, %ne3A_752 : vector<16xi1>
      %swap3A_754 = arith.index_cast %add3A_732 : i32 to index
      %swap3A_755 = tpu.vector_load %arg9[%swap3A_754] masked %and3A_753 {strides = array<i32>} : memref<216xi32, #tpu.memory_space<vmem>>, vector<16xi32>, vector<16xi1>
      tpu.vector_store %arg9[%swap3A_754], %get3A_742 masked %and3A_753 {strides = array<i32>} : memref<216xi32, #tpu.memory_space<vmem>>, vector<16xi32>, vector<16xi1>
      %all_reduce_population_count3A_756 = tpu.all_reduce %and3A_753 {dim = 0 : i64, kind = #tpu.reduction_kind<sum>} : vector<16xi1> -> vector<16xi32>
      %slice3A_757 = vector.extract_strided_slice %all_reduce_population_count3A_756 {offsets = [0], sizes = [1], strides = [1]} : vector<16xi32> to vector<1xi32>
      %squeeze3A_758 = vector.extract %slice3A_757[0] : i32 from vector<1xi32>
      %add3A_759 = arith.addi %add3A_732, %squeeze3A_758 : i32
      %jit3A_760 = arith.constant 1 : i32
      %jit3A_761 = arith.constant 0 : i32
      %broadcast_in_dim3A_762 = vector.broadcast %jit3A_760 : i32 to vector<16xi32>
      %broadcast_in_dim3A_763 = vector.broadcast %jit3A_761 : i32 to vector<16xi32>
      %select_n3A_764 = arith.select %ne3A_749, %broadcast_in_dim3A_762, %broadcast_in_dim3A_763 : vector<16xi1>, vector<16xi32>
      %add3A_765 = arith.addi %add3A_738, %select_n3A_764 : vector<16xi32>
      %add3A_766 = arith.constant 176 : i32
      %add3A_767 = arith.addi %mul3A_464, %add3A_766 : i32
      %get3A_768 = arith.index_cast %add3A_767 : i32 to index
      %get3A_769 = tpu.vector_load %arg6[%get3A_768] {strides = array<i32>} : memref<25616xi32, #tpu.memory_space<vmem>>, vector<16xi32>,
      %add3A_770 = arith.constant 176 : i32
      %add3A_771 = arith.addi %mul3A_464, %add3A_770 : i32
      %get3A_772 = arith.index_cast %add3A_771 : i32 to index
      %get3A_773 = tpu.vector_load %arg7[%get3A_772] {strides = array<i32>} : memref<25616xi32, #tpu.memory_space<vmem>>, vector<16xi32>,
      %ne3A_774 = arith.constant 0 : i32
      %ne3A_775 = vector.broadcast %ne3A_774 : i32 to vector<16xi32>
      %ne3A_776 = arith.cmpi ne, %get3A_773, %ne3A_775 : vector<16xi32>
      %ne3A_777 = arith.constant 0 : i32
      %ne3A_778 = vector.broadcast %ne3A_777 : i32 to vector<16xi32>
      %ne3A_779 = arith.cmpi ne, %get3A_769, %ne3A_778 : vector<16xi32>
      %and3A_780 = arith.andi %ne3A_776, %ne3A_779 : vector<16xi1>
      %swap3A_781 = arith.index_cast %add3A_759 : i32 to index
      %swap3A_782 = tpu.vector_load %arg9[%swap3A_781] masked %and3A_780 {strides = array<i32>} : memref<216xi32, #tpu.memory_space<vmem>>, vector<16xi32>, vector<16xi1>
      tpu.vector_store %arg9[%swap3A_781], %get3A_769 masked %and3A_780 {strides = array<i32>} : memref<216xi32, #tpu.memory_space<vmem>>, vector<16xi32>, vector<16xi1>
      %all_reduce_population_count3A_783 = tpu.all_reduce %and3A_780 {dim = 0 : i64, kind = #tpu.reduction_kind<sum>} : vector<16xi1> -> vector<16xi32>
      %slice3A_784 = vector.extract_strided_slice %all_reduce_population_count3A_783 {offsets = [0], sizes = [1], strides = [1]} : vector<16xi32> to vector<1xi32>
      %squeeze3A_785 = vector.extract %slice3A_784[0] : i32 from vector<1xi32>
      %add3A_786 = arith.addi %add3A_759, %squeeze3A_785 : i32
      %jit3A_787 = arith.constant 1 : i32
      %jit3A_788 = arith.constant 0 : i32
      %broadcast_in_dim3A_789 = vector.broadcast %jit3A_787 : i32 to vector<16xi32>
      %broadcast_in_dim3A_790 = vector.broadcast %jit3A_788 : i32 to vector<16xi32>
      %select_n3A_791 = arith.select %ne3A_776, %broadcast_in_dim3A_789, %broadcast_in_dim3A_790 : vector<16xi1>, vector<16xi32>
      %add3A_792 = arith.addi %add3A_765, %select_n3A_791 : vector<16xi32>
      %add3A_793 = arith.constant 192 : i32
      %add3A_794 = arith.addi %mul3A_464, %add3A_793 : i32
      %get3A_795 = arith.index_cast %add3A_794 : i32 to index
      %get3A_796 = tpu.vector_load %arg6[%get3A_795] {strides = array<i32>} : memref<25616xi32, #tpu.memory_space<vmem>>, vector<16xi32>,
      %add3A_797 = arith.constant 192 : i32
      %add3A_798 = arith.addi %mul3A_464, %add3A_797 : i32
      %get3A_799 = arith.index_cast %add3A_798 : i32 to index
      %get3A_800 = tpu.vector_load %arg7[%get3A_799] {strides = array<i32>} : memref<25616xi32, #tpu.memory_space<vmem>>, vector<16xi32>,
      %ne3A_801 = arith.constant 0 : i32
      %ne3A_802 = vector.broadcast %ne3A_801 : i32 to vector<16xi32>
      %ne3A_803 = arith.cmpi ne, %get3A_800, %ne3A_802 : vector<16xi32>
      %lt3A_804 = arith.constant 8 : i32
      %lt3A_805 = vector.broadcast %lt3A_804 : i32 to vector<16xi32>
      %lt3A_806 = arith.cmpi slt, %iota3A, %lt3A_805 : vector<16xi32>
      %and3A_807 = arith.andi %ne3A_803, %lt3A_806 : vector<16xi1>
      %ne3A_808 = arith.constant 0 : i32
      %ne3A_809 = vector.broadcast %ne3A_808 : i32 to vector<16xi32>
      %ne3A_810 = arith.cmpi ne, %get3A_796, %ne3A_809 : vector<16xi32>
      %and3A_811 = arith.andi %and3A_807, %ne3A_810 : vector<16xi1>
      %swap3A_812 = arith.index_cast %add3A_786 : i32 to index
      %swap3A_813 = tpu.vector_load %arg9[%swap3A_812] masked %and3A_811 {strides = array<i32>} : memref<216xi32, #tpu.memory_space<vmem>>, vector<16xi32>, vector<16xi1>
      tpu.vector_store %arg9[%swap3A_812], %get3A_796 masked %and3A_811 {strides = array<i32>} : memref<216xi32, #tpu.memory_space<vmem>>, vector<16xi32>, vector<16xi1>
      %all_reduce_population_count3A_814 = tpu.all_reduce %and3A_811 {dim = 0 : i64, kind = #tpu.reduction_kind<sum>} : vector<16xi1> -> vector<16xi32>
      %slice3A_815 = vector.extract_strided_slice %all_reduce_population_count3A_814 {offsets = [0], sizes = [1], strides = [1]} : vector<16xi32> to vector<1xi32>
      %squeeze3A_816 = vector.extract %slice3A_815[0] : i32 from vector<1xi32>
      %add3A_817 = arith.addi %add3A_786, %squeeze3A_816 : i32
      %jit3A_818 = arith.constant 1 : i32
      %jit3A_819 = arith.constant 0 : i32
      %broadcast_in_dim3A_820 = vector.broadcast %jit3A_818 : i32 to vector<16xi32>
      %broadcast_in_dim3A_821 = vector.broadcast %jit3A_819 : i32 to vector<16xi32>
      %select_n3A_822 = arith.select %and3A_807, %broadcast_in_dim3A_820, %broadcast_in_dim3A_821 : vector<16xi1>, vector<16xi32>
      %add3A_823 = arith.addi %add3A_792, %select_n3A_822 : vector<16xi32>
      %reduce_sum3A_824 = arith.constant true
      %reduce_sum3A_825 = vector.broadcast %reduce_sum3A_824 : i1 to vector<16xi1>
      %reduce_sum3A_826 = tpu.scan <sum>, %add3A_823 masked %reduce_sum3A_825 : vector<16xi32>, vector<16xi1> -> vector<16xi32>
      %reduce_sum3A_827 = vector.extract %reduce_sum3A_826[15] : i32 from vector<16xi32>
      %add3A_828 = arith.constant 7 : i32
      %add3A_829 = arith.addi %add3A_817, %add3A_828 : i32
      %shift_right_arithmetic3A_830 = arith.constant 3 : i32
      %shift_right_arithmetic3A_831 = arith.shrsi %add3A_829, %shift_right_arithmetic3A_830 : i32
      %while3A_832 = arith.constant 0 : i32
      %while3A_833 = arith.constant 0 : i32
      %while3A_834 = arith.subi %shift_right_arithmetic3A_831, %while3A_832 : i32
      %while3A_835 = arith.addi %while3A_832, %while3A_834 : i32
      %while3A_836 = arith.constant 1 : i32
      %while3A_837 = arith.divsi %while3A_834, %while3A_836 : i32
      %while3A_838 = arith.muli %while3A_837, %while3A_836 : i32
      %while3A_839 = arith.addi %while3A_832, %while3A_838 : i32
      %while3A_840 = arith.constant 1 : i32
      %while3A_841 = scf.for %while3A_1377 = %while3A_832 to %while3A_839 step %while3A_840 iter_args(%while3A_1378 = %while3A_833) -> (i32)  : i32 {
        %mul3A_1379 = arith.constant 8 : i32
        %mul3A_1380 = arith.muli %while3A_1377, %mul3A_1379 : i32
        %mul3A_1381 = arith.constant 8 : i32
        %mul3A_1382 = arith.muli %while3A_1377, %mul3A_1381 : i32
        %dma_start3A = arith.constant 0 : i32
        %dma_start3A_1383 = tpu.memref_slice %arg11[%mul3A_1382, %dma_start3A] : memref<200x128xf32, #tpu.memory_space<vmem>> -> memref<8x128xf32, #tpu.memory_space<vmem>>
        %dma_start3A_1384 = tpu.memref_slice %arg9[%mul3A_1380] : memref<216xi32, #tpu.memory_space<vmem>> -> memref<8xi32, #tpu.memory_space<vmem>>
        %dma_start3A_1385 = arith.constant 0 : i32
        %dma_start3A_1386 = arith.constant 0 : i32
        %dma_start3A_1387 = tpu.memref_slice %arg4[%dma_start3A_1385, %dma_start3A_1386] : memref<1000000x128xf32, #tpu.memory_space<hbm>> -> memref<1000000x128xf32, #tpu.memory_space<hbm>>
        tpu.enqueue_indirect_dma source(%dma_start3A_1387 : memref<1000000x128xf32, #tpu.memory_space<hbm>>) target(%dma_start3A_1383 : memref<8x128xf32, #tpu.memory_space<vmem>>) offsets(%dma_start3A_1384 : memref<8xi32, #tpu.memory_space<vmem>>) semaphore(%arg14 : memref<!tpu.dma_semaphore, #tpu.memory_space<semaphore_mem>>)
        %while3A_1388 = arith.constant 0 : i32
        scf.yield %while3A_1388 : i32
      }
      %while3A_842 = arith.constant 1 : i32
      %while3A_843 = scf.for %while3A_1377 = %while3A_839 to %while3A_835 step %while3A_842 iter_args(%while3A_1378 = %while3A_841) -> (i32)  : i32 {
        %mul3A_1379 = arith.constant 8 : i32
        %mul3A_1380 = arith.muli %while3A_1377, %mul3A_1379 : i32
        %mul3A_1381 = arith.constant 8 : i32
        %mul3A_1382 = arith.muli %while3A_1377, %mul3A_1381 : i32
        %dma_start3A = arith.constant 0 : i32
        %dma_start3A_1383 = tpu.memref_slice %arg11[%mul3A_1382, %dma_start3A] : memref<200x128xf32, #tpu.memory_space<vmem>> -> memref<8x128xf32, #tpu.memory_space<vmem>>
        %dma_start3A_1384 = tpu.memref_slice %arg9[%mul3A_1380] : memref<216xi32, #tpu.memory_space<vmem>> -> memref<8xi32, #tpu.memory_space<vmem>>
        %dma_start3A_1385 = arith.constant 0 : i32
        %dma_start3A_1386 = arith.constant 0 : i32
        %dma_start3A_1387 = tpu.memref_slice %arg4[%dma_start3A_1385, %dma_start3A_1386] : memref<1000000x128xf32, #tpu.memory_space<hbm>> -> memref<1000000x128xf32, #tpu.memory_space<hbm>>
        tpu.enqueue_indirect_dma source(%dma_start3A_1387 : memref<1000000x128xf32, #tpu.memory_space<hbm>>) target(%dma_start3A_1383 : memref<8x128xf32, #tpu.memory_space<vmem>>) offsets(%dma_start3A_1384 : memref<8xi32, #tpu.memory_space<vmem>>) semaphore(%arg14 : memref<!tpu.dma_semaphore, #tpu.memory_space<semaphore_mem>>)
        %while3A_1388 = arith.constant 0 : i32
        scf.yield %while3A_1388 : i32
      }
      %while3A_844 = arith.constant 0 : i32
      %while3A_845 = arith.constant 0 : i32
      %while3A_846 = arith.subi %scan3A_458, %while3A_844 : i32
      %while3A_847 = arith.addi %while3A_844, %while3A_846 : i32
      %while3A_848 = arith.constant 1 : i32
      %while3A_849 = arith.divsi %while3A_846, %while3A_848 : i32
      %while3A_850 = arith.muli %while3A_849, %while3A_848 : i32
      %while3A_851 = arith.addi %while3A_844, %while3A_850 : i32
      %while3A_852 = arith.constant 1 : i32
      %while3A_853 = scf.for %while3A_1377 = %while3A_844 to %while3A_851 step %while3A_852 iter_args(%while3A_1378 = %while3A_845) -> (i32)  : i32 {
        %dma_wait3A = arith.constant 0 : i32
        %dma_wait3A_1379 = arith.constant 0 : i32
        %dma_wait3A_1380 = tpu.memref_slice %arg10[%dma_wait3A, %dma_wait3A_1379] : memref<200x128xf32, #tpu.memory_space<vmem>> -> memref<8x128xf32, #tpu.memory_space<vmem>>
        %dma_wait3A_1381 = arith.constant 0 : i32
        %dma_wait3A_1382 = tpu.memref_slice %arg8[%dma_wait3A_1381] : memref<216xi32, #tpu.memory_space<vmem>> -> memref<8xi32, #tpu.memory_space<vmem>>
        %dma_wait3A_1383 = arith.constant 0 : i32
        %dma_wait3A_1384 = arith.constant 0 : i32
        %dma_wait3A_1385 = tpu.memref_slice %arg4[%dma_wait3A_1383, %dma_wait3A_1384] : memref<1000000x128xf32, #tpu.memory_space<hbm>> -> memref<1000000x128xf32, #tpu.memory_space<hbm>>
        tpu.wait_indirect_dma semaphore(%arg13 : memref<!tpu.dma_semaphore, #tpu.memory_space<semaphore_mem>>) src(%dma_wait3A_1385 : memref<1000000x128xf32, #tpu.memory_space<hbm>>) dst(%dma_wait3A_1380 : memref<8x128xf32, #tpu.memory_space<vmem>>)
        %while3A_1386 = arith.constant 0 : i32
        scf.yield %while3A_1386 : i32
      }
      %while3A_854 = arith.constant 1 : i32
      %while3A_855 = scf.for %while3A_1377 = %while3A_851 to %while3A_847 step %while3A_854 iter_args(%while3A_1378 = %while3A_853) -> (i32)  : i32 {
        %dma_wait3A = arith.constant 0 : i32
        %dma_wait3A_1379 = arith.constant 0 : i32
        %dma_wait3A_1380 = tpu.memref_slice %arg10[%dma_wait3A, %dma_wait3A_1379] : memref<200x128xf32, #tpu.memory_space<vmem>> -> memref<8x128xf32, #tpu.memory_space<vmem>>
        %dma_wait3A_1381 = arith.constant 0 : i32
        %dma_wait3A_1382 = tpu.memref_slice %arg8[%dma_wait3A_1381] : memref<216xi32, #tpu.memory_space<vmem>> -> memref<8xi32, #tpu.memory_space<vmem>>
        %dma_wait3A_1383 = arith.constant 0 : i32
        %dma_wait3A_1384 = arith.constant 0 : i32
        %dma_wait3A_1385 = tpu.memref_slice %arg4[%dma_wait3A_1383, %dma_wait3A_1384] : memref<1000000x128xf32, #tpu.memory_space<hbm>> -> memref<1000000x128xf32, #tpu.memory_space<hbm>>
        tpu.wait_indirect_dma semaphore(%arg13 : memref<!tpu.dma_semaphore, #tpu.memory_space<semaphore_mem>>) src(%dma_wait3A_1385 : memref<1000000x128xf32, #tpu.memory_space<hbm>>) dst(%dma_wait3A_1380 : memref<8x128xf32, #tpu.memory_space<vmem>>)
        %while3A_1386 = arith.constant 0 : i32
        scf.yield %while3A_1386 : i32
      }
      %broadcast_in_dim3A_856 = arith.constant 0.000000e+00 : f32
      %broadcast_in_dim3A_857 = vector.broadcast %broadcast_in_dim3A_856 : f32 to vector<16xf32>
      %broadcast_in_dim3A_858 = arith.constant 0.000000e+00 : f32
      %broadcast_in_dim3A_859 = vector.broadcast %broadcast_in_dim3A_858 : f32 to vector<16xf32>
      %broadcast_in_dim3A_860 = arith.constant 0.000000e+00 : f32
      %broadcast_in_dim3A_861 = vector.broadcast %broadcast_in_dim3A_860 : f32 to vector<16xf32>
      %broadcast_in_dim3A_862 = arith.constant 0.000000e+00 : f32
      %broadcast_in_dim3A_863 = vector.broadcast %broadcast_in_dim3A_862 : f32 to vector<16xf32>
      %broadcast_in_dim3A_864 = arith.constant 0.000000e+00 : f32
      %broadcast_in_dim3A_865 = vector.broadcast %broadcast_in_dim3A_864 : f32 to vector<16xf32>
      %broadcast_in_dim3A_866 = arith.constant 0.000000e+00 : f32
      %broadcast_in_dim3A_867 = vector.broadcast %broadcast_in_dim3A_866 : f32 to vector<16xf32>
      %broadcast_in_dim3A_868 = arith.constant 0.000000e+00 : f32
      %broadcast_in_dim3A_869 = vector.broadcast %broadcast_in_dim3A_868 : f32 to vector<16xf32>
      %broadcast_in_dim3A_870 = arith.constant 0.000000e+00 : f32
      %broadcast_in_dim3A_871 = vector.broadcast %broadcast_in_dim3A_870 : f32 to vector<16xf32>
      %while3A_872 = arith.constant 0 : i32
      %while3A_873 = arith.subi %scan3A_456, %while3A_872 : i32
      %while3A_874 = arith.addi %while3A_872, %while3A_873 : i32
      %while3A_875 = arith.constant 1 : i32
      %while3A_876 = arith.divsi %while3A_873, %while3A_875 : i32
      %while3A_877 = arith.muli %while3A_876, %while3A_875 : i32
      %while3A_878 = arith.addi %while3A_872, %while3A_877 : i32
      %while3A_879 = arith.constant 1 : i32
      %while3A_880:8 = scf.for %while3A_1377 = %while3A_872 to %while3A_878 step %while3A_879 iter_args(%while3A_1378 = %broadcast_in_dim3A_857, %while3A_1379 = %broadcast_in_dim3A_859, %while3A_1380 = %broadcast_in_dim3A_861, %while3A_1381 = %broadcast_in_dim3A_863, %while3A_1382 = %broadcast_in_dim3A_865, %while3A_1383 = %broadcast_in_dim3A_867, %while3A_1384 = %broadcast_in_dim3A_869, %while3A_1385 = %broadcast_in_dim3A_871) -> (vector<16xf32>, vector<16xf32>, vector<16xf32>, vector<16xf32>, vector<16xf32>, vector<16xf32>, vector<16xf32>, vector<16xf32>)  : i32 {
        %get3A_1386 = arith.index_cast %while3A_1377 : i32 to index
        %get3A_1387 = arith.constant 0 : index
        %get3A_1388 = tpu.vector_load %arg10[%get3A_1386, %get3A_1387] {strides = array<i32>} : memref<200x128xf32, #tpu.memory_space<vmem>>, vector<16xf32>,
        %add3A_1389 = arith.addf %while3A_1378, %get3A_1388 : vector<16xf32>
        %get3A_1390 = arith.index_cast %while3A_1377 : i32 to index
        %get3A_1391 = arith.constant 16 : index
        %get3A_1392 = tpu.vector_load %arg10[%get3A_1390, %get3A_1391] {strides = array<i32>} : memref<200x128xf32, #tpu.memory_space<vmem>>, vector<16xf32>,
        %add3A_1393 = arith.addf %while3A_1379, %get3A_1392 : vector<16xf32>
        %get3A_1394 = arith.index_cast %while3A_1377 : i32 to index
        %get3A_1395 = arith.constant 32 : index
        %get3A_1396 = tpu.vector_load %arg10[%get3A_1394, %get3A_1395] {strides = array<i32>} : memref<200x128xf32, #tpu.memory_space<vmem>>, vector<16xf32>,
        %add3A_1397 = arith.addf %while3A_1380, %get3A_1396 : vector<16xf32>
        %get3A_1398 = arith.index_cast %while3A_1377 : i32 to index
        %get3A_1399 = arith.constant 48 : index
        %get3A_1400 = tpu.vector_load %arg10[%get3A_1398, %get3A_1399] {strides = array<i32>} : memref<200x128xf32, #tpu.memory_space<vmem>>, vector<16xf32>,
        %add3A_1401 = arith.addf %while3A_1381, %get3A_1400 : vector<16xf32>
        %get3A_1402 = arith.index_cast %while3A_1377 : i32 to index
        %get3A_1403 = arith.constant 64 : index
        %get3A_1404 = tpu.vector_load %arg10[%get3A_1402, %get3A_1403] {strides = array<i32>} : memref<200x128xf32, #tpu.memory_space<vmem>>, vector<16xf32>,
        %add3A_1405 = arith.addf %while3A_1382, %get3A_1404 : vector<16xf32>
        %get3A_1406 = arith.index_cast %while3A_1377 : i32 to index
        %get3A_1407 = arith.constant 80 : index
        %get3A_1408 = tpu.vector_load %arg10[%get3A_1406, %get3A_1407] {strides = array<i32>} : memref<200x128xf32, #tpu.memory_space<vmem>>, vector<16xf32>,
        %add3A_1409 = arith.addf %while3A_1383, %get3A_1408 : vector<16xf32>
        %get3A_1410 = arith.index_cast %while3A_1377 : i32 to index
        %get3A_1411 = arith.constant 96 : index
        %get3A_1412 = tpu.vector_load %arg10[%get3A_1410, %get3A_1411] {strides = array<i32>} : memref<200x128xf32, #tpu.memory_space<vmem>>, vector<16xf32>,
        %add3A_1413 = arith.addf %while3A_1384, %get3A_1412 : vector<16xf32>
        %get3A_1414 = arith.index_cast %while3A_1377 : i32 to index
        %get3A_1415 = arith.constant 112 : index
        %get3A_1416 = tpu.vector_load %arg10[%get3A_1414, %get3A_1415] {strides = array<i32>} : memref<200x128xf32, #tpu.memory_space<vmem>>, vector<16xf32>,
        %add3A_1417 = arith.addf %while3A_1385, %get3A_1416 : vector<16xf32>
        scf.yield %add3A_1389, %add3A_1393, %add3A_1397, %add3A_1401, %add3A_1405, %add3A_1409, %add3A_1413, %add3A_1417 : vector<16xf32>, vector<16xf32>, vector<16xf32>, vector<16xf32>, vector<16xf32>, vector<16xf32>, vector<16xf32>, vector<16xf32>
      }
      %while3A_881 = arith.constant 1 : i32
      %while3A_882:8 = scf.for %while3A_1377 = %while3A_878 to %while3A_874 step %while3A_881 iter_args(%while3A_1378 = %while3A_880#0, %while3A_1379 = %while3A_880#1, %while3A_1380 = %while3A_880#2, %while3A_1381 = %while3A_880#3, %while3A_1382 = %while3A_880#4, %while3A_1383 = %while3A_880#5, %while3A_1384 = %while3A_880#6, %while3A_1385 = %while3A_880#7) -> (vector<16xf32>, vector<16xf32>, vector<16xf32>, vector<16xf32>, vector<16xf32>, vector<16xf32>, vector<16xf32>, vector<16xf32>)  : i32 {
        %get3A_1386 = arith.index_cast %while3A_1377 : i32 to index
        %get3A_1387 = arith.constant 0 : index
        %get3A_1388 = tpu.vector_load %arg10[%get3A_1386, %get3A_1387] {strides = array<i32>} : memref<200x128xf32, #tpu.memory_space<vmem>>, vector<16xf32>,
        %add3A_1389 = arith.addf %while3A_1378, %get3A_1388 : vector<16xf32>
        %get3A_1390 = arith.index_cast %while3A_1377 : i32 to index
        %get3A_1391 = arith.constant 16 : index
        %get3A_1392 = tpu.vector_load %arg10[%get3A_1390, %get3A_1391] {strides = array<i32>} : memref<200x128xf32, #tpu.memory_space<vmem>>, vector<16xf32>,
        %add3A_1393 = arith.addf %while3A_1379, %get3A_1392 : vector<16xf32>
        %get3A_1394 = arith.index_cast %while3A_1377 : i32 to index
        %get3A_1395 = arith.constant 32 : index
        %get3A_1396 = tpu.vector_load %arg10[%get3A_1394, %get3A_1395] {strides = array<i32>} : memref<200x128xf32, #tpu.memory_space<vmem>>, vector<16xf32>,
        %add3A_1397 = arith.addf %while3A_1380, %get3A_1396 : vector<16xf32>
        %get3A_1398 = arith.index_cast %while3A_1377 : i32 to index
        %get3A_1399 = arith.constant 48 : index
        %get3A_1400 = tpu.vector_load %arg10[%get3A_1398, %get3A_1399] {strides = array<i32>} : memref<200x128xf32, #tpu.memory_space<vmem>>, vector<16xf32>,
        %add3A_1401 = arith.addf %while3A_1381, %get3A_1400 : vector<16xf32>
        %get3A_1402 = arith.index_cast %while3A_1377 : i32 to index
        %get3A_1403 = arith.constant 64 : index
        %get3A_1404 = tpu.vector_load %arg10[%get3A_1402, %get3A_1403] {strides = array<i32>} : memref<200x128xf32, #tpu.memory_space<vmem>>, vector<16xf32>,
        %add3A_1405 = arith.addf %while3A_1382, %get3A_1404 : vector<16xf32>
        %get3A_1406 = arith.index_cast %while3A_1377 : i32 to index
        %get3A_1407 = arith.constant 80 : index
        %get3A_1408 = tpu.vector_load %arg10[%get3A_1406, %get3A_1407] {strides = array<i32>} : memref<200x128xf32, #tpu.memory_space<vmem>>, vector<16xf32>,
        %add3A_1409 = arith.addf %while3A_1383, %get3A_1408 : vector<16xf32>
        %get3A_1410 = arith.index_cast %while3A_1377 : i32 to index
        %get3A_1411 = arith.constant 96 : index
        %get3A_1412 = tpu.vector_load %arg10[%get3A_1410, %get3A_1411] {strides = array<i32>} : memref<200x128xf32, #tpu.memory_space<vmem>>, vector<16xf32>,
        %add3A_1413 = arith.addf %while3A_1384, %get3A_1412 : vector<16xf32>
        %get3A_1414 = arith.index_cast %while3A_1377 : i32 to index
        %get3A_1415 = arith.constant 112 : index
        %get3A_1416 = tpu.vector_load %arg10[%get3A_1414, %get3A_1415] {strides = array<i32>} : memref<200x128xf32, #tpu.memory_space<vmem>>, vector<16xf32>,
        %add3A_1417 = arith.addf %while3A_1385, %get3A_1416 : vector<16xf32>
        scf.yield %add3A_1389, %add3A_1393, %add3A_1397, %add3A_1401, %add3A_1405, %add3A_1409, %add3A_1413, %add3A_1417 : vector<16xf32>, vector<16xf32>, vector<16xf32>, vector<16xf32>, vector<16xf32>, vector<16xf32>, vector<16xf32>, vector<16xf32>
      }
      %broadcast_in_dim3A_883 = vector.broadcast %scan3A_457 : i32 to vector<16xi32>
      %max3A = arith.constant 1 : i32
      %max3A_884 = vector.broadcast %max3A : i32 to vector<16xi32>
      %max3A_885 = arith.maxsi %broadcast_in_dim3A_883, %max3A_884 : vector<16xi32>
      %convert_element_type3A = arith.sitofp %max3A_885 : vector<16xi32> to vector<16xf32>
      %div3A = arith.divf %while3A_882#0, %convert_element_type3A : vector<16xf32>
      %swap3A_886 = arith.index_cast %mul3A_460 : i32 to index
      %swap3A_887 = arith.constant 0 : index
      %swap3A_888 = tpu.vector_load %arg12[%swap3A_886, %swap3A_887] {strides = array<i32>} : memref<128x128xf32, #tpu.memory_space<vmem>>, vector<16xf32>,
      tpu.vector_store %arg12[%swap3A_886, %swap3A_887], %div3A {strides = array<i32>} : memref<128x128xf32, #tpu.memory_space<vmem>>, vector<16xf32>,
      %div3A_889 = arith.divf %while3A_882#1, %convert_element_type3A : vector<16xf32>
      %swap3A_890 = arith.index_cast %mul3A_460 : i32 to index
      %swap3A_891 = arith.constant 16 : index
      %swap3A_892 = tpu.vector_load %arg12[%swap3A_890, %swap3A_891] {strides = array<i32>} : memref<128x128xf32, #tpu.memory_space<vmem>>, vector<16xf32>,
      tpu.vector_store %arg12[%swap3A_890, %swap3A_891], %div3A_889 {strides = array<i32>} : memref<128x128xf32, #tpu.memory_space<vmem>>, vector<16xf32>,
      %div3A_893 = arith.divf %while3A_882#2, %convert_element_type3A : vector<16xf32>
      %swap3A_894 = arith.index_cast %mul3A_460 : i32 to index
      %swap3A_895 = arith.constant 32 : index
      %swap3A_896 = tpu.vector_load %arg12[%swap3A_894, %swap3A_895] {strides = array<i32>} : memref<128x128xf32, #tpu.memory_space<vmem>>, vector<16xf32>,
      tpu.vector_store %arg12[%swap3A_894, %swap3A_895], %div3A_893 {strides = array<i32>} : memref<128x128xf32, #tpu.memory_space<vmem>>, vector<16xf32>,
      %div3A_897 = arith.divf %while3A_882#3, %convert_element_type3A : vector<16xf32>
      %swap3A_898 = arith.index_cast %mul3A_460 : i32 to index
      %swap3A_899 = arith.constant 48 : index
      %swap3A_900 = tpu.vector_load %arg12[%swap3A_898, %swap3A_899] {strides = array<i32>} : memref<128x128xf32, #tpu.memory_space<vmem>>, vector<16xf32>,
      tpu.vector_store %arg12[%swap3A_898, %swap3A_899], %div3A_897 {strides = array<i32>} : memref<128x128xf32, #tpu.memory_space<vmem>>, vector<16xf32>,
      %div3A_901 = arith.divf %while3A_882#4, %convert_element_type3A : vector<16xf32>
      %swap3A_902 = arith.index_cast %mul3A_460 : i32 to index
      %swap3A_903 = arith.constant 64 : index
      %swap3A_904 = tpu.vector_load %arg12[%swap3A_902, %swap3A_903] {strides = array<i32>} : memref<128x128xf32, #tpu.memory_space<vmem>>, vector<16xf32>,
      tpu.vector_store %arg12[%swap3A_902, %swap3A_903], %div3A_901 {strides = array<i32>} : memref<128x128xf32, #tpu.memory_space<vmem>>, vector<16xf32>,
      %div3A_905 = arith.divf %while3A_882#5, %convert_element_type3A : vector<16xf32>
      %swap3A_906 = arith.index_cast %mul3A_460 : i32 to index
      %swap3A_907 = arith.constant 80 : index
      %swap3A_908 = tpu.vector_load %arg12[%swap3A_906, %swap3A_907] {strides = array<i32>} : memref<128x128xf32, #tpu.memory_space<vmem>>, vector<16xf32>,
      tpu.vector_store %arg12[%swap3A_906, %swap3A_907], %div3A_905 {strides = array<i32>} : memref<128x128xf32, #tpu.memory_space<vmem>>, vector<16xf32>,
      %div3A_909 = arith.divf %while3A_882#6, %convert_element_type3A : vector<16xf32>
      %swap3A_910 = arith.index_cast %mul3A_460 : i32 to index
      %swap3A_911 = arith.constant 96 : index
      %swap3A_912 = tpu.vector_load %arg12[%swap3A_910, %swap3A_911] {strides = array<i32>} : memref<128x128xf32, #tpu.memory_space<vmem>>, vector<16xf32>,
      tpu.vector_store %arg12[%swap3A_910, %swap3A_911], %div3A_909 {strides = array<i32>} : memref<128x128xf32, #tpu.memory_space<vmem>>, vector<16xf32>,
      %div3A_913 = arith.divf %while3A_882#7, %convert_element_type3A : vector<16xf32>
      %swap3A_914 = arith.index_cast %mul3A_460 : i32 to index
      %swap3A_915 = arith.constant 112 : index
      %swap3A_916 = tpu.vector_load %arg12[%swap3A_914, %swap3A_915] {strides = array<i32>} : memref<128x128xf32, #tpu.memory_space<vmem>>, vector<16xf32>,
      tpu.vector_store %arg12[%swap3A_914, %swap3A_915], %div3A_913 {strides = array<i32>} : memref<128x128xf32, #tpu.memory_space<vmem>>, vector<16xf32>,
      %add3A_917 = arith.constant 2 : i32
      %add3A_918 = arith.addi %mul3A_460, %add3A_917 : i32
      %min3A = arith.constant 127 : i32
      %min3A_919 = arith.minsi %add3A_918, %min3A : i32
      %mul3A_920 = arith.constant 200 : i32
      %mul3A_921 = arith.muli %min3A_919, %mul3A_920 : i32
      %broadcast_in_dim3A_922 = arith.constant 0 : i32
      %broadcast_in_dim3A_923 = vector.broadcast %broadcast_in_dim3A_922 : i32 to vector<16xi32>
      %add3A_924 = arith.constant 0 : i32
      %add3A_925 = arith.addi %mul3A_921, %add3A_924 : i32
      %get3A_926 = arith.index_cast %add3A_925 : i32 to index
      %get3A_927 = tpu.vector_load %arg6[%get3A_926] {strides = array<i32>} : memref<25616xi32, #tpu.memory_space<vmem>>, vector<16xi32>,
      %add3A_928 = arith.constant 0 : i32
      %add3A_929 = arith.addi %mul3A_921, %add3A_928 : i32
      %get3A_930 = arith.index_cast %add3A_929 : i32 to index
      %get3A_931 = tpu.vector_load %arg7[%get3A_930] {strides = array<i32>} : memref<25616xi32, #tpu.memory_space<vmem>>, vector<16xi32>,
      %ne3A_932 = arith.constant 0 : i32
      %ne3A_933 = vector.broadcast %ne3A_932 : i32 to vector<16xi32>
      %ne3A_934 = arith.cmpi ne, %get3A_931, %ne3A_933 : vector<16xi32>
      %ne3A_935 = arith.constant 0 : i32
      %ne3A_936 = vector.broadcast %ne3A_935 : i32 to vector<16xi32>
      %ne3A_937 = arith.cmpi ne, %get3A_927, %ne3A_936 : vector<16xi32>
      %and3A_938 = arith.andi %ne3A_934, %ne3A_937 : vector<16xi1>
      %swap3A_939 = arith.constant 0 : i32
      %swap3A_940 = arith.index_cast %swap3A_939 : i32 to index
      %swap3A_941 = tpu.vector_load %arg8[%swap3A_940] masked %and3A_938 {strides = array<i32>} : memref<216xi32, #tpu.memory_space<vmem>>, vector<16xi32>, vector<16xi1>
      tpu.vector_store %arg8[%swap3A_940], %get3A_927 masked %and3A_938 {strides = array<i32>} : memref<216xi32, #tpu.memory_space<vmem>>, vector<16xi32>, vector<16xi1>
      %all_reduce_population_count3A_942 = tpu.all_reduce %and3A_938 {dim = 0 : i64, kind = #tpu.reduction_kind<sum>} : vector<16xi1> -> vector<16xi32>
      %slice3A_943 = vector.extract_strided_slice %all_reduce_population_count3A_942 {offsets = [0], sizes = [1], strides = [1]} : vector<16xi32> to vector<1xi32>
      %squeeze3A_944 = vector.extract %slice3A_943[0] : i32 from vector<1xi32>
      %add3A_945 = arith.constant 0 : i32
      %add3A_946 = arith.addi %add3A_945, %squeeze3A_944 : i32
      %jit3A_947 = arith.constant 1 : i32
      %jit3A_948 = arith.constant 0 : i32
      %broadcast_in_dim3A_949 = vector.broadcast %jit3A_947 : i32 to vector<16xi32>
      %broadcast_in_dim3A_950 = vector.broadcast %jit3A_948 : i32 to vector<16xi32>
      %select_n3A_951 = arith.select %ne3A_934, %broadcast_in_dim3A_949, %broadcast_in_dim3A_950 : vector<16xi1>, vector<16xi32>
      %add3A_952 = arith.addi %broadcast_in_dim3A_923, %select_n3A_951 : vector<16xi32>
      %add3A_953 = arith.constant 16 : i32
      %add3A_954 = arith.addi %mul3A_921, %add3A_953 : i32
      %get3A_955 = arith.index_cast %add3A_954 : i32 to index
      %get3A_956 = tpu.vector_load %arg6[%get3A_955] {strides = array<i32>} : memref<25616xi32, #tpu.memory_space<vmem>>, vector<16xi32>,
      %add3A_957 = arith.constant 16 : i32
      %add3A_958 = arith.addi %mul3A_921, %add3A_957 : i32
      %get3A_959 = arith.index_cast %add3A_958 : i32 to index
      %get3A_960 = tpu.vector_load %arg7[%get3A_959] {strides = array<i32>} : memref<25616xi32, #tpu.memory_space<vmem>>, vector<16xi32>,
      %ne3A_961 = arith.constant 0 : i32
      %ne3A_962 = vector.broadcast %ne3A_961 : i32 to vector<16xi32>
      %ne3A_963 = arith.cmpi ne, %get3A_960, %ne3A_962 : vector<16xi32>
      %ne3A_964 = arith.constant 0 : i32
      %ne3A_965 = vector.broadcast %ne3A_964 : i32 to vector<16xi32>
      %ne3A_966 = arith.cmpi ne, %get3A_956, %ne3A_965 : vector<16xi32>
      %and3A_967 = arith.andi %ne3A_963, %ne3A_966 : vector<16xi1>
      %swap3A_968 = arith.index_cast %add3A_946 : i32 to index
      %swap3A_969 = tpu.vector_load %arg8[%swap3A_968] masked %and3A_967 {strides = array<i32>} : memref<216xi32, #tpu.memory_space<vmem>>, vector<16xi32>, vector<16xi1>
      tpu.vector_store %arg8[%swap3A_968], %get3A_956 masked %and3A_967 {strides = array<i32>} : memref<216xi32, #tpu.memory_space<vmem>>, vector<16xi32>, vector<16xi1>
      %all_reduce_population_count3A_970 = tpu.all_reduce %and3A_967 {dim = 0 : i64, kind = #tpu.reduction_kind<sum>} : vector<16xi1> -> vector<16xi32>
      %slice3A_971 = vector.extract_strided_slice %all_reduce_population_count3A_970 {offsets = [0], sizes = [1], strides = [1]} : vector<16xi32> to vector<1xi32>
      %squeeze3A_972 = vector.extract %slice3A_971[0] : i32 from vector<1xi32>
      %add3A_973 = arith.addi %add3A_946, %squeeze3A_972 : i32
      %jit3A_974 = arith.constant 1 : i32
      %jit3A_975 = arith.constant 0 : i32
      %broadcast_in_dim3A_976 = vector.broadcast %jit3A_974 : i32 to vector<16xi32>
      %broadcast_in_dim3A_977 = vector.broadcast %jit3A_975 : i32 to vector<16xi32>
      %select_n3A_978 = arith.select %ne3A_963, %broadcast_in_dim3A_976, %broadcast_in_dim3A_977 : vector<16xi1>, vector<16xi32>
      %add3A_979 = arith.addi %add3A_952, %select_n3A_978 : vector<16xi32>
      %add3A_980 = arith.constant 32 : i32
      %add3A_981 = arith.addi %mul3A_921, %add3A_980 : i32
      %get3A_982 = arith.index_cast %add3A_981 : i32 to index
      %get3A_983 = tpu.vector_load %arg6[%get3A_982] {strides = array<i32>} : memref<25616xi32, #tpu.memory_space<vmem>>, vector<16xi32>,
      %add3A_984 = arith.constant 32 : i32
      %add3A_985 = arith.addi %mul3A_921, %add3A_984 : i32
      %get3A_986 = arith.index_cast %add3A_985 : i32 to index
      %get3A_987 = tpu.vector_load %arg7[%get3A_986] {strides = array<i32>} : memref<25616xi32, #tpu.memory_space<vmem>>, vector<16xi32>,
      %ne3A_988 = arith.constant 0 : i32
      %ne3A_989 = vector.broadcast %ne3A_988 : i32 to vector<16xi32>
      %ne3A_990 = arith.cmpi ne, %get3A_987, %ne3A_989 : vector<16xi32>
      %ne3A_991 = arith.constant 0 : i32
      %ne3A_992 = vector.broadcast %ne3A_991 : i32 to vector<16xi32>
      %ne3A_993 = arith.cmpi ne, %get3A_983, %ne3A_992 : vector<16xi32>
      %and3A_994 = arith.andi %ne3A_990, %ne3A_993 : vector<16xi1>
      %swap3A_995 = arith.index_cast %add3A_973 : i32 to index
      %swap3A_996 = tpu.vector_load %arg8[%swap3A_995] masked %and3A_994 {strides = array<i32>} : memref<216xi32, #tpu.memory_space<vmem>>, vector<16xi32>, vector<16xi1>
      tpu.vector_store %arg8[%swap3A_995], %get3A_983 masked %and3A_994 {strides = array<i32>} : memref<216xi32, #tpu.memory_space<vmem>>, vector<16xi32>, vector<16xi1>
      %all_reduce_population_count3A_997 = tpu.all_reduce %and3A_994 {dim = 0 : i64, kind = #tpu.reduction_kind<sum>} : vector<16xi1> -> vector<16xi32>
      %slice3A_998 = vector.extract_strided_slice %all_reduce_population_count3A_997 {offsets = [0], sizes = [1], strides = [1]} : vector<16xi32> to vector<1xi32>
      %squeeze3A_999 = vector.extract %slice3A_998[0] : i32 from vector<1xi32>
      %add3A_1000 = arith.addi %add3A_973, %squeeze3A_999 : i32
      %jit3A_1001 = arith.constant 1 : i32
      %jit3A_1002 = arith.constant 0 : i32
      %broadcast_in_dim3A_1003 = vector.broadcast %jit3A_1001 : i32 to vector<16xi32>
      %broadcast_in_dim3A_1004 = vector.broadcast %jit3A_1002 : i32 to vector<16xi32>
      %select_n3A_1005 = arith.select %ne3A_990, %broadcast_in_dim3A_1003, %broadcast_in_dim3A_1004 : vector<16xi1>, vector<16xi32>
      %add3A_1006 = arith.addi %add3A_979, %select_n3A_1005 : vector<16xi32>
      %add3A_1007 = arith.constant 48 : i32
      %add3A_1008 = arith.addi %mul3A_921, %add3A_1007 : i32
      %get3A_1009 = arith.index_cast %add3A_1008 : i32 to index
      %get3A_1010 = tpu.vector_load %arg6[%get3A_1009] {strides = array<i32>} : memref<25616xi32, #tpu.memory_space<vmem>>, vector<16xi32>,
      %add3A_1011 = arith.constant 48 : i32
      %add3A_1012 = arith.addi %mul3A_921, %add3A_1011 : i32
      %get3A_1013 = arith.index_cast %add3A_1012 : i32 to index
      %get3A_1014 = tpu.vector_load %arg7[%get3A_1013] {strides = array<i32>} : memref<25616xi32, #tpu.memory_space<vmem>>, vector<16xi32>,
      %ne3A_1015 = arith.constant 0 : i32
      %ne3A_1016 = vector.broadcast %ne3A_1015 : i32 to vector<16xi32>
      %ne3A_1017 = arith.cmpi ne, %get3A_1014, %ne3A_1016 : vector<16xi32>
      %ne3A_1018 = arith.constant 0 : i32
      %ne3A_1019 = vector.broadcast %ne3A_1018 : i32 to vector<16xi32>
      %ne3A_1020 = arith.cmpi ne, %get3A_1010, %ne3A_1019 : vector<16xi32>
      %and3A_1021 = arith.andi %ne3A_1017, %ne3A_1020 : vector<16xi1>
      %swap3A_1022 = arith.index_cast %add3A_1000 : i32 to index
      %swap3A_1023 = tpu.vector_load %arg8[%swap3A_1022] masked %and3A_1021 {strides = array<i32>} : memref<216xi32, #tpu.memory_space<vmem>>, vector<16xi32>, vector<16xi1>
      tpu.vector_store %arg8[%swap3A_1022], %get3A_1010 masked %and3A_1021 {strides = array<i32>} : memref<216xi32, #tpu.memory_space<vmem>>, vector<16xi32>, vector<16xi1>
      %all_reduce_population_count3A_1024 = tpu.all_reduce %and3A_1021 {dim = 0 : i64, kind = #tpu.reduction_kind<sum>} : vector<16xi1> -> vector<16xi32>
      %slice3A_1025 = vector.extract_strided_slice %all_reduce_population_count3A_1024 {offsets = [0], sizes = [1], strides = [1]} : vector<16xi32> to vector<1xi32>
      %squeeze3A_1026 = vector.extract %slice3A_1025[0] : i32 from vector<1xi32>
      %add3A_1027 = arith.addi %add3A_1000, %squeeze3A_1026 : i32
      %jit3A_1028 = arith.constant 1 : i32
      %jit3A_1029 = arith.constant 0 : i32
      %broadcast_in_dim3A_1030 = vector.broadcast %jit3A_1028 : i32 to vector<16xi32>
      %broadcast_in_dim3A_1031 = vector.broadcast %jit3A_1029 : i32 to vector<16xi32>
      %select_n3A_1032 = arith.select %ne3A_1017, %broadcast_in_dim3A_1030, %broadcast_in_dim3A_1031 : vector<16xi1>, vector<16xi32>
      %add3A_1033 = arith.addi %add3A_1006, %select_n3A_1032 : vector<16xi32>
      %add3A_1034 = arith.constant 64 : i32
      %add3A_1035 = arith.addi %mul3A_921, %add3A_1034 : i32
      %get3A_1036 = arith.index_cast %add3A_1035 : i32 to index
      %get3A_1037 = tpu.vector_load %arg6[%get3A_1036] {strides = array<i32>} : memref<25616xi32, #tpu.memory_space<vmem>>, vector<16xi32>,
      %add3A_1038 = arith.constant 64 : i32
      %add3A_1039 = arith.addi %mul3A_921, %add3A_1038 : i32
      %get3A_1040 = arith.index_cast %add3A_1039 : i32 to index
      %get3A_1041 = tpu.vector_load %arg7[%get3A_1040] {strides = array<i32>} : memref<25616xi32, #tpu.memory_space<vmem>>, vector<16xi32>,
      %ne3A_1042 = arith.constant 0 : i32
      %ne3A_1043 = vector.broadcast %ne3A_1042 : i32 to vector<16xi32>
      %ne3A_1044 = arith.cmpi ne, %get3A_1041, %ne3A_1043 : vector<16xi32>
      %ne3A_1045 = arith.constant 0 : i32
      %ne3A_1046 = vector.broadcast %ne3A_1045 : i32 to vector<16xi32>
      %ne3A_1047 = arith.cmpi ne, %get3A_1037, %ne3A_1046 : vector<16xi32>
      %and3A_1048 = arith.andi %ne3A_1044, %ne3A_1047 : vector<16xi1>
      %swap3A_1049 = arith.index_cast %add3A_1027 : i32 to index
      %swap3A_1050 = tpu.vector_load %arg8[%swap3A_1049] masked %and3A_1048 {strides = array<i32>} : memref<216xi32, #tpu.memory_space<vmem>>, vector<16xi32>, vector<16xi1>
      tpu.vector_store %arg8[%swap3A_1049], %get3A_1037 masked %and3A_1048 {strides = array<i32>} : memref<216xi32, #tpu.memory_space<vmem>>, vector<16xi32>, vector<16xi1>
      %all_reduce_population_count3A_1051 = tpu.all_reduce %and3A_1048 {dim = 0 : i64, kind = #tpu.reduction_kind<sum>} : vector<16xi1> -> vector<16xi32>
      %slice3A_1052 = vector.extract_strided_slice %all_reduce_population_count3A_1051 {offsets = [0], sizes = [1], strides = [1]} : vector<16xi32> to vector<1xi32>
      %squeeze3A_1053 = vector.extract %slice3A_1052[0] : i32 from vector<1xi32>
      %add3A_1054 = arith.addi %add3A_1027, %squeeze3A_1053 : i32
      %jit3A_1055 = arith.constant 1 : i32
      %jit3A_1056 = arith.constant 0 : i32
      %broadcast_in_dim3A_1057 = vector.broadcast %jit3A_1055 : i32 to vector<16xi32>
      %broadcast_in_dim3A_1058 = vector.broadcast %jit3A_1056 : i32 to vector<16xi32>
      %select_n3A_1059 = arith.select %ne3A_1044, %broadcast_in_dim3A_1057, %broadcast_in_dim3A_1058 : vector<16xi1>, vector<16xi32>
      %add3A_1060 = arith.addi %add3A_1033, %select_n3A_1059 : vector<16xi32>
      %add3A_1061 = arith.constant 80 : i32
      %add3A_1062 = arith.addi %mul3A_921, %add3A_1061 : i32
      %get3A_1063 = arith.index_cast %add3A_1062 : i32 to index
      %get3A_1064 = tpu.vector_load %arg6[%get3A_1063] {strides = array<i32>} : memref<25616xi32, #tpu.memory_space<vmem>>, vector<16xi32>,
      %add3A_1065 = arith.constant 80 : i32
      %add3A_1066 = arith.addi %mul3A_921, %add3A_1065 : i32
      %get3A_1067 = arith.index_cast %add3A_1066 : i32 to index
      %get3A_1068 = tpu.vector_load %arg7[%get3A_1067] {strides = array<i32>} : memref<25616xi32, #tpu.memory_space<vmem>>, vector<16xi32>,
      %ne3A_1069 = arith.constant 0 : i32
      %ne3A_1070 = vector.broadcast %ne3A_1069 : i32 to vector<16xi32>
      %ne3A_1071 = arith.cmpi ne, %get3A_1068, %ne3A_1070 : vector<16xi32>
      %ne3A_1072 = arith.constant 0 : i32
      %ne3A_1073 = vector.broadcast %ne3A_1072 : i32 to vector<16xi32>
      %ne3A_1074 = arith.cmpi ne, %get3A_1064, %ne3A_1073 : vector<16xi32>
      %and3A_1075 = arith.andi %ne3A_1071, %ne3A_1074 : vector<16xi1>
      %swap3A_1076 = arith.index_cast %add3A_1054 : i32 to index
      %swap3A_1077 = tpu.vector_load %arg8[%swap3A_1076] masked %and3A_1075 {strides = array<i32>} : memref<216xi32, #tpu.memory_space<vmem>>, vector<16xi32>, vector<16xi1>
      tpu.vector_store %arg8[%swap3A_1076], %get3A_1064 masked %and3A_1075 {strides = array<i32>} : memref<216xi32, #tpu.memory_space<vmem>>, vector<16xi32>, vector<16xi1>
      %all_reduce_population_count3A_1078 = tpu.all_reduce %and3A_1075 {dim = 0 : i64, kind = #tpu.reduction_kind<sum>} : vector<16xi1> -> vector<16xi32>
      %slice3A_1079 = vector.extract_strided_slice %all_reduce_population_count3A_1078 {offsets = [0], sizes = [1], strides = [1]} : vector<16xi32> to vector<1xi32>
      %squeeze3A_1080 = vector.extract %slice3A_1079[0] : i32 from vector<1xi32>
      %add3A_1081 = arith.addi %add3A_1054, %squeeze3A_1080 : i32
      %jit3A_1082 = arith.constant 1 : i32
      %jit3A_1083 = arith.constant 0 : i32
      %broadcast_in_dim3A_1084 = vector.broadcast %jit3A_1082 : i32 to vector<16xi32>
      %broadcast_in_dim3A_1085 = vector.broadcast %jit3A_1083 : i32 to vector<16xi32>
      %select_n3A_1086 = arith.select %ne3A_1071, %broadcast_in_dim3A_1084, %broadcast_in_dim3A_1085 : vector<16xi1>, vector<16xi32>
      %add3A_1087 = arith.addi %add3A_1060, %select_n3A_1086 : vector<16xi32>
      %add3A_1088 = arith.constant 96 : i32
      %add3A_1089 = arith.addi %mul3A_921, %add3A_1088 : i32
      %get3A_1090 = arith.index_cast %add3A_1089 : i32 to index
      %get3A_1091 = tpu.vector_load %arg6[%get3A_1090] {strides = array<i32>} : memref<25616xi32, #tpu.memory_space<vmem>>, vector<16xi32>,
      %add3A_1092 = arith.constant 96 : i32
      %add3A_1093 = arith.addi %mul3A_921, %add3A_1092 : i32
      %get3A_1094 = arith.index_cast %add3A_1093 : i32 to index
      %get3A_1095 = tpu.vector_load %arg7[%get3A_1094] {strides = array<i32>} : memref<25616xi32, #tpu.memory_space<vmem>>, vector<16xi32>,
      %ne3A_1096 = arith.constant 0 : i32
      %ne3A_1097 = vector.broadcast %ne3A_1096 : i32 to vector<16xi32>
      %ne3A_1098 = arith.cmpi ne, %get3A_1095, %ne3A_1097 : vector<16xi32>
      %ne3A_1099 = arith.constant 0 : i32
      %ne3A_1100 = vector.broadcast %ne3A_1099 : i32 to vector<16xi32>
      %ne3A_1101 = arith.cmpi ne, %get3A_1091, %ne3A_1100 : vector<16xi32>
      %and3A_1102 = arith.andi %ne3A_1098, %ne3A_1101 : vector<16xi1>
      %swap3A_1103 = arith.index_cast %add3A_1081 : i32 to index
      %swap3A_1104 = tpu.vector_load %arg8[%swap3A_1103] masked %and3A_1102 {strides = array<i32>} : memref<216xi32, #tpu.memory_space<vmem>>, vector<16xi32>, vector<16xi1>
      tpu.vector_store %arg8[%swap3A_1103], %get3A_1091 masked %and3A_1102 {strides = array<i32>} : memref<216xi32, #tpu.memory_space<vmem>>, vector<16xi32>, vector<16xi1>
      %all_reduce_population_count3A_1105 = tpu.all_reduce %and3A_1102 {dim = 0 : i64, kind = #tpu.reduction_kind<sum>} : vector<16xi1> -> vector<16xi32>
      %slice3A_1106 = vector.extract_strided_slice %all_reduce_population_count3A_1105 {offsets = [0], sizes = [1], strides = [1]} : vector<16xi32> to vector<1xi32>
      %squeeze3A_1107 = vector.extract %slice3A_1106[0] : i32 from vector<1xi32>
      %add3A_1108 = arith.addi %add3A_1081, %squeeze3A_1107 : i32
      %jit3A_1109 = arith.constant 1 : i32
      %jit3A_1110 = arith.constant 0 : i32
      %broadcast_in_dim3A_1111 = vector.broadcast %jit3A_1109 : i32 to vector<16xi32>
      %broadcast_in_dim3A_1112 = vector.broadcast %jit3A_1110 : i32 to vector<16xi32>
      %select_n3A_1113 = arith.select %ne3A_1098, %broadcast_in_dim3A_1111, %broadcast_in_dim3A_1112 : vector<16xi1>, vector<16xi32>
      %add3A_1114 = arith.addi %add3A_1087, %select_n3A_1113 : vector<16xi32>
      %add3A_1115 = arith.constant 112 : i32
      %add3A_1116 = arith.addi %mul3A_921, %add3A_1115 : i32
      %get3A_1117 = arith.index_cast %add3A_1116 : i32 to index
      %get3A_1118 = tpu.vector_load %arg6[%get3A_1117] {strides = array<i32>} : memref<25616xi32, #tpu.memory_space<vmem>>, vector<16xi32>,
      %add3A_1119 = arith.constant 112 : i32
      %add3A_1120 = arith.addi %mul3A_921, %add3A_1119 : i32
      %get3A_1121 = arith.index_cast %add3A_1120 : i32 to index
      %get3A_1122 = tpu.vector_load %arg7[%get3A_1121] {strides = array<i32>} : memref<25616xi32, #tpu.memory_space<vmem>>, vector<16xi32>,
      %ne3A_1123 = arith.constant 0 : i32
      %ne3A_1124 = vector.broadcast %ne3A_1123 : i32 to vector<16xi32>
      %ne3A_1125 = arith.cmpi ne, %get3A_1122, %ne3A_1124 : vector<16xi32>
      %ne3A_1126 = arith.constant 0 : i32
      %ne3A_1127 = vector.broadcast %ne3A_1126 : i32 to vector<16xi32>
      %ne3A_1128 = arith.cmpi ne, %get3A_1118, %ne3A_1127 : vector<16xi32>
      %and3A_1129 = arith.andi %ne3A_1125, %ne3A_1128 : vector<16xi1>
      %swap3A_1130 = arith.index_cast %add3A_1108 : i32 to index
      %swap3A_1131 = tpu.vector_load %arg8[%swap3A_1130] masked %and3A_1129 {strides = array<i32>} : memref<216xi32, #tpu.memory_space<vmem>>, vector<16xi32>, vector<16xi1>
      tpu.vector_store %arg8[%swap3A_1130], %get3A_1118 masked %and3A_1129 {strides = array<i32>} : memref<216xi32, #tpu.memory_space<vmem>>, vector<16xi32>, vector<16xi1>
      %all_reduce_population_count3A_1132 = tpu.all_reduce %and3A_1129 {dim = 0 : i64, kind = #tpu.reduction_kind<sum>} : vector<16xi1> -> vector<16xi32>
      %slice3A_1133 = vector.extract_strided_slice %all_reduce_population_count3A_1132 {offsets = [0], sizes = [1], strides = [1]} : vector<16xi32> to vector<1xi32>
      %squeeze3A_1134 = vector.extract %slice3A_1133[0] : i32 from vector<1xi32>
      %add3A_1135 = arith.addi %add3A_1108, %squeeze3A_1134 : i32
      %jit3A_1136 = arith.constant 1 : i32
      %jit3A_1137 = arith.constant 0 : i32
      %broadcast_in_dim3A_1138 = vector.broadcast %jit3A_1136 : i32 to vector<16xi32>
      %broadcast_in_dim3A_1139 = vector.broadcast %jit3A_1137 : i32 to vector<16xi32>
      %select_n3A_1140 = arith.select %ne3A_1125, %broadcast_in_dim3A_1138, %broadcast_in_dim3A_1139 : vector<16xi1>, vector<16xi32>
      %add3A_1141 = arith.addi %add3A_1114, %select_n3A_1140 : vector<16xi32>
      %add3A_1142 = arith.constant 128 : i32
      %add3A_1143 = arith.addi %mul3A_921, %add3A_1142 : i32
      %get3A_1144 = arith.index_cast %add3A_1143 : i32 to index
      %get3A_1145 = tpu.vector_load %arg6[%get3A_1144] {strides = array<i32>} : memref<25616xi32, #tpu.memory_space<vmem>>, vector<16xi32>,
      %add3A_1146 = arith.constant 128 : i32
      %add3A_1147 = arith.addi %mul3A_921, %add3A_1146 : i32
      %get3A_1148 = arith.index_cast %add3A_1147 : i32 to index
      %get3A_1149 = tpu.vector_load %arg7[%get3A_1148] {strides = array<i32>} : memref<25616xi32, #tpu.memory_space<vmem>>, vector<16xi32>,
      %ne3A_1150 = arith.constant 0 : i32
      %ne3A_1151 = vector.broadcast %ne3A_1150 : i32 to vector<16xi32>
      %ne3A_1152 = arith.cmpi ne, %get3A_1149, %ne3A_1151 : vector<16xi32>
      %ne3A_1153 = arith.constant 0 : i32
      %ne3A_1154 = vector.broadcast %ne3A_1153 : i32 to vector<16xi32>
      %ne3A_1155 = arith.cmpi ne, %get3A_1145, %ne3A_1154 : vector<16xi32>
      %and3A_1156 = arith.andi %ne3A_1152, %ne3A_1155 : vector<16xi1>
      %swap3A_1157 = arith.index_cast %add3A_1135 : i32 to index
      %swap3A_1158 = tpu.vector_load %arg8[%swap3A_1157] masked %and3A_1156 {strides = array<i32>} : memref<216xi32, #tpu.memory_space<vmem>>, vector<16xi32>, vector<16xi1>
      tpu.vector_store %arg8[%swap3A_1157], %get3A_1145 masked %and3A_1156 {strides = array<i32>} : memref<216xi32, #tpu.memory_space<vmem>>, vector<16xi32>, vector<16xi1>
      %all_reduce_population_count3A_1159 = tpu.all_reduce %and3A_1156 {dim = 0 : i64, kind = #tpu.reduction_kind<sum>} : vector<16xi1> -> vector<16xi32>
      %slice3A_1160 = vector.extract_strided_slice %all_reduce_population_count3A_1159 {offsets = [0], sizes = [1], strides = [1]} : vector<16xi32> to vector<1xi32>
      %squeeze3A_1161 = vector.extract %slice3A_1160[0] : i32 from vector<1xi32>
      %add3A_1162 = arith.addi %add3A_1135, %squeeze3A_1161 : i32
      %jit3A_1163 = arith.constant 1 : i32
      %jit3A_1164 = arith.constant 0 : i32
      %broadcast_in_dim3A_1165 = vector.broadcast %jit3A_1163 : i32 to vector<16xi32>
      %broadcast_in_dim3A_1166 = vector.broadcast %jit3A_1164 : i32 to vector<16xi32>
      %select_n3A_1167 = arith.select %ne3A_1152, %broadcast_in_dim3A_1165, %broadcast_in_dim3A_1166 : vector<16xi1>, vector<16xi32>
      %add3A_1168 = arith.addi %add3A_1141, %select_n3A_1167 : vector<16xi32>
      %add3A_1169 = arith.constant 144 : i32
      %add3A_1170 = arith.addi %mul3A_921, %add3A_1169 : i32
      %get3A_1171 = arith.index_cast %add3A_1170 : i32 to index
      %get3A_1172 = tpu.vector_load %arg6[%get3A_1171] {strides = array<i32>} : memref<25616xi32, #tpu.memory_space<vmem>>, vector<16xi32>,
      %add3A_1173 = arith.constant 144 : i32
      %add3A_1174 = arith.addi %mul3A_921, %add3A_1173 : i32
      %get3A_1175 = arith.index_cast %add3A_1174 : i32 to index
      %get3A_1176 = tpu.vector_load %arg7[%get3A_1175] {strides = array<i32>} : memref<25616xi32, #tpu.memory_space<vmem>>, vector<16xi32>,
      %ne3A_1177 = arith.constant 0 : i32
      %ne3A_1178 = vector.broadcast %ne3A_1177 : i32 to vector<16xi32>
      %ne3A_1179 = arith.cmpi ne, %get3A_1176, %ne3A_1178 : vector<16xi32>
      %ne3A_1180 = arith.constant 0 : i32
      %ne3A_1181 = vector.broadcast %ne3A_1180 : i32 to vector<16xi32>
      %ne3A_1182 = arith.cmpi ne, %get3A_1172, %ne3A_1181 : vector<16xi32>
      %and3A_1183 = arith.andi %ne3A_1179, %ne3A_1182 : vector<16xi1>
      %swap3A_1184 = arith.index_cast %add3A_1162 : i32 to index
      %swap3A_1185 = tpu.vector_load %arg8[%swap3A_1184] masked %and3A_1183 {strides = array<i32>} : memref<216xi32, #tpu.memory_space<vmem>>, vector<16xi32>, vector<16xi1>
      tpu.vector_store %arg8[%swap3A_1184], %get3A_1172 masked %and3A_1183 {strides = array<i32>} : memref<216xi32, #tpu.memory_space<vmem>>, vector<16xi32>, vector<16xi1>
      %all_reduce_population_count3A_1186 = tpu.all_reduce %and3A_1183 {dim = 0 : i64, kind = #tpu.reduction_kind<sum>} : vector<16xi1> -> vector<16xi32>
      %slice3A_1187 = vector.extract_strided_slice %all_reduce_population_count3A_1186 {offsets = [0], sizes = [1], strides = [1]} : vector<16xi32> to vector<1xi32>
      %squeeze3A_1188 = vector.extract %slice3A_1187[0] : i32 from vector<1xi32>
      %add3A_1189 = arith.addi %add3A_1162, %squeeze3A_1188 : i32
      %jit3A_1190 = arith.constant 1 : i32
      %jit3A_1191 = arith.constant 0 : i32
      %broadcast_in_dim3A_1192 = vector.broadcast %jit3A_1190 : i32 to vector<16xi32>
      %broadcast_in_dim3A_1193 = vector.broadcast %jit3A_1191 : i32 to vector<16xi32>
      %select_n3A_1194 = arith.select %ne3A_1179, %broadcast_in_dim3A_1192, %broadcast_in_dim3A_1193 : vector<16xi1>, vector<16xi32>
      %add3A_1195 = arith.addi %add3A_1168, %select_n3A_1194 : vector<16xi32>
      %add3A_1196 = arith.constant 160 : i32
      %add3A_1197 = arith.addi %mul3A_921, %add3A_1196 : i32
      %get3A_1198 = arith.index_cast %add3A_1197 : i32 to index
      %get3A_1199 = tpu.vector_load %arg6[%get3A_1198] {strides = array<i32>} : memref<25616xi32, #tpu.memory_space<vmem>>, vector<16xi32>,
      %add3A_1200 = arith.constant 160 : i32
      %add3A_1201 = arith.addi %mul3A_921, %add3A_1200 : i32
      %get3A_1202 = arith.index_cast %add3A_1201 : i32 to index
      %get3A_1203 = tpu.vector_load %arg7[%get3A_1202] {strides = array<i32>} : memref<25616xi32, #tpu.memory_space<vmem>>, vector<16xi32>,
      %ne3A_1204 = arith.constant 0 : i32
      %ne3A_1205 = vector.broadcast %ne3A_1204 : i32 to vector<16xi32>
      %ne3A_1206 = arith.cmpi ne, %get3A_1203, %ne3A_1205 : vector<16xi32>
      %ne3A_1207 = arith.constant 0 : i32
      %ne3A_1208 = vector.broadcast %ne3A_1207 : i32 to vector<16xi32>
      %ne3A_1209 = arith.cmpi ne, %get3A_1199, %ne3A_1208 : vector<16xi32>
      %and3A_1210 = arith.andi %ne3A_1206, %ne3A_1209 : vector<16xi1>
      %swap3A_1211 = arith.index_cast %add3A_1189 : i32 to index
      %swap3A_1212 = tpu.vector_load %arg8[%swap3A_1211] masked %and3A_1210 {strides = array<i32>} : memref<216xi32, #tpu.memory_space<vmem>>, vector<16xi32>, vector<16xi1>
      tpu.vector_store %arg8[%swap3A_1211], %get3A_1199 masked %and3A_1210 {strides = array<i32>} : memref<216xi32, #tpu.memory_space<vmem>>, vector<16xi32>, vector<16xi1>
      %all_reduce_population_count3A_1213 = tpu.all_reduce %and3A_1210 {dim = 0 : i64, kind = #tpu.reduction_kind<sum>} : vector<16xi1> -> vector<16xi32>
      %slice3A_1214 = vector.extract_strided_slice %all_reduce_population_count3A_1213 {offsets = [0], sizes = [1], strides = [1]} : vector<16xi32> to vector<1xi32>
      %squeeze3A_1215 = vector.extract %slice3A_1214[0] : i32 from vector<1xi32>
      %add3A_1216 = arith.addi %add3A_1189, %squeeze3A_1215 : i32
      %jit3A_1217 = arith.constant 1 : i32
      %jit3A_1218 = arith.constant 0 : i32
      %broadcast_in_dim3A_1219 = vector.broadcast %jit3A_1217 : i32 to vector<16xi32>
      %broadcast_in_dim3A_1220 = vector.broadcast %jit3A_1218 : i32 to vector<16xi32>
      %select_n3A_1221 = arith.select %ne3A_1206, %broadcast_in_dim3A_1219, %broadcast_in_dim3A_1220 : vector<16xi1>, vector<16xi32>
      %add3A_1222 = arith.addi %add3A_1195, %select_n3A_1221 : vector<16xi32>
      %add3A_1223 = arith.constant 176 : i32
      %add3A_1224 = arith.addi %mul3A_921, %add3A_1223 : i32
      %get3A_1225 = arith.index_cast %add3A_1224 : i32 to index
      %get3A_1226 = tpu.vector_load %arg6[%get3A_1225] {strides = array<i32>} : memref<25616xi32, #tpu.memory_space<vmem>>, vector<16xi32>,
      %add3A_1227 = arith.constant 176 : i32
      %add3A_1228 = arith.addi %mul3A_921, %add3A_1227 : i32
      %get3A_1229 = arith.index_cast %add3A_1228 : i32 to index
      %get3A_1230 = tpu.vector_load %arg7[%get3A_1229] {strides = array<i32>} : memref<25616xi32, #tpu.memory_space<vmem>>, vector<16xi32>,
      %ne3A_1231 = arith.constant 0 : i32
      %ne3A_1232 = vector.broadcast %ne3A_1231 : i32 to vector<16xi32>
      %ne3A_1233 = arith.cmpi ne, %get3A_1230, %ne3A_1232 : vector<16xi32>
      %ne3A_1234 = arith.constant 0 : i32
      %ne3A_1235 = vector.broadcast %ne3A_1234 : i32 to vector<16xi32>
      %ne3A_1236 = arith.cmpi ne, %get3A_1226, %ne3A_1235 : vector<16xi32>
      %and3A_1237 = arith.andi %ne3A_1233, %ne3A_1236 : vector<16xi1>
      %swap3A_1238 = arith.index_cast %add3A_1216 : i32 to index
      %swap3A_1239 = tpu.vector_load %arg8[%swap3A_1238] masked %and3A_1237 {strides = array<i32>} : memref<216xi32, #tpu.memory_space<vmem>>, vector<16xi32>, vector<16xi1>
      tpu.vector_store %arg8[%swap3A_1238], %get3A_1226 masked %and3A_1237 {strides = array<i32>} : memref<216xi32, #tpu.memory_space<vmem>>, vector<16xi32>, vector<16xi1>
      %all_reduce_population_count3A_1240 = tpu.all_reduce %and3A_1237 {dim = 0 : i64, kind = #tpu.reduction_kind<sum>} : vector<16xi1> -> vector<16xi32>
      %slice3A_1241 = vector.extract_strided_slice %all_reduce_population_count3A_1240 {offsets = [0], sizes = [1], strides = [1]} : vector<16xi32> to vector<1xi32>
      %squeeze3A_1242 = vector.extract %slice3A_1241[0] : i32 from vector<1xi32>
      %add3A_1243 = arith.addi %add3A_1216, %squeeze3A_1242 : i32
      %jit3A_1244 = arith.constant 1 : i32
      %jit3A_1245 = arith.constant 0 : i32
      %broadcast_in_dim3A_1246 = vector.broadcast %jit3A_1244 : i32 to vector<16xi32>
      %broadcast_in_dim3A_1247 = vector.broadcast %jit3A_1245 : i32 to vector<16xi32>
      %select_n3A_1248 = arith.select %ne3A_1233, %broadcast_in_dim3A_1246, %broadcast_in_dim3A_1247 : vector<16xi1>, vector<16xi32>
      %add3A_1249 = arith.addi %add3A_1222, %select_n3A_1248 : vector<16xi32>
      %add3A_1250 = arith.constant 192 : i32
      %add3A_1251 = arith.addi %mul3A_921, %add3A_1250 : i32
      %get3A_1252 = arith.index_cast %add3A_1251 : i32 to index
      %get3A_1253 = tpu.vector_load %arg6[%get3A_1252] {strides = array<i32>} : memref<25616xi32, #tpu.memory_space<vmem>>, vector<16xi32>,
      %add3A_1254 = arith.constant 192 : i32
      %add3A_1255 = arith.addi %mul3A_921, %add3A_1254 : i32
      %get3A_1256 = arith.index_cast %add3A_1255 : i32 to index
      %get3A_1257 = tpu.vector_load %arg7[%get3A_1256] {strides = array<i32>} : memref<25616xi32, #tpu.memory_space<vmem>>, vector<16xi32>,
      %ne3A_1258 = arith.constant 0 : i32
      %ne3A_1259 = vector.broadcast %ne3A_1258 : i32 to vector<16xi32>
      %ne3A_1260 = arith.cmpi ne, %get3A_1257, %ne3A_1259 : vector<16xi32>
      %lt3A_1261 = arith.constant 8 : i32
      %lt3A_1262 = vector.broadcast %lt3A_1261 : i32 to vector<16xi32>
      %lt3A_1263 = arith.cmpi slt, %iota3A, %lt3A_1262 : vector<16xi32>
      %and3A_1264 = arith.andi %ne3A_1260, %lt3A_1263 : vector<16xi1>
      %ne3A_1265 = arith.constant 0 : i32
      %ne3A_1266 = vector.broadcast %ne3A_1265 : i32 to vector<16xi32>
      %ne3A_1267 = arith.cmpi ne, %get3A_1253, %ne3A_1266 : vector<16xi32>
      %and3A_1268 = arith.andi %and3A_1264, %ne3A_1267 : vector<16xi1>
      %swap3A_1269 = arith.index_cast %add3A_1243 : i32 to index
      %swap3A_1270 = tpu.vector_load %arg8[%swap3A_1269] masked %and3A_1268 {strides = array<i32>} : memref<216xi32, #tpu.memory_space<vmem>>, vector<16xi32>, vector<16xi1>
      tpu.vector_store %arg8[%swap3A_1269], %get3A_1253 masked %and3A_1268 {strides = array<i32>} : memref<216xi32, #tpu.memory_space<vmem>>, vector<16xi32>, vector<16xi1>
      %all_reduce_population_count3A_1271 = tpu.all_reduce %and3A_1268 {dim = 0 : i64, kind = #tpu.reduction_kind<sum>} : vector<16xi1> -> vector<16xi32>
      %slice3A_1272 = vector.extract_strided_slice %all_reduce_population_count3A_1271 {offsets = [0], sizes = [1], strides = [1]} : vector<16xi32> to vector<1xi32>
      %squeeze3A_1273 = vector.extract %slice3A_1272[0] : i32 from vector<1xi32>
      %add3A_1274 = arith.addi %add3A_1243, %squeeze3A_1273 : i32
      %jit3A_1275 = arith.constant 1 : i32
      %jit3A_1276 = arith.constant 0 : i32
      %broadcast_in_dim3A_1277 = vector.broadcast %jit3A_1275 : i32 to vector<16xi32>
      %broadcast_in_dim3A_1278 = vector.broadcast %jit3A_1276 : i32 to vector<16xi32>
      %select_n3A_1279 = arith.select %and3A_1264, %broadcast_in_dim3A_1277, %broadcast_in_dim3A_1278 : vector<16xi1>, vector<16xi32>
      %add3A_1280 = arith.addi %add3A_1249, %select_n3A_1279 : vector<16xi32>
      %reduce_sum3A_1281 = arith.constant true
      %reduce_sum3A_1282 = vector.broadcast %reduce_sum3A_1281 : i1 to vector<16xi1>
      %reduce_sum3A_1283 = tpu.scan <sum>, %add3A_1280 masked %reduce_sum3A_1282 : vector<16xi32>, vector<16xi1> -> vector<16xi32>
      %reduce_sum3A_1284 = vector.extract %reduce_sum3A_1283[15] : i32 from vector<16xi32>
      %add3A_1285 = arith.constant 7 : i32
      %add3A_1286 = arith.addi %add3A_1274, %add3A_1285 : i32
      %shift_right_arithmetic3A_1287 = arith.constant 3 : i32
      %shift_right_arithmetic3A_1288 = arith.shrsi %add3A_1286, %shift_right_arithmetic3A_1287 : i32
      %while3A_1289 = arith.constant 0 : i32
      %while3A_1290 = arith.constant 0 : i32
      %while3A_1291 = arith.subi %shift_right_arithmetic3A_1288, %while3A_1289 : i32
      %while3A_1292 = arith.addi %while3A_1289, %while3A_1291 : i32
      %while3A_1293 = arith.constant 1 : i32
      %while3A_1294 = arith.divsi %while3A_1291, %while3A_1293 : i32
      %while3A_1295 = arith.muli %while3A_1294, %while3A_1293 : i32
      %while3A_1296 = arith.addi %while3A_1289, %while3A_1295 : i32
      %while3A_1297 = arith.constant 1 : i32
      %while3A_1298 = scf.for %while3A_1377 = %while3A_1289 to %while3A_1296 step %while3A_1297 iter_args(%while3A_1378 = %while3A_1290) -> (i32)  : i32 {
        %mul3A_1379 = arith.constant 8 : i32
        %mul3A_1380 = arith.muli %while3A_1377, %mul3A_1379 : i32
        %mul3A_1381 = arith.constant 8 : i32
        %mul3A_1382 = arith.muli %while3A_1377, %mul3A_1381 : i32
        %dma_start3A = arith.constant 0 : i32
        %dma_start3A_1383 = tpu.memref_slice %arg10[%mul3A_1382, %dma_start3A] : memref<200x128xf32, #tpu.memory_space<vmem>> -> memref<8x128xf32, #tpu.memory_space<vmem>>
        %dma_start3A_1384 = tpu.memref_slice %arg8[%mul3A_1380] : memref<216xi32, #tpu.memory_space<vmem>> -> memref<8xi32, #tpu.memory_space<vmem>>
        %dma_start3A_1385 = arith.constant 0 : i32
        %dma_start3A_1386 = arith.constant 0 : i32
        %dma_start3A_1387 = tpu.memref_slice %arg4[%dma_start3A_1385, %dma_start3A_1386] : memref<1000000x128xf32, #tpu.memory_space<hbm>> -> memref<1000000x128xf32, #tpu.memory_space<hbm>>
        tpu.enqueue_indirect_dma source(%dma_start3A_1387 : memref<1000000x128xf32, #tpu.memory_space<hbm>>) target(%dma_start3A_1383 : memref<8x128xf32, #tpu.memory_space<vmem>>) offsets(%dma_start3A_1384 : memref<8xi32, #tpu.memory_space<vmem>>) semaphore(%arg13 : memref<!tpu.dma_semaphore, #tpu.memory_space<semaphore_mem>>)
        %while3A_1388 = arith.constant 0 : i32
        scf.yield %while3A_1388 : i32
      }
      %while3A_1299 = arith.constant 1 : i32
      %while3A_1300 = scf.for %while3A_1377 = %while3A_1296 to %while3A_1292 step %while3A_1299 iter_args(%while3A_1378 = %while3A_1298) -> (i32)  : i32 {
        %mul3A_1379 = arith.constant 8 : i32
        %mul3A_1380 = arith.muli %while3A_1377, %mul3A_1379 : i32
        %mul3A_1381 = arith.constant 8 : i32
        %mul3A_1382 = arith.muli %while3A_1377, %mul3A_1381 : i32
        %dma_start3A = arith.constant 0 : i32
        %dma_start3A_1383 = tpu.memref_slice %arg10[%mul3A_1382, %dma_start3A] : memref<200x128xf32, #tpu.memory_space<vmem>> -> memref<8x128xf32, #tpu.memory_space<vmem>>
        %dma_start3A_1384 = tpu.memref_slice %arg8[%mul3A_1380] : memref<216xi32, #tpu.memory_space<vmem>> -> memref<8xi32, #tpu.memory_space<vmem>>
        %dma_start3A_1385 = arith.constant 0 : i32
        %dma_start3A_1386 = arith.constant 0 : i32
        %dma_start3A_1387 = tpu.memref_slice %arg4[%dma_start3A_1385, %dma_start3A_1386] : memref<1000000x128xf32, #tpu.memory_space<hbm>> -> memref<1000000x128xf32, #tpu.memory_space<hbm>>
        tpu.enqueue_indirect_dma source(%dma_start3A_1387 : memref<1000000x128xf32, #tpu.memory_space<hbm>>) target(%dma_start3A_1383 : memref<8x128xf32, #tpu.memory_space<vmem>>) offsets(%dma_start3A_1384 : memref<8xi32, #tpu.memory_space<vmem>>) semaphore(%arg13 : memref<!tpu.dma_semaphore, #tpu.memory_space<semaphore_mem>>)
        %while3A_1388 = arith.constant 0 : i32
        scf.yield %while3A_1388 : i32
      }
      %while3A_1301 = arith.constant 0 : i32
      %while3A_1302 = arith.constant 0 : i32
      %while3A_1303 = arith.subi %shift_right_arithmetic3A_831, %while3A_1301 : i32
      %while3A_1304 = arith.addi %while3A_1301, %while3A_1303 : i32
      %while3A_1305 = arith.constant 1 : i32
      %while3A_1306 = arith.divsi %while3A_1303, %while3A_1305 : i32
      %while3A_1307 = arith.muli %while3A_1306, %while3A_1305 : i32
      %while3A_1308 = arith.addi %while3A_1301, %while3A_1307 : i32
      %while3A_1309 = arith.constant 1 : i32
      %while3A_1310 = scf.for %while3A_1377 = %while3A_1301 to %while3A_1308 step %while3A_1309 iter_args(%while3A_1378 = %while3A_1302) -> (i32)  : i32 {
        %dma_wait3A = arith.constant 0 : i32
        %dma_wait3A_1379 = arith.constant 0 : i32
        %dma_wait3A_1380 = tpu.memref_slice %arg11[%dma_wait3A, %dma_wait3A_1379] : memref<200x128xf32, #tpu.memory_space<vmem>> -> memref<8x128xf32, #tpu.memory_space<vmem>>
        %dma_wait3A_1381 = arith.constant 0 : i32
        %dma_wait3A_1382 = tpu.memref_slice %arg9[%dma_wait3A_1381] : memref<216xi32, #tpu.memory_space<vmem>> -> memref<8xi32, #tpu.memory_space<vmem>>
        %dma_wait3A_1383 = arith.constant 0 : i32
        %dma_wait3A_1384 = arith.constant 0 : i32
        %dma_wait3A_1385 = tpu.memref_slice %arg4[%dma_wait3A_1383, %dma_wait3A_1384] : memref<1000000x128xf32, #tpu.memory_space<hbm>> -> memref<1000000x128xf32, #tpu.memory_space<hbm>>
        tpu.wait_indirect_dma semaphore(%arg14 : memref<!tpu.dma_semaphore, #tpu.memory_space<semaphore_mem>>) src(%dma_wait3A_1385 : memref<1000000x128xf32, #tpu.memory_space<hbm>>) dst(%dma_wait3A_1380 : memref<8x128xf32, #tpu.memory_space<vmem>>)
        %while3A_1386 = arith.constant 0 : i32
        scf.yield %while3A_1386 : i32
      }
      %while3A_1311 = arith.constant 1 : i32
      %while3A_1312 = scf.for %while3A_1377 = %while3A_1308 to %while3A_1304 step %while3A_1311 iter_args(%while3A_1378 = %while3A_1310) -> (i32)  : i32 {
        %dma_wait3A = arith.constant 0 : i32
        %dma_wait3A_1379 = arith.constant 0 : i32
        %dma_wait3A_1380 = tpu.memref_slice %arg11[%dma_wait3A, %dma_wait3A_1379] : memref<200x128xf32, #tpu.memory_space<vmem>> -> memref<8x128xf32, #tpu.memory_space<vmem>>
        %dma_wait3A_1381 = arith.constant 0 : i32
        %dma_wait3A_1382 = tpu.memref_slice %arg9[%dma_wait3A_1381] : memref<216xi32, #tpu.memory_space<vmem>> -> memref<8xi32, #tpu.memory_space<vmem>>
        %dma_wait3A_1383 = arith.constant 0 : i32
        %dma_wait3A_1384 = arith.constant 0 : i32
        %dma_wait3A_1385 = tpu.memref_slice %arg4[%dma_wait3A_1383, %dma_wait3A_1384] : memref<1000000x128xf32, #tpu.memory_space<hbm>> -> memref<1000000x128xf32, #tpu.memory_space<hbm>>
        tpu.wait_indirect_dma semaphore(%arg14 : memref<!tpu.dma_semaphore, #tpu.memory_space<semaphore_mem>>) src(%dma_wait3A_1385 : memref<1000000x128xf32, #tpu.memory_space<hbm>>) dst(%dma_wait3A_1380 : memref<8x128xf32, #tpu.memory_space<vmem>>)
        %while3A_1386 = arith.constant 0 : i32
        scf.yield %while3A_1386 : i32
      }
      %broadcast_in_dim3A_1313 = arith.constant 0.000000e+00 : f32
      %broadcast_in_dim3A_1314 = vector.broadcast %broadcast_in_dim3A_1313 : f32 to vector<16xf32>
      %broadcast_in_dim3A_1315 = arith.constant 0.000000e+00 : f32
      %broadcast_in_dim3A_1316 = vector.broadcast %broadcast_in_dim3A_1315 : f32 to vector<16xf32>
      %broadcast_in_dim3A_1317 = arith.constant 0.000000e+00 : f32
      %broadcast_in_dim3A_1318 = vector.broadcast %broadcast_in_dim3A_1317 : f32 to vector<16xf32>
      %broadcast_in_dim3A_1319 = arith.constant 0.000000e+00 : f32
      %broadcast_in_dim3A_1320 = vector.broadcast %broadcast_in_dim3A_1319 : f32 to vector<16xf32>
      %broadcast_in_dim3A_1321 = arith.constant 0.000000e+00 : f32
      %broadcast_in_dim3A_1322 = vector.broadcast %broadcast_in_dim3A_1321 : f32 to vector<16xf32>
      %broadcast_in_dim3A_1323 = arith.constant 0.000000e+00 : f32
      %broadcast_in_dim3A_1324 = vector.broadcast %broadcast_in_dim3A_1323 : f32 to vector<16xf32>
      %broadcast_in_dim3A_1325 = arith.constant 0.000000e+00 : f32
      %broadcast_in_dim3A_1326 = vector.broadcast %broadcast_in_dim3A_1325 : f32 to vector<16xf32>
      %broadcast_in_dim3A_1327 = arith.constant 0.000000e+00 : f32
      %broadcast_in_dim3A_1328 = vector.broadcast %broadcast_in_dim3A_1327 : f32 to vector<16xf32>
      %while3A_1329 = arith.constant 0 : i32
      %while3A_1330 = arith.subi %add3A_817, %while3A_1329 : i32
      %while3A_1331 = arith.addi %while3A_1329, %while3A_1330 : i32
      %while3A_1332 = arith.constant 1 : i32
      %while3A_1333 = arith.divsi %while3A_1330, %while3A_1332 : i32
      %while3A_1334 = arith.muli %while3A_1333, %while3A_1332 : i32
      %while3A_1335 = arith.addi %while3A_1329, %while3A_1334 : i32
      %while3A_1336 = arith.constant 1 : i32
      %while3A_1337:8 = scf.for %while3A_1377 = %while3A_1329 to %while3A_1335 step %while3A_1336 iter_args(%while3A_1378 = %broadcast_in_dim3A_1314, %while3A_1379 = %broadcast_in_dim3A_1316, %while3A_1380 = %broadcast_in_dim3A_1318, %while3A_1381 = %broadcast_in_dim3A_1320, %while3A_1382 = %broadcast_in_dim3A_1322, %while3A_1383 = %broadcast_in_dim3A_1324, %while3A_1384 = %broadcast_in_dim3A_1326, %while3A_1385 = %broadcast_in_dim3A_1328) -> (vector<16xf32>, vector<16xf32>, vector<16xf32>, vector<16xf32>, vector<16xf32>, vector<16xf32>, vector<16xf32>, vector<16xf32>)  : i32 {
        %get3A_1386 = arith.index_cast %while3A_1377 : i32 to index
        %get3A_1387 = arith.constant 0 : index
        %get3A_1388 = tpu.vector_load %arg11[%get3A_1386, %get3A_1387] {strides = array<i32>} : memref<200x128xf32, #tpu.memory_space<vmem>>, vector<16xf32>,
        %add3A_1389 = arith.addf %while3A_1378, %get3A_1388 : vector<16xf32>
        %get3A_1390 = arith.index_cast %while3A_1377 : i32 to index
        %get3A_1391 = arith.constant 16 : index
        %get3A_1392 = tpu.vector_load %arg11[%get3A_1390, %get3A_1391] {strides = array<i32>} : memref<200x128xf32, #tpu.memory_space<vmem>>, vector<16xf32>,
        %add3A_1393 = arith.addf %while3A_1379, %get3A_1392 : vector<16xf32>
        %get3A_1394 = arith.index_cast %while3A_1377 : i32 to index
        %get3A_1395 = arith.constant 32 : index
        %get3A_1396 = tpu.vector_load %arg11[%get3A_1394, %get3A_1395] {strides = array<i32>} : memref<200x128xf32, #tpu.memory_space<vmem>>, vector<16xf32>,
        %add3A_1397 = arith.addf %while3A_1380, %get3A_1396 : vector<16xf32>
        %get3A_1398 = arith.index_cast %while3A_1377 : i32 to index
        %get3A_1399 = arith.constant 48 : index
        %get3A_1400 = tpu.vector_load %arg11[%get3A_1398, %get3A_1399] {strides = array<i32>} : memref<200x128xf32, #tpu.memory_space<vmem>>, vector<16xf32>,
        %add3A_1401 = arith.addf %while3A_1381, %get3A_1400 : vector<16xf32>
        %get3A_1402 = arith.index_cast %while3A_1377 : i32 to index
        %get3A_1403 = arith.constant 64 : index
        %get3A_1404 = tpu.vector_load %arg11[%get3A_1402, %get3A_1403] {strides = array<i32>} : memref<200x128xf32, #tpu.memory_space<vmem>>, vector<16xf32>,
        %add3A_1405 = arith.addf %while3A_1382, %get3A_1404 : vector<16xf32>
        %get3A_1406 = arith.index_cast %while3A_1377 : i32 to index
        %get3A_1407 = arith.constant 80 : index
        %get3A_1408 = tpu.vector_load %arg11[%get3A_1406, %get3A_1407] {strides = array<i32>} : memref<200x128xf32, #tpu.memory_space<vmem>>, vector<16xf32>,
        %add3A_1409 = arith.addf %while3A_1383, %get3A_1408 : vector<16xf32>
        %get3A_1410 = arith.index_cast %while3A_1377 : i32 to index
        %get3A_1411 = arith.constant 96 : index
        %get3A_1412 = tpu.vector_load %arg11[%get3A_1410, %get3A_1411] {strides = array<i32>} : memref<200x128xf32, #tpu.memory_space<vmem>>, vector<16xf32>,
        %add3A_1413 = arith.addf %while3A_1384, %get3A_1412 : vector<16xf32>
        %get3A_1414 = arith.index_cast %while3A_1377 : i32 to index
        %get3A_1415 = arith.constant 112 : index
        %get3A_1416 = tpu.vector_load %arg11[%get3A_1414, %get3A_1415] {strides = array<i32>} : memref<200x128xf32, #tpu.memory_space<vmem>>, vector<16xf32>,
        %add3A_1417 = arith.addf %while3A_1385, %get3A_1416 : vector<16xf32>
        scf.yield %add3A_1389, %add3A_1393, %add3A_1397, %add3A_1401, %add3A_1405, %add3A_1409, %add3A_1413, %add3A_1417 : vector<16xf32>, vector<16xf32>, vector<16xf32>, vector<16xf32>, vector<16xf32>, vector<16xf32>, vector<16xf32>, vector<16xf32>
      }
      %while3A_1338 = arith.constant 1 : i32
      %while3A_1339:8 = scf.for %while3A_1377 = %while3A_1335 to %while3A_1331 step %while3A_1338 iter_args(%while3A_1378 = %while3A_1337#0, %while3A_1379 = %while3A_1337#1, %while3A_1380 = %while3A_1337#2, %while3A_1381 = %while3A_1337#3, %while3A_1382 = %while3A_1337#4, %while3A_1383 = %while3A_1337#5, %while3A_1384 = %while3A_1337#6, %while3A_1385 = %while3A_1337#7) -> (vector<16xf32>, vector<16xf32>, vector<16xf32>, vector<16xf32>, vector<16xf32>, vector<16xf32>, vector<16xf32>, vector<16xf32>)  : i32 {
        %get3A_1386 = arith.index_cast %while3A_1377 : i32 to index
        %get3A_1387 = arith.constant 0 : index
        %get3A_1388 = tpu.vector_load %arg11[%get3A_1386, %get3A_1387] {strides = array<i32>} : memref<200x128xf32, #tpu.memory_space<vmem>>, vector<16xf32>,
        %add3A_1389 = arith.addf %while3A_1378, %get3A_1388 : vector<16xf32>
        %get3A_1390 = arith.index_cast %while3A_1377 : i32 to index
        %get3A_1391 = arith.constant 16 : index
        %get3A_1392 = tpu.vector_load %arg11[%get3A_1390, %get3A_1391] {strides = array<i32>} : memref<200x128xf32, #tpu.memory_space<vmem>>, vector<16xf32>,
        %add3A_1393 = arith.addf %while3A_1379, %get3A_1392 : vector<16xf32>
        %get3A_1394 = arith.index_cast %while3A_1377 : i32 to index
        %get3A_1395 = arith.constant 32 : index
        %get3A_1396 = tpu.vector_load %arg11[%get3A_1394, %get3A_1395] {strides = array<i32>} : memref<200x128xf32, #tpu.memory_space<vmem>>, vector<16xf32>,
        %add3A_1397 = arith.addf %while3A_1380, %get3A_1396 : vector<16xf32>
        %get3A_1398 = arith.index_cast %while3A_1377 : i32 to index
        %get3A_1399 = arith.constant 48 : index
        %get3A_1400 = tpu.vector_load %arg11[%get3A_1398, %get3A_1399] {strides = array<i32>} : memref<200x128xf32, #tpu.memory_space<vmem>>, vector<16xf32>,
        %add3A_1401 = arith.addf %while3A_1381, %get3A_1400 : vector<16xf32>
        %get3A_1402 = arith.index_cast %while3A_1377 : i32 to index
        %get3A_1403 = arith.constant 64 : index
        %get3A_1404 = tpu.vector_load %arg11[%get3A_1402, %get3A_1403] {strides = array<i32>} : memref<200x128xf32, #tpu.memory_space<vmem>>, vector<16xf32>,
        %add3A_1405 = arith.addf %while3A_1382, %get3A_1404 : vector<16xf32>
        %get3A_1406 = arith.index_cast %while3A_1377 : i32 to index
        %get3A_1407 = arith.constant 80 : index
        %get3A_1408 = tpu.vector_load %arg11[%get3A_1406, %get3A_1407] {strides = array<i32>} : memref<200x128xf32, #tpu.memory_space<vmem>>, vector<16xf32>,
        %add3A_1409 = arith.addf %while3A_1383, %get3A_1408 : vector<16xf32>
        %get3A_1410 = arith.index_cast %while3A_1377 : i32 to index
        %get3A_1411 = arith.constant 96 : index
        %get3A_1412 = tpu.vector_load %arg11[%get3A_1410, %get3A_1411] {strides = array<i32>} : memref<200x128xf32, #tpu.memory_space<vmem>>, vector<16xf32>,
        %add3A_1413 = arith.addf %while3A_1384, %get3A_1412 : vector<16xf32>
        %get3A_1414 = arith.index_cast %while3A_1377 : i32 to index
        %get3A_1415 = arith.constant 112 : index
        %get3A_1416 = tpu.vector_load %arg11[%get3A_1414, %get3A_1415] {strides = array<i32>} : memref<200x128xf32, #tpu.memory_space<vmem>>, vector<16xf32>,
        %add3A_1417 = arith.addf %while3A_1385, %get3A_1416 : vector<16xf32>
        scf.yield %add3A_1389, %add3A_1393, %add3A_1397, %add3A_1401, %add3A_1405, %add3A_1409, %add3A_1413, %add3A_1417 : vector<16xf32>, vector<16xf32>, vector<16xf32>, vector<16xf32>, vector<16xf32>, vector<16xf32>, vector<16xf32>, vector<16xf32>
      }
      %broadcast_in_dim3A_1340 = vector.broadcast %reduce_sum3A_827 : i32 to vector<16xi32>
      %max3A_1341 = arith.constant 1 : i32
      %max3A_1342 = vector.broadcast %max3A_1341 : i32 to vector<16xi32>
      %max3A_1343 = arith.maxsi %broadcast_in_dim3A_1340, %max3A_1342 : vector<16xi32>
      %convert_element_type3A_1344 = arith.sitofp %max3A_1343 : vector<16xi32> to vector<16xf32>
      %div3A_1345 = arith.divf %while3A_1339#0, %convert_element_type3A_1344 : vector<16xf32>
      %swap3A_1346 = arith.index_cast %add3A_462 : i32 to index
      %swap3A_1347 = arith.constant 0 : index
      %swap3A_1348 = tpu.vector_load %arg12[%swap3A_1346, %swap3A_1347] {strides = array<i32>} : memref<128x128xf32, #tpu.memory_space<vmem>>, vector<16xf32>,
      tpu.vector_store %arg12[%swap3A_1346, %swap3A_1347], %div3A_1345 {strides = array<i32>} : memref<128x128xf32, #tpu.memory_space<vmem>>, vector<16xf32>,
      %div3A_1349 = arith.divf %while3A_1339#1, %convert_element_type3A_1344 : vector<16xf32>
      %swap3A_1350 = arith.index_cast %add3A_462 : i32 to index
      %swap3A_1351 = arith.constant 16 : index
      %swap3A_1352 = tpu.vector_load %arg12[%swap3A_1350, %swap3A_1351] {strides = array<i32>} : memref<128x128xf32, #tpu.memory_space<vmem>>, vector<16xf32>,
      tpu.vector_store %arg12[%swap3A_1350, %swap3A_1351], %div3A_1349 {strides = array<i32>} : memref<128x128xf32, #tpu.memory_space<vmem>>, vector<16xf32>,
      %div3A_1353 = arith.divf %while3A_1339#2, %convert_element_type3A_1344 : vector<16xf32>
      %swap3A_1354 = arith.index_cast %add3A_462 : i32 to index
      %swap3A_1355 = arith.constant 32 : index
      %swap3A_1356 = tpu.vector_load %arg12[%swap3A_1354, %swap3A_1355] {strides = array<i32>} : memref<128x128xf32, #tpu.memory_space<vmem>>, vector<16xf32>,
      tpu.vector_store %arg12[%swap3A_1354, %swap3A_1355], %div3A_1353 {strides = array<i32>} : memref<128x128xf32, #tpu.memory_space<vmem>>, vector<16xf32>,
      %div3A_1357 = arith.divf %while3A_1339#3, %convert_element_type3A_1344 : vector<16xf32>
      %swap3A_1358 = arith.index_cast %add3A_462 : i32 to index
      %swap3A_1359 = arith.constant 48 : index
      %swap3A_1360 = tpu.vector_load %arg12[%swap3A_1358, %swap3A_1359] {strides = array<i32>} : memref<128x128xf32, #tpu.memory_space<vmem>>, vector<16xf32>,
      tpu.vector_store %arg12[%swap3A_1358, %swap3A_1359], %div3A_1357 {strides = array<i32>} : memref<128x128xf32, #tpu.memory_space<vmem>>, vector<16xf32>,
      %div3A_1361 = arith.divf %while3A_1339#4, %convert_element_type3A_1344 : vector<16xf32>
      %swap3A_1362 = arith.index_cast %add3A_462 : i32 to index
      %swap3A_1363 = arith.constant 64 : index
      %swap3A_1364 = tpu.vector_load %arg12[%swap3A_1362, %swap3A_1363] {strides = array<i32>} : memref<128x128xf32, #tpu.memory_space<vmem>>, vector<16xf32>,
      tpu.vector_store %arg12[%swap3A_1362, %swap3A_1363], %div3A_1361 {strides = array<i32>} : memref<128x128xf32, #tpu.memory_space<vmem>>, vector<16xf32>,
      %div3A_1365 = arith.divf %while3A_1339#5, %convert_element_type3A_1344 : vector<16xf32>
      %swap3A_1366 = arith.index_cast %add3A_462 : i32 to index
      %swap3A_1367 = arith.constant 80 : index
      %swap3A_1368 = tpu.vector_load %arg12[%swap3A_1366, %swap3A_1367] {strides = array<i32>} : memref<128x128xf32, #tpu.memory_space<vmem>>, vector<16xf32>,
      tpu.vector_store %arg12[%swap3A_1366, %swap3A_1367], %div3A_1365 {strides = array<i32>} : memref<128x128xf32, #tpu.memory_space<vmem>>, vector<16xf32>,
      %div3A_1369 = arith.divf %while3A_1339#6, %convert_element_type3A_1344 : vector<16xf32>
      %swap3A_1370 = arith.index_cast %add3A_462 : i32 to index
      %swap3A_1371 = arith.constant 96 : index
      %swap3A_1372 = tpu.vector_load %arg12[%swap3A_1370, %swap3A_1371] {strides = array<i32>} : memref<128x128xf32, #tpu.memory_space<vmem>>, vector<16xf32>,
      tpu.vector_store %arg12[%swap3A_1370, %swap3A_1371], %div3A_1369 {strides = array<i32>} : memref<128x128xf32, #tpu.memory_space<vmem>>, vector<16xf32>,
      %div3A_1373 = arith.divf %while3A_1339#7, %convert_element_type3A_1344 : vector<16xf32>
      %swap3A_1374 = arith.index_cast %add3A_462 : i32 to index
      %swap3A_1375 = arith.constant 112 : index
      %swap3A_1376 = tpu.vector_load %arg12[%swap3A_1374, %swap3A_1375] {strides = array<i32>} : memref<128x128xf32, #tpu.memory_space<vmem>>, vector<16xf32>,
      tpu.vector_store %arg12[%swap3A_1374, %swap3A_1375], %div3A_1373 {strides = array<i32>} : memref<128x128xf32, #tpu.memory_space<vmem>>, vector<16xf32>,
      scf.yield %add3A_1274, %reduce_sum3A_1284, %shift_right_arithmetic3A_1288 : i32, i32, i32
    }
    %scan3A_440 = arith.constant 64 : i32
    %while3A_441 = arith.constant 0 : i32
    %while3A_442 = arith.constant 0 : i32
    %while3A_443 = arith.subi %scan3A_439#2, %while3A_441 : i32
    %while3A_444 = arith.addi %while3A_441, %while3A_443 : i32
    %while3A_445 = arith.constant 1 : i32
    %while3A_446 = arith.divsi %while3A_443, %while3A_445 : i32
    %while3A_447 = arith.muli %while3A_446, %while3A_445 : i32
    %while3A_448 = arith.addi %while3A_441, %while3A_447 : i32
    %while3A_449 = arith.constant 1 : i32
    %while3A_450 = scf.for %while3A_455 = %while3A_441 to %while3A_448 step %while3A_449 iter_args(%while3A_456 = %while3A_442) -> (i32)  : i32 {
      %dma_wait3A = arith.constant 0 : i32
      %dma_wait3A_457 = arith.constant 0 : i32
      %dma_wait3A_458 = tpu.memref_slice %arg10[%dma_wait3A, %dma_wait3A_457] : memref<200x128xf32, #tpu.memory_space<vmem>> -> memref<8x128xf32, #tpu.memory_space<vmem>>
      %dma_wait3A_459 = arith.constant 0 : i32
      %dma_wait3A_460 = tpu.memref_slice %arg8[%dma_wait3A_459] : memref<216xi32, #tpu.memory_space<vmem>> -> memref<8xi32, #tpu.memory_space<vmem>>
      %dma_wait3A_461 = arith.constant 0 : i32
      %dma_wait3A_462 = arith.constant 0 : i32
      %dma_wait3A_463 = tpu.memref_slice %arg4[%dma_wait3A_461, %dma_wait3A_462] : memref<1000000x128xf32, #tpu.memory_space<hbm>> -> memref<1000000x128xf32, #tpu.memory_space<hbm>>
      tpu.wait_indirect_dma semaphore(%arg13 : memref<!tpu.dma_semaphore, #tpu.memory_space<semaphore_mem>>) src(%dma_wait3A_463 : memref<1000000x128xf32, #tpu.memory_space<hbm>>) dst(%dma_wait3A_458 : memref<8x128xf32, #tpu.memory_space<vmem>>)
      %while3A_464 = arith.constant 0 : i32
      scf.yield %while3A_464 : i32
    }
    %while3A_451 = arith.constant 1 : i32
    %while3A_452 = scf.for %while3A_455 = %while3A_448 to %while3A_444 step %while3A_451 iter_args(%while3A_456 = %while3A_450) -> (i32)  : i32 {
      %dma_wait3A = arith.constant 0 : i32
      %dma_wait3A_457 = arith.constant 0 : i32
      %dma_wait3A_458 = tpu.memref_slice %arg10[%dma_wait3A, %dma_wait3A_457] : memref<200x128xf32, #tpu.memory_space<vmem>> -> memref<8x128xf32, #tpu.memory_space<vmem>>
      %dma_wait3A_459 = arith.constant 0 : i32
      %dma_wait3A_460 = tpu.memref_slice %arg8[%dma_wait3A_459] : memref<216xi32, #tpu.memory_space<vmem>> -> memref<8xi32, #tpu.memory_space<vmem>>
      %dma_wait3A_461 = arith.constant 0 : i32
      %dma_wait3A_462 = arith.constant 0 : i32
      %dma_wait3A_463 = tpu.memref_slice %arg4[%dma_wait3A_461, %dma_wait3A_462] : memref<1000000x128xf32, #tpu.memory_space<hbm>> -> memref<1000000x128xf32, #tpu.memory_space<hbm>>
      tpu.wait_indirect_dma semaphore(%arg13 : memref<!tpu.dma_semaphore, #tpu.memory_space<semaphore_mem>>) src(%dma_wait3A_463 : memref<1000000x128xf32, #tpu.memory_space<hbm>>) dst(%dma_wait3A_458 : memref<8x128xf32, #tpu.memory_space<vmem>>)
      %while3A_464 = arith.constant 0 : i32
      scf.yield %while3A_464 : i32
    }
    %mul3A_453 = arith.constant 128 : i32
    %mul3A_454 = arith.muli %add3A, %mul3A_453 : i32
    "tpu.region"() ({
      %run_scoped3A = tpu.sem_alloc : memref<!tpu.dma_semaphore, #tpu.memory_space<semaphore_mem>>
      %dma_start3A = arith.constant 0 : i32
      %dma_start3A_455 = tpu.memref_slice %arg5[%mul3A_454, %dma_start3A] : memref<4096x128xf32, #tpu.memory_space<hbm>> -> memref<128x128xf32, #tpu.memory_space<hbm>>
      %dma_start3A_456 = arith.constant 0 : i32
      %dma_start3A_457 = tpu.memref_slice %arg5[%mul3A_454, %dma_start3A_456] : memref<4096x128xf32, #tpu.memory_space<hbm>> -> memref<128x128xf32, #tpu.memory_space<hbm>>
      tpu.enqueue_dma source(%arg12 : memref<128x128xf32, #tpu.memory_space<vmem>>) target(%dma_start3A_457 : memref<128x128xf32, #tpu.memory_space<hbm>>) target_semaphore(%run_scoped3A : memref<!tpu.dma_semaphore, #tpu.memory_space<semaphore_mem>>)
      %dma_wait3A = arith.constant 0 : i32
      %dma_wait3A_458 = tpu.memref_slice %arg5[%mul3A_454, %dma_wait3A] : memref<4096x128xf32, #tpu.memory_space<hbm>> -> memref<128x128xf32, #tpu.memory_space<hbm>>
      %dma_wait3A_459 = arith.constant 0 : i32
      %dma_wait3A_460 = tpu.memref_slice %arg5[%mul3A_454, %dma_wait3A_459] : memref<4096x128xf32, #tpu.memory_space<hbm>> -> memref<128x128xf32, #tpu.memory_space<hbm>>
      tpu.wait_dma2 semaphore(%run_scoped3A : memref<!tpu.dma_semaphore, #tpu.memory_space<semaphore_mem>>) src(%arg12 : memref<128x128xf32, #tpu.memory_space<vmem>>) dst(%dma_wait3A_460 : memref<128x128xf32, #tpu.memory_space<hbm>>)
      tpu.yield
    }) : () -> ()
    return
  }
}

module attributes {stable_mosaic.version = 14 : i64} {
  func.func @body(%arg0: i32, %arg1: memref<512x128xf32, #tpu.memory_space<vmem>>, %arg2: memref<128x256xf32, #tpu.memory_space<vmem>>, %arg3: memref<1x256xf32, #tpu.memory_space<vmem>>, %arg4: memref<256x8xf32, #tpu.memory_space<vmem>>, %arg5: memref<1x8xf32, #tpu.memory_space<vmem>>, %arg6: memref<512x8xf32, #tpu.memory_space<vmem>>) attributes {dimension_semantics = [#tpu.dimension_semantics<arbitrary>], iteration_bounds = array<i64: 8>, scalar_prefetch = 0 : i64, scratch_operands = 0 : i64, tpu.core_type = #tpu.core_type<tc>, window_params = [{transform_indices = @transform_0, window_bounds = array<i64: 512, 128>}, {pipeline_mode = #tpu.pipeline_mode<synchronous>, transform_indices = @transform_1, window_bounds = array<i64: 128, 256>}, {pipeline_mode = #tpu.pipeline_mode<synchronous>, transform_indices = @transform_2, window_bounds = array<i64: 1, 256>}, {pipeline_mode = #tpu.pipeline_mode<synchronous>, transform_indices = @transform_3, window_bounds = array<i64: 256, 8>}, {pipeline_mode = #tpu.pipeline_mode<synchronous>, transform_indices = @transform_4, window_bounds = array<i64: 1, 8>}, {transform_indices = @transform_5, window_bounds = array<i64: 512, 8>}]} {
    %get3A = arith.constant 0 : index
    %get3A_0 = arith.constant 0 : index
    %get3A_1 = vector.load %arg1[%get3A, %get3A_0] : memref<512x128xf32, #tpu.memory_space<vmem>>, vector<512x128xf32>
    %get3A_2 = arith.constant 0 : index
    %get3A_3 = arith.constant 0 : index
    %get3A_4 = vector.load %arg2[%get3A_2, %get3A_3] : memref<128x256xf32, #tpu.memory_space<vmem>>, vector<128x256xf32>
    %dot_general3A = arith.constant dense<0.000000e+00> : vector<512x256xf32>
    %dot_general3A_5 = tpu.matmul %get3A_1, %get3A_4, %dot_general3A {dimension_numbers = #tpu.dot_dimension_numbers<[1], [0], [0], [1], [0, 0, 1, 1], [], []>, transpose_lhs_hint = false} : vector<512x128xf32>, vector<128x256xf32>, vector<512x256xf32> -> vector<512x256xf32>
    %get3A_6 = arith.constant 0 : index
    %get3A_7 = arith.constant 0 : index
    %get3A_8 = vector.load %arg3[%get3A_6, %get3A_7] : memref<1x256xf32, #tpu.memory_space<vmem>>, vector<1x256xf32>
    %add3A = vector.broadcast %get3A_8 : vector<1x256xf32> to vector<512x256xf32>
    %add3A_9 = arith.addf %dot_general3A_5, %add3A : vector<512x256xf32>
    %max3A = arith.constant 0.000000e+00 : f32
    %max3A_10 = vector.broadcast %max3A : f32 to vector<512x256xf32>
    %max3A_11 = arith.maximumf %add3A_9, %max3A_10 : vector<512x256xf32>
    %get3A_12 = arith.constant 0 : index
    %get3A_13 = arith.constant 0 : index
    %get3A_14 = vector.load %arg4[%get3A_12, %get3A_13] : memref<256x8xf32, #tpu.memory_space<vmem>>, vector<256x8xf32>
    %dot_general3A_15 = arith.constant dense<0.000000e+00> : vector<512x8xf32>
    %dot_general3A_16 = tpu.matmul %max3A_11, %get3A_14, %dot_general3A_15 {dimension_numbers = #tpu.dot_dimension_numbers<[1], [0], [0], [1], [0, 0, 1, 1], [], []>, transpose_lhs_hint = false} : vector<512x256xf32>, vector<256x8xf32>, vector<512x8xf32> -> vector<512x8xf32>
    %get3A_17 = arith.constant 0 : index
    %get3A_18 = arith.constant 0 : index
    %get3A_19 = vector.load %arg5[%get3A_17, %get3A_18] : memref<1x8xf32, #tpu.memory_space<vmem>>, vector<1x8xf32>
    %add3A_20 = vector.broadcast %get3A_19 : vector<1x8xf32> to vector<512x8xf32>
    %add3A_21 = arith.addf %dot_general3A_16, %add3A_20 : vector<512x8xf32>
    %swap3A = arith.constant 0 : index
    %swap3A_22 = arith.constant 0 : index
    %swap3A_23 = vector.load %arg6[%swap3A, %swap3A_22] : memref<512x8xf32, #tpu.memory_space<vmem>>, vector<512x8xf32>
    tpu.vector_store %arg6[%swap3A, %swap3A_22], %add3A_21 {strides = array<i32>} : memref<512x8xf32, #tpu.memory_space<vmem>>, vector<512x8xf32>,
    return
  }
  func.func @transform_0(%arg0: i32) -> (i32, i32) {
    %c0_i32 = arith.constant 0 : i32
    %c0_i32_0 = arith.constant 0 : i32
    return %arg0, %c0_i32 : i32, i32
  }
  func.func @transform_1(%arg0: i32) -> (i32, i32) {
    %c0_i32 = arith.constant 0 : i32
    %c0_i32_0 = arith.constant 0 : i32
    %c0_i32_1 = arith.constant 0 : i32
    return %c0_i32, %c0_i32_0 : i32, i32
  }
  func.func @transform_2(%arg0: i32) -> (i32, i32) {
    %c0_i32 = arith.constant 0 : i32
    %c0_i32_0 = arith.constant 0 : i32
    %c0_i32_1 = arith.constant 0 : i32
    return %c0_i32, %c0_i32_0 : i32, i32
  }
  func.func @transform_3(%arg0: i32) -> (i32, i32) {
    %c0_i32 = arith.constant 0 : i32
    %c0_i32_0 = arith.constant 0 : i32
    %c0_i32_1 = arith.constant 0 : i32
    return %c0_i32, %c0_i32_0 : i32, i32
  }
  func.func @transform_4(%arg0: i32) -> (i32, i32) {
    %c0_i32 = arith.constant 0 : i32
    %c0_i32_0 = arith.constant 0 : i32
    %c0_i32_1 = arith.constant 0 : i32
    return %c0_i32, %c0_i32_0 : i32, i32
  }
  func.func @transform_5(%arg0: i32) -> (i32, i32) {
    %c0_i32 = arith.constant 0 : i32
    %c0_i32_0 = arith.constant 0 : i32
    return %arg0, %c0_i32 : i32, i32
  }
}

</mosaic_0001>

<sc_bundles>
// kernel: kernel.4.cloned.1.call-start
scs
__scs_entry_jumppad:
0x0: {  	(pc) =	sbr.rel $0x88, $3  }
0x1: {  	(tag) =	ssettag $0x0;
	lr =	simm.s32 $0x1  }
0x2: {  	[smem:$0x3F9A] =	sst lr;
	_ =	strace $0xD0000000  }
0x3: {  	_ = 	snop  }
0x4: {  	_ = 	snop  }
0x5: {  	_ = 	snop  }
0x6: {  	_ = 	snop  }
0x7: {  	_ = 	snop  }
__scs_overlays_trampoline_lowered:
0x8: {  	[smem:$0x3FA9] =	sst s0  }
0x9: {  	[smem:$0x3FAA] =	sst s1  }
0xa: {  	[smem:$0x3FAB] =	sst s2  }
0xb: {  	[smem:$0x3FAC] =	sst s3  }
0xc: {  	[smem:$0x3FAD] =	sst s4  }
0xd: {  	[smem:$0x3FAE] =	sst s5  }
0xe: {  	[smem:$0x3FAF] =	sst s6  }
0xf: {  	[smem:$0x3FB0] =	sst s7  }
0x10: {  	[smem:$0x3FB1] =	sst s8  }
0x11: {  	[smem:$0x3FB2] =	sst s9;
	s0 =	simm.s32 @!p0 $0x0  }
0x12: {  	s1 =	sld [smem:$0x3F98];
	s0 =	simm.s32 @p0 $0x1  }
0x13: {  	[smem:$0x3FB3] =	sst s0;
	s0 =	simm.s32 @!p1 $0x0  }
0x14: {  	s2 =	sld [smem:$0x3F97];
	s0 =	simm.s32 @p1 $0x1  }
0x15: {  	[smem:$0x3FB4] =	sst s0;
	s0 =	simm.s32 @!p2 $0x0  }
0x16: {  	s3 =	sld [smem:$0x3FDB];
	s0 =	simm.s32 @p2 $0x1  }
0x17: {  	s4 =	simm.s32 $0x1BF5;
	[smem:$0x3FB6] =	sst s0  }
0x18: {  	s0 =	sld [smem:$0x3F99];
	_ =	swait.ge [sflag:s4], $0x0  }
0x19: {  	s7 =	sld [smem:$0x3F9A]  }
0x1a: {  	s8 =	sadd.s32 $0xFFFFE003, lr  }
0x1b: {  	s9 =	sadd.s32 $0xFFFFFEF7, lr;
	s5 =	simm.s32 $0xFFFFFFFF;
	p2 =	slt.u32 s8, $0xFFFFF086  }
0x1c: {  	p1 =	slt.u32 s9, $0xF7A;
	s5 =	simm.s32 @!p2 $0x0  }
0x1d: {  	s5 =	simm.s32 @p1 $0x1;
	p0 =	seq.s32 s7, s2  }
0x1e: {  	s7 =	smul.u32 @!p0 $0xF7A, s2;
	p2 =	seq.s32 @!p0 s5, $0x0  }
0x1f: {  	s9 =	smul.u32 $0xF7A, s1;
	s8 =	simm.s32 @!p0 $0x1BF5;
	p2 =	por !p2, p0  }
0x20: {  	[sflag:s8] =	ssyncset.s32 @!p0 $0xFFFFF086;
	s6 =	sadd.s32 @!p0 s3, s7;
	s7 =	simm.s32 @!p0 $0x108  }
0x21: {  	s3 =	sadd.s32 s3, s9;
	s6 =	sadd.s32 @!p0 $0x88, s6;
	s7 =	simm.s32 @p2 $0x1082  }
0x22: {  	[simem:s7], [sflag:s8] =	dma.local @!p0 [hbm:s6], $0xF7A  }
0x23: {  	s9 =	sor.u32 $0xD0000000, s2;
	s6 =	simm.s32 $0x108;
	_ =	swait.ge @!p0 [sflag:s8], $0x0  }
0x24: {  	s3 =	sadd.s32 $0x88, s3;
	s6 =	simm.s32 @!p1 $0x1082;
	[sflag:s4] =	ssyncset.s32 $0xFFFFF086  }
0x25: {  	[simem:s6], [sflag:s4] =	dma.local [hbm:s3], $0xF7A  }
0x26: {  	[smem:$0x3F9A] =	sst s1;
	(tag) =	ssettag s2;
	_ =	strace s9  }
0x27: {  	s1 =	sld [smem:$0x3FAA]  }
0x28: {  	s2 =	sld [smem:$0x3FAB]  }
0x29: {  	s4 =	sld [smem:$0x3FAD]  }
0x2a: {  	p0 =	seq.s32 s5, $0x0;
	s5 =	sld [smem:$0x3FAE]  }
0x2b: {  	s6 =	sld [smem:$0x3FAF]  }
0x2c: {  	s7 =	sld [smem:$0x3FB0]  }
0x2d: {  	s3 =	simm.s32 $0x108;
	s8 =	sld [smem:$0x3FB1]  }
0x2e: {  	s3 =	simm.s32 @!p0 $0x1082;
	s9 =	sld [smem:$0x3FB2]  }
0x2f: {  	lr =	sadd.s32 s0, s3;
	s0 =	sld [smem:$0x3FA9]  }
0x30: {  	s3 =	sld [smem:$0x3FAC]  }
0x31: {  	[smem:$0x3FB5] =	sst s10  }
0x32: {  	s10 =	sld [smem:$0x3FB3];
	_ =	sdelay $0x3  }
0x33: {  	p0 =	seq.s32 s10, $0x1;
	s10 =	sld [smem:$0x3FB5];
	_ =	sdelay $0x3  }
0x34: {  	[smem:$0x3FB5] =	sst s10  }
0x35: {  	s10 =	sld [smem:$0x3FB4];
	_ =	sdelay $0x3  }
0x36: {  	p1 =	seq.s32 s10, $0x1;
	s10 =	sld [smem:$0x3FB5];
	_ =	sdelay $0x3  }
0x37: {  	[smem:$0x3FB5] =	sst s10  }
0x38: {  	s10 =	sld [smem:$0x3FB6]  }
0x39: {  	_ = 	snop;
	(pc) =	sbr.ind lr, $3  }
0x3a: {  	_ = 	snop  }
0x3b: {  	_ = 	snop  }
0x3c: {  	p2 =	seq.s32 s10, $0x1;
	s10 =	sld [smem:$0x3FB5]  }
0x3d: {  	_ =	shalt  }
0x3e: {  	_ =	shalt  }
0x3f: {  	_ =	shalt  }
0x40: {  	_ =	shalt  }
0x41: {  	_ =	shalt  }
0x42: {  	_ =	shalt  }
0x43: {  	_ =	shalt  }
0x44: {  	_ =	shalt  }
0x45: {  	_ =	shalt  }
0x46: {  	_ =	shalt  }
0x47: {  	_ =	shalt  }
0x48: {  	_ =	shalt  }
0x49: {  	_ =	shalt  }
0x4a: {  	_ =	shalt  }
0x4b: {  	_ =	shalt  }
0x4c: {  	_ =	shalt  }
0x4d: {  	_ =	shalt  }
0x4e: {  	_ =	shalt  }
0x4f: {  	_ =	shalt  }
0x50: {  	_ =	shalt  }
0x51: {  	_ =	shalt  }
0x52: {  	_ =	shalt  }
0x53: {  	_ =	shalt  }
0x54: {  	_ =	shalt  }
0x55: {  	_ =	shalt  }
0x56: {  	_ =	shalt  }
0x57: {  	_ =	shalt  }
0x58: {  	_ =	shalt  }
0x59: {  	_ =	shalt  }
0x5a: {  	_ =	shalt  }
0x5b: {  	_ =	shalt  }
0x5c: {  	_ =	shalt  }
0x5d: {  	_ =	shalt  }
0x5e: {  	_ =	shalt  }
0x5f: {  	_ =	shalt  }
0x60: {  	_ =	shalt  }
0x61: {  	_ =	shalt  }
0x62: {  	_ =	shalt  }
0x63: {  	_ =	shalt  }
0x64: {  	_ =	shalt  }
0x65: {  	_ =	shalt  }
0x66: {  	_ =	shalt  }
0x67: {  	_ =	shalt  }
0x68: {  	_ =	shalt  }
0x69: {  	_ =	shalt  }
0x6a: {  	_ =	shalt  }
0x6b: {  	_ =	shalt  }
0x6c: {  	_ =	shalt  }
0x6d: {  	_ =	shalt  }
0x6e: {  	_ =	shalt  }
0x6f: {  	_ =	shalt  }
0x70: {  	_ =	shalt  }
0x71: {  	_ =	shalt  }
0x72: {  	_ =	shalt  }
0x73: {  	_ =	shalt  }
0x74: {  	_ =	shalt  }
0x75: {  	_ =	shalt  }
0x76: {  	_ =	shalt  }
0x77: {  	_ =	shalt  }
0x78: {  	_ =	shalt  }
0x79: {  	_ =	shalt  }
0x7a: {  	_ =	shalt  }
0x7b: {  	_ =	shalt  }
0x7c: {  	_ =	shalt  }
0x7d: {  	_ =	shalt  }
0x7e: {  	_ =	shalt  }
0x7f: {  	_ =	shalt  }
0x80: {  	_ =	shalt  }
0x81: {  	_ =	shalt  }
0x82: {  	_ =	shalt  }
0x83: {  	_ =	shalt  }
0x84: {  	_ =	shalt  }
0x85: {  	_ =	shalt  }
0x86: {  	_ =	shalt  }
0x87: {  	_ =	shalt  }
.Lfunc_end0:
.L_simem_size_0:
called_computation_lowered:
.L_overlay_start_0:
0x88: {  	s2 =	sld [smem:$0x3FD9]  }
0x89: {  	s3 =	sld [smem:$0x3FFE];
	_ =	sdelay $0x1  }
0x8a: {  	s1 =	srdreg.scid  }
0x8b: {  	s0 =	sand.u32 $0x1, s1  }
0x8c: {  	s17 =	sshll.u32 s0, $0xA;
	s2 =	sadd.s32 s3, s2  }
0x8d: {  	s2 =	sadd.s32 s2, s17  }
0x8e: {  	[smem:$0x3FC1] =	sst s2  }
0x8f: {  	_ = 	snop  }
0x90: {  	s2 =	sld [smem:$0x3FC7];
	(tm) =	ssettm $0x1  }
0x91: {  	s18 =	sld [smem:$0x3FFB];
	_ =	sdelay $0x3  }
0x92: {  	_ =	strace s18  }
0x93: {  	s3 =	sld [smem:$0x3FFC];
	_ =	sdelay $0x3  }
0x94: {  	_ =	strace s3  }
0x95: {  	s3 =	sld [smem:$0x3FFD];
	_ =	sdelay $0x3  }
0x96: {  	_ =	strace s3  }
0x97: {  	_ =	strace $0x8FFFFFFF  }
0x98: {  	s19 =	sld [smem:$0x3FDB];
	_ =	sdelay $0x1  }
0x99: {  	s4 =	simm.s32 $_scs_section_size  }
0x9a: {  	s5 =	simm.s32 $_size__tile_overlayer_lowered;
	s6 =	simm.s32 $_tile_overlayer_lowered  }
0x9b: {  	s22 =	simm.s32 $0x1BFF;
	s21 =	sshll.u32 s6, $0x1;
	s3 =	sadd.s32 s4, s19  }
0x9c: {  	s7 =	simm.s32 $0x0;
	s20 =	sshll.u32 s5, $0x1;
	s5 =	sadd.s32 s21, s3  }
0x9d: {  	[timem:s7], [sflag:s22] =	dma.local [hbm:s5], s20  }
0x9e: {  	_ =	swait.ge [sflag:s22], s20  }
0x9f: {  	s4 =	ssub.s32 $0x0, s20;
	[sflag:s22] =	ssyncset.done $0x0  }
0xa0: {  	[sflag:s22] =	ssyncadd.s32 s4;
	_ =	sdelay $0x1  }
0xa1: {  	s23 =	simm.s32 $0x1B8B  }
0xa2: {  	_ =	swait.ge [sflag:s23], $0x1  }
0xa3: {  	[sflag:s23] =	ssyncset.done $0x0  }
0xa4: {  	s25 =	simm.s32 $0x1B8E;
	s24 =	sld [smem:$0x3FFE];
	[sflag:s23] =	ssyncadd.s32 $0xFFFFFFFF  }
0xa5: {  	s26 =	simm.s32 $execute0_lowered;
	[smem:$0x3FD2] =	sst s25  }
0xa6: {  	s5 =	sshll.u32 s26, $0x1;
	_ =	strace $0x80000046;
	[dreg:$0x1] =	wrdreg $0xFFFFFFFF  }
0xa7: {  	s28 =	simm.s32 $_size_execute0_lowered;
	s3 =	sadd.s32 s3, s5;
	[dreg:$0x0] =	wrdreg $0x0  }
0xa8: {  	s5 =	sshll.u32 s28, $0x1;
	[dreg:$0x2] =	wrdreg s3  }
0xa9: {  	[dreg:$0x3] =	wrdreg s5  }
0xaa: {  	[dreg:$0x4] =	wrdreg $0xC0  }
0xab: {  	_ =	task [dreg:s7], $0x5FFFF  }
0xac: {  	[dreg:$0x1] =	wrdreg $0xFFFFFFFF  }
0xad: {  	[dreg:$0x0] =	wrdreg $0x60  }
0xae: {  	[dreg:$0x2] =	wrdreg s24  }
0xaf: {  	[dreg:$0x3] =	wrdreg s2  }
0xb0: {  	[dreg:$0x4] =	wrdreg $0x9  }
0xb1: {  	_ =	task.clear_ibuf [dreg:s7], $0x5FFFF;
	_ =	strace $0x90000046  }
0xb2: {  	s29 =	simm.s32 $0x9;
	_ =	strace $0x80000048  }
0xb3: {  	_ =	swait.ge [sflag:s29], $0x1  }
0xb4: {  	[sflag:s29] =	ssyncadd.s32 $0xFFFFFFFF  }
0xb5: {  	_ =	strace $0x90000048  }
0xb6: {  	_ =	sfence  }
0xb7: {  	s30 =	sld [smem:$0x0];
	_ =	sdelay $0x2  }
0xb8: {  	s31 =	sshll.u32 s1, $0xD;
	s1 =	sshrl.u32 s1, $0x2  }
0xb9: {  	s3 =	sand.u32 $0x4000, s31;
	s1 =	sadd.s32 s1, s30  }
0xba: {  	s0 =	sor.u32 s3, s0;
	s1 =	sshll.u32 s1, $0x11  }
0xbb: {  	s0 =	sor.u32 s1, s0  }
0xbc: {  	s0 =	sadd.s32 $0x8F2B, s0  }
0xbd: {  	[sflag:s0] =	ssyncadd.remote.s32 $0x1  }
0xbe: {  	_ =	sfence.sel $0xFFFF  }
0xbf: {  	[dreg:$0x0] =	wrdreg $0xFFFFFFFF;
	(pc) =	sbr.abs _section_cstart, $3  }
0xc0: {  	[dreg:$0x1] =	wrdreg $0xFFFFFFFF  }
0xc1: {  	_ =	task.clear_ibuf [dreg:s7], $0x2FFFF;
	_ =	strace $0x9FFFFFFF  }
0xc2: {  	(tm) =	ssettm $0x7FFFFFFF  }
0xc3: {  	_ =	shalt  }
tec
execute0_lowered:
.L_overlay_start_1:
0x0: {  	(tag) =	ssettag $0x1  }
0x1: {  	s4 =	rddreg [dreg:$0x0]  }
0x2: {  	s1 =	srdreg.scid;
	s0 =	stileid.u32  }
0x3: {  	s2 =	rddreg [dreg:$0x1];
	s3 =	simm.s32 $0x0;
	s9 =	simm.s32 $0x6480  }
0x4: {  	s10 =	simm.s32 $0x8;
	s5 =	sand.u32 $0x1, s1;
	s6 =	sshll.u32 s0, $0x1  }
0x5: {  	s11 =	simm.s32 $0x1;
	s12 =	simm.s32 $0x2;
	s6 =	sor.u32 s5, s6  }
0x6: {  	s13 =	simm.s32 $0x19300;
	s1 =	rddreg [dreg:$0x2];
	s7 =	smul.u32 $0xC80, s6  }
.Ltmp0:
0x7: {  	v11 =	vlaneseq.u32;
	v12 =	vimm.s32 $0x0;
	vm0 =	vmmov $0xff;
	s14 =	simm.s32 $0x0;
	[smem:$0x7FF] =	sst s3;
	(pc) =	sbr.rel .LBB2_1-.Ltmp0, $4  }
0x8: {  	v0 =	vadd.s32 $0x1, v11;
	v1 =	vadd.s32 $0x11, v11;
	v2 =	vadd.s32 $0x21, v11;
	_ =	strace $0x80000047;
	s5 =	ssub.s32 $0x2, s5;
	s6 =	sshll.u32 s6, $0xB  }
0x9: {  	v3 =	vadd.s32 $0x31, v11;
	v4 =	vadd.s32 $0x41, v11;
	v5 =	vadd.s32 $0x51, v11;
	s31 =	sshrl.u32 s5, $0x1;
	s6 =	sadd.s32 s6, s4;
	s7 =	sadd.s32 s7, s4  }
0xa: {  	v6 =	vadd.s32 $0x61, v11;
	v7 =	vadd.s32 $0x71, v11;
	v8 =	vadd.s32 $0x81, v11;
	s8 =	ssub.s32 s5, s31;
	s6 =	sadd.s32 $0x33000, s6;
	s4 =	sadd.s32 $0x1000, s7  }
0xb: {  	v9 =	vadd.s32 $0x91, v11;
	v10 =	vadd.s32 $0xA1, v11;
	v11 =	vadd.s32 $0xB1, v11;
	s5 =	sadd.s32 $0x1A000, s7;
	s7 =	smax.u32 s8, $0x1;
	s8 =	simm.s32 $0x3  }
.LBB2_36:
0xc: {  	[sflag:s11] =	ssyncadd.s32 $0xFFFFFC00  }
.LBB2_37:
0xd: {  	s14 =	sadd.s32 $0x1, s14  }
0xe: {  	p0 =	sne.s32 s14, s7  }
.Ltmp1:
0xf: {  	_ = 	snop;
	(pc) =	sbr.rel @!p0 .LBB2_38-.Ltmp1, $4  }
0x10: {  	[hbm4b:s6+s3] =	stream.linear.scatter [tilespmem:s13], [sflag:$0x3], $0x4000, $0x38;
	[tilespmem:$0x1D300] =	vst v63  }
0x11: {  	_ =	swait.ge [sflag:s8], $0x4000  }
0x12: {  	[sflag:s8] =	ssyncset.done $0x0  }
0x13: {  	[sflag:s8] =	ssyncadd.s32 $0xFFFFC000  }
.LBB2_1:
0x14: {  	[tilespmem:s3], [sflag:$0x3] =	stream.linear.gather [hbm4b:s4+s3], $0x6400, $0x38;
	[tilespmem:$0x1D300] =	vst v63  }
0x15: {  	_ =	swait.ge [sflag:s8], $0x6400  }
0x16: {  	[sflag:s8] =	ssyncset.done $0x0  }
0x17: {  	[sflag:s8] =	ssyncadd.s32 $0xFFFF9C00  }
0x18: {  	[tilespmem:s9], [sflag:$0x3] =	stream.linear.gather [hbm4b:s5+s3], $0x6400, $0x38;
	[tilespmem:$0x1D300] =	vst v63  }
0x19: {  	_ =	swait.ge [sflag:s8], $0x6400  }
0x1a: {  	[sflag:s8] =	ssyncset.done $0x0  }
0x1b: {  	[sflag:s8] =	ssyncadd.s32 $0xFFFF9C00  }
0x1c: {  	[tilespmem:$0xC900] =	vst v0  }
0x1d: {  	[tilespmem:$0xCA00] =	vst v0  }
0x1e: {  	[tilespmem:$0xC910] =	vst v1  }
0x1f: {  	[tilespmem:$0xCA10] =	vst v1  }
0x20: {  	[tilespmem:$0xC920] =	vst v2  }
0x21: {  	[tilespmem:$0xCA20] =	vst v2  }
0x22: {  	[tilespmem:$0xC930] =	vst v3  }
0x23: {  	[tilespmem:$0xCA30] =	vst v3;
	v13 =	vld [tilespmem:$0x0]  }
0x24: {  	[tilespmem:$0xC940] =	vst v4;
	v14 =	vld [tilespmem:$0x6480]  }
0x25: {  	[tilespmem:$0xCA40] =	vst v4  }
0x26: {  	[tilespmem:$0xC950] =	vst v5  }
0x27: {  	[tilespmem:$0xCA50] =	vst v5  }
0x28: {  	[tilespmem:$0xC960] =	vst v6  }
0x29: {  	[tilespmem:$0xCA60] =	vst v6;
	vm1 =	vne.s32 v14, $0x0;
	vm2 =	vne.s32 v13, $0x0  }
0x2a: {  	[tilespmem:$0xC970] =	vst v7;
	vm2 =	vmand vm2, vm1  }
0x2b: {  	[tilespmem:$0xCA70] =	vst v7;
	v14 =	vmpcnt.ones.xlane vm2  }
0x2c: {  	[tilespmem:$0xC980] =	vst v8  }
0x2d: {  	[tilespmem:$0xCA80] =	vst v8;
	(v2sf) =	vpush v14, $0x0  }
0x2e: {  	[tilespmem:$0xC990] =	vst v9  }
0x2f: {  	[tilespmem:$0xCA90] =	vst v9  }
0x30: {  	[tilespmem:$0xC9A0] =	vst v10  }
0x31: {  	[tilespmem:$0xCAA0] =	vst v10  }
0x32: {  	[tilespmem:$0xC9B0] =	vst v11  }
0x33: {  	s15 =	simm.s32 $0xC900;
	[tilespmem:$0xCAB0] =	vst v11  }
0x34: {  	[tilespmem:s15+$0x0] =	vst.msk vm2, v13  }
0x35: {  	v13 =	vld [tilespmem:$0x10]  }
0x36: {  	v14 =	vld [tilespmem:$0x6490];
	_ =	sdelay $0x4  }
0x37: {  	vm3 =	vne.s32 v13, $0x0;
	vm2 =	vne.s32 v14, $0x0  }
0x38: {  	vm3 =	vmand vm3, vm2;
	s16 =	spop (v2sf)  }
0x39: {  	[tilespmem:s16+$0xC900] =	vst.msk vm3, v13;
	v13 =	vmpcnt.ones.xlane vm3  }
0x3a: {  	v14 =	vld [tilespmem:$0x20]  }
0x3b: {  	(v2sf) =	vpush v13, $0x0;
	v13 =	vld [tilespmem:$0x64A0];
	_ =	sdelay $0x4  }
0x3c: {  	vm4 =	vne.s32 v14, $0x0;
	vm3 =	vne.s32 v13, $0x0  }
0x3d: {  	vm4 =	vmand vm4, vm3  }
0x3e: {  	v13 =	vmpcnt.ones.xlane vm4;
	_ =	sdelay $0x1  }
0x3f: {  	(v2sf) =	vpush v13, $0x0;
	_ =	sdelay $0x5  }
0x40: {  	s17 =	spop (v2sf)  }
0x41: {  	s16 =	sadd.s32 s16, s17  }
0x42: {  	[tilespmem:s16+$0xC900] =	vst.msk vm4, v14  }
0x43: {  	v13 =	vld [tilespmem:$0x30]  }
0x44: {  	v14 =	vld [tilespmem:$0x64B0];
	_ =	sdelay $0x4  }
0x45: {  	vm4 =	vne.s32 v14, $0x0;
	vm5 =	vne.s32 v13, $0x0;
	s20 =	spop (v2sf)  }
0x46: {  	vm5 =	vmand vm5, vm4;
	s16 =	sadd.s32 s16, s20  }
0x47: {  	[tilespmem:s16+$0xC900] =	vst.msk vm5, v13;
	v13 =	vmpcnt.ones.xlane vm5  }
0x48: {  	v14 =	vld [tilespmem:$0x40]  }
0x49: {  	(v2sf) =	vpush v13, $0x0;
	v13 =	vld [tilespmem:$0x64C0];
	_ =	sdelay $0x4  }
0x4a: {  	vm6 =	vne.s32 v14, $0x0;
	vm5 =	vne.s32 v13, $0x0  }
0x4b: {  	vm6 =	vmand vm6, vm5  }
0x4c: {  	v13 =	vmpcnt.ones.xlane vm6;
	_ =	sdelay $0x1  }
0x4d: {  	(v2sf) =	vpush v13, $0x0;
	_ =	sdelay $0x5  }
0x4e: {  	s21 =	spop (v2sf)  }
0x4f: {  	s16 =	sadd.s32 s16, s21  }
0x50: {  	[tilespmem:s16+$0xC900] =	vst.msk vm6, v14  }
0x51: {  	v13 =	vld [tilespmem:$0x50]  }
0x52: {  	v14 =	vld [tilespmem:$0x64D0];
	_ =	sdelay $0x4  }
0x53: {  	vm6 =	vne.s32 v14, $0x0;
	vm7 =	vne.s32 v13, $0x0;
	s22 =	spop (v2sf)  }
0x54: {  	vm7 =	vmand vm7, vm6;
	s16 =	sadd.s32 s16, s22  }
0x55: {  	[tilespmem:s16+$0xC900] =	vst.msk vm7, v13;
	v13 =	vmpcnt.ones.xlane vm7  }
0x56: {  	v14 =	vld [tilespmem:$0x60]  }
0x57: {  	(v2sf) =	vpush v13, $0x0;
	v13 =	vld [tilespmem:$0x64E0];
	_ =	sdelay $0x4  }
0x58: {  	vm8 =	vne.s32 v14, $0x0;
	vm7 =	vne.s32 v13, $0x0  }
0x59: {  	vm8 =	vmand vm8, vm7  }
0x5a: {  	v13 =	vmpcnt.ones.xlane vm8;
	_ =	sdelay $0x1  }
0x5b: {  	(v2sf) =	vpush v13, $0x0;
	_ =	sdelay $0x5  }
0x5c: {  	s23 =	spop (v2sf)  }
0x5d: {  	s16 =	sadd.s32 s16, s23  }
0x5e: {  	[tilespmem:s16+$0xC900] =	vst.msk vm8, v14  }
0x5f: {  	v13 =	vld [tilespmem:$0x70]  }
0x60: {  	v14 =	vld [tilespmem:$0x64F0];
	_ =	sdelay $0x4  }
0x61: {  	vm8 =	vne.s32 v14, $0x0;
	vm9 =	vne.s32 v13, $0x0;
	s24 =	spop (v2sf)  }
0x62: {  	vm9 =	vmand vm9, vm8;
	s16 =	sadd.s32 s16, s24  }
0x63: {  	[tilespmem:s16+$0xC900] =	vst.msk vm9, v13;
	v13 =	vmpcnt.ones.xlane vm9  }
0x64: {  	v14 =	vld [tilespmem:$0x80]  }
0x65: {  	(v2sf) =	vpush v13, $0x0;
	v13 =	vld [tilespmem:$0x6500];
	_ =	sdelay $0x4  }
0x66: {  	vm10 =	vne.s32 v14, $0x0;
	vm9 =	vne.s32 v13, $0x0  }
0x67: {  	vm10 =	vmand vm10, vm9  }
0x68: {  	v13 =	vmpcnt.ones.xlane vm10;
	_ =	sdelay $0x1  }
0x69: {  	(v2sf) =	vpush v13, $0x0;
	_ =	sdelay $0x5  }
0x6a: {  	s25 =	spop (v2sf)  }
0x6b: {  	s16 =	sadd.s32 s16, s25  }
0x6c: {  	[tilespmem:s16+$0xC900] =	vst.msk vm10, v14  }
0x6d: {  	v13 =	vld [tilespmem:$0x90]  }
0x6e: {  	v14 =	vld [tilespmem:$0x6510];
	_ =	sdelay $0x4  }
0x6f: {  	vm10 =	vne.s32 v14, $0x0;
	vm11 =	vne.s32 v13, $0x0;
	s26 =	spop (v2sf)  }
0x70: {  	vm11 =	vmand vm11, vm10;
	s16 =	sadd.s32 s16, s26  }
0x71: {  	[tilespmem:s16+$0xC900] =	vst.msk vm11, v13;
	v13 =	vmpcnt.ones.xlane vm11  }
0x72: {  	v14 =	vld [tilespmem:$0xA0]  }
0x73: {  	(v2sf) =	vpush v13, $0x0;
	v13 =	vld [tilespmem:$0x6520];
	_ =	sdelay $0x4  }
0x74: {  	vm12 =	vne.s32 v14, $0x0;
	vm11 =	vne.s32 v13, $0x0  }
0x75: {  	vm12 =	vmand vm12, vm11  }
0x76: {  	v13 =	vmpcnt.ones.xlane vm12;
	_ =	sdelay $0x1  }
0x77: {  	(v2sf) =	vpush v13, $0x0;
	_ =	sdelay $0x5  }
0x78: {  	s28 =	spop (v2sf)  }
0x79: {  	s16 =	sadd.s32 s16, s28  }
0x7a: {  	[tilespmem:s16+$0xC900] =	vst.msk vm12, v14  }
0x7b: {  	v13 =	vld [tilespmem:$0xB0]  }
0x7c: {  	v14 =	vld [tilespmem:$0x6530];
	_ =	sdelay $0x2  }
0x7d: {  	v15 =	vsel vm1, $0x1, v12;
	v16 =	vsel vm2, $0x1, v12  }
0x7e: {  	v15 =	vadd.s32 v15, v16  }
0x7f: {  	v60 =	vsel vm3, $0x1, v12;
	vm1 =	vne.s32 v14, $0x0;
	vm2 =	vne.s32 v13, $0x0;
	s29 =	spop (v2sf)  }
0x80: {  	v15 =	vadd.s32 v60, v15;
	v14 =	vsel vm4, $0x1, v12;
	vm2 =	vmand vm2, vm1;
	s16 =	sadd.s32 s16, s29  }
0x81: {  	v61 =	vsel vm5, $0x1, v12;
	v14 =	vadd.s32 v14, v15;
	[tilespmem:s16+$0xC900] =	vst.msk vm2, v13  }
0x82: {  	v14 =	vadd.s32 v61, v14;
	v13 =	vsel vm6, $0x1, v12;
	v15 =	vld [tilespmem:$0x6540]  }
0x83: {  	v62 =	vsel vm7, $0x1, v12;
	v13 =	vadd.s32 v13, v14  }
0x84: {  	v14 =	vsel vm8, $0x1, v12;
	v63 =	vld [tilespmem:$0xC0];
	v13 =	vadd.s32 v62, v13  }
0x85: {  	v17 =	vsel vm9, $0x1, v12;
	v13 =	vadd.s32 v14, v13  }
0x86: {  	v14 =	vsel vm10, $0x1, v12;
	v13 =	vadd.s32 v17, v13  }
0x87: {  	v13 =	vadd.s32 v14, v13;
	v14 =	vsel vm11, $0x1, v12;
	vm3 =	vne.s32 v15, $0x0  }
0x88: {  	v13 =	vadd.s32 v14, v13;
	v14 =	vsel vm1, $0x1, v12;
	vm1 =	vmand vm3, vm0  }
0x89: {  	v13 =	vadd.s32 v14, v13;
	vm3 =	vne.s32 v63, $0x0;
	v14 =	vsel vm1, $0x1, v12  }
0x8a: {  	vm1 =	vmand vm3, vm1;
	v13 =	vadd.s32 v14, v13;
	v14 =	vmpcnt.ones.xlane vm2  }
0x8b: {  	(xrf0) =	vadd.scan.msk.s32 $0xffff, v13;
	v13 =	vmpcnt.ones.xlane vm1  }
0x8c: {  	(v2sf) =	vpush v14, $0x0  }
0x8d: {  	(v2sf) =	vpush v13, $0x0;
	_ =	sdelay $0x7  }
0x8e: {  	v13, _, _ =	vpop (xrf0)  }
0x8f: {  	(v2sf) =	vpush v13, $0xF;
	_ =	sdelay $0x4  }
0x90: {  	s30 =	spop (v2sf)  }
0x91: {  	s18 =	spop (v2sf);
	s16 =	sadd.s32 s16, s30  }
0x92: {  	s19 =	sadd.s32 s16, s18  }
0x93: {  	s31 =	sadd.s32 $0x7, s19  }
0x94: {  	s21 =	sshra.s32 s31, $0x3  }
0x95: {  	p0 =	sgt.s32 s21, $0x0  }
.Ltmp2:
0x96: {  	_ = 	snop;
	(pc) =	sbr.rel @!p0 .LBB2_2-.Ltmp2, $2  }
0x97: {  	_ =	sdelay $0x2  }
0x98: {  	[tilespmem:s16+$0xC900] =	vst.msk vm1, v63;
	s16 =	simm.s32 $0xCB00;
	s17 =	spop (v2sf)  }
0x99: {  	p0 =	seq.s32 s21, $0x1  }
.Ltmp3:
0x9a: {  	_ = 	snop;
	(pc) =	sbr.rel @p0 .LBB2_2-.Ltmp3, $3  }
0x9b: {  	_ =	sdelay $0x1  }
0x9c: {  	[tilespmem:s16], [sflag:$0x1] =	stream.indirect.gather [hbm4b:s2+s10], $0x80, s15, s10, $0xb8;
	[tilespmem:$0x1D300] =	vst v63  }
0x9d: {  	s18 =	sadd.s32 $0xFFFFFFFF, s21  }
.LBB2_8:
0x9e: {  	p0 =	seq.s32 s18, $0x1  }
.Ltmp4:
0x9f: {  	_ = 	snop;
	(pc) =	sbr.rel @!p0 .LBB2_8-.Ltmp4, $4  }
0xa0: {  	_ = 	snop  }
0xa1: {  	s15 =	sadd.s32 $0x8, s15;
	s16 =	sadd.s32 $0x400, s16  }
0xa2: {  	s18 =	sadd.s32 $0xFFFFFFFF, s18  }
0xa3: {  	[tilespmem:s16], [sflag:$0x1] =	stream.indirect.gather [hbm4b:s2+s10], $0x80, s15, s10, $0xb8;
	[tilespmem:$0x1D300] =	vst v63  }
.LBB2_2:
.Ltmp5:
0xa4: {  	(pc) =	sbr.rel .LBB2_3-.Ltmp5, $2  }
0xa5: {  	_ =	sdelay $0x2  }
0xa6: {  	s15 =	simm.s32 $0x0  }
.LBB2_23:
0xa7: {  	v16 =	vimm.f32 $0.0e+00  }
0xa8: {  	v17 =	vimm.f32 $0.0e+00;
	v21 =	vimm.f32 $0.0e+00;
	v18 =	vimm.f32 $0.0e+00  }
0xa9: {  	v19 =	vimm.f32 $0.0e+00;
	v20 =	vimm.f32 $0.0e+00;
	v15 =	vimm.f32 $0.0e+00  }
.LBB2_32:
0xaa: {  	vm1 =	vgt.s32 v13, $0x1  }
0xab: {  	v13 =	vnsel vm1, $0x1, v13  }
0xac: {  	v13 =	vcvt.s32.f32 v13;
	_ =	sdelay $0x1  }
0xad: {  	v13 =	vbroadcast v13, $0xF;
	_ =	sdelay $0x1  }
0xae: {  	(erf) = vrcp.f32 v13;
	_ =	sdelay $0x8  }
0xaf: {  	v13 =	vpop (erf)  }
0xb0: {  	s16 =	sshll.u32 s16, $0x7;
	v14 =	vmul.f32 v14, v13  }
0xb1: {  	s16 =	sand.u32 $0x3FFFFF80, s16;
	v16 =	vmul.f32 v16, v13  }
0xb2: {  	[tilespmem:s16+$0x19300] =	vst v14;
	v14 =	vmul.f32 v17, v13  }
0xb3: {  	s15 =	sadd.s32 $0x1, s15;
	v62 =	vmul.f32 v21, v13;
	[tilespmem:s16+$0x19310] =	vst v16  }
0xb4: {  	p0 =	seq.s32 s15, $0x40;
	[tilespmem:s16+$0x19320] =	vst v14;
	v14 =	vmul.f32 v18, v13  }
.Ltmp6:
0xb5: {  	v63 =	vmul.f32 v19, v13;
	[tilespmem:s16+$0x19330] =	vst v62;
	(pc) =	sbr.rel @p0 .LBB2_33-.Ltmp6, $4  }
0xb6: {  	[tilespmem:s16+$0x19340] =	vst v14;
	v14 =	vmul.f32 v20, v13  }
0xb7: {  	[tilespmem:s16+$0x19350] =	vst v63;
	v13 =	vmul.f32 v15, v13  }
0xb8: {  	[tilespmem:s16+$0x19360] =	vst v14  }
0xb9: {  	[tilespmem:s16+$0x19370] =	vst v13  }
.LBB2_3:
0xba: {  	s16 =	sshllo.u32 s15, $0x1  }
0xbb: {  	s18 =	smul.u32 $0xC8, s16;
	_ =	sdelay $0x1  }
0xbc: {  	v13 =	vld [tilespmem:s18+$0x0]  }
0xbd: {  	v14 =	vld [tilespmem:s18+$0x6480];
	_ =	sdelay $0x4  }
0xbe: {  	vm1 =	vne.s32 v14, $0x0;
	vm2 =	vne.s32 v13, $0x0  }
0xbf: {  	vm2 =	vmand vm2, vm1  }
0xc0: {  	v14 =	vmpcnt.ones.xlane vm2;
	_ =	sdelay $0x1  }
0xc1: {  	(v2sf) =	vpush v14, $0x0;
	_ =	sdelay $0x5  }
0xc2: {  	s22 =	simm.s32 $0xCA00  }
0xc3: {  	[tilespmem:s22+$0x0] =	vst.msk vm2, v13  }
0xc4: {  	v13 =	vld [tilespmem:s18+$0x10]  }
0xc5: {  	v14 =	vld [tilespmem:s18+$0x6490];
	_ =	sdelay $0x4  }
0xc6: {  	vm3 =	vne.s32 v13, $0x0;
	vm2 =	vne.s32 v14, $0x0  }
0xc7: {  	vm3 =	vmand vm3, vm2;
	s20 =	spop (v2sf)  }
0xc8: {  	[tilespmem:s20+$0xCA00] =	vst.msk vm3, v13;
	v13 =	vmpcnt.ones.xlane vm3  }
0xc9: {  	v14 =	vld [tilespmem:s18+$0x20]  }
0xca: {  	(v2sf) =	vpush v13, $0x0;
	v13 =	vld [tilespmem:s18+$0x64A0];
	_ =	sdelay $0x4  }
0xcb: {  	vm4 =	vne.s32 v14, $0x0;
	vm3 =	vne.s32 v13, $0x0  }
0xcc: {  	vm4 =	vmand vm4, vm3  }
0xcd: {  	v13 =	vmpcnt.ones.xlane vm4;
	_ =	sdelay $0x1  }
0xce: {  	(v2sf) =	vpush v13, $0x0;
	_ =	sdelay $0x5  }
0xcf: {  	s23 =	spop (v2sf)  }
0xd0: {  	s20 =	sadd.s32 s20, s23  }
0xd1: {  	[tilespmem:s20+$0xCA00] =	vst.msk vm4, v14  }
0xd2: {  	v13 =	vld [tilespmem:s18+$0x30]  }
0xd3: {  	v14 =	vld [tilespmem:s18+$0x64B0];
	_ =	sdelay $0x4  }
0xd4: {  	vm4 =	vne.s32 v14, $0x0;
	vm5 =	vne.s32 v13, $0x0;
	s25 =	spop (v2sf)  }
0xd5: {  	vm5 =	vmand vm5, vm4;
	s20 =	sadd.s32 s20, s25  }
0xd6: {  	[tilespmem:s20+$0xCA00] =	vst.msk vm5, v13;
	v13 =	vmpcnt.ones.xlane vm5  }
0xd7: {  	v14 =	vld [tilespmem:s18+$0x40]  }
0xd8: {  	(v2sf) =	vpush v13, $0x0;
	v13 =	vld [tilespmem:s18+$0x64C0];
	_ =	sdelay $0x4  }
0xd9: {  	vm6 =	vne.s32 v14, $0x0;
	vm5 =	vne.s32 v13, $0x0  }
0xda: {  	vm6 =	vmand vm6, vm5  }
0xdb: {  	v13 =	vmpcnt.ones.xlane vm6;
	_ =	sdelay $0x1  }
0xdc: {  	(v2sf) =	vpush v13, $0x0;
	_ =	sdelay $0x5  }
0xdd: {  	s26 =	spop (v2sf)  }
0xde: {  	s20 =	sadd.s32 s20, s26  }
0xdf: {  	[tilespmem:s20+$0xCA00] =	vst.msk vm6, v14  }
0xe0: {  	v13 =	vld [tilespmem:s18+$0x50]  }
0xe1: {  	v14 =	vld [tilespmem:s18+$0x64D0];
	_ =	sdelay $0x4  }
0xe2: {  	vm6 =	vne.s32 v14, $0x0;
	vm7 =	vne.s32 v13, $0x0;
	s28 =	spop (v2sf)  }
0xe3: {  	vm7 =	vmand vm7, vm6;
	s20 =	sadd.s32 s20, s28  }
0xe4: {  	[tilespmem:s20+$0xCA00] =	vst.msk vm7, v13;
	v13 =	vmpcnt.ones.xlane vm7  }
0xe5: {  	v14 =	vld [tilespmem:s18+$0x60]  }
0xe6: {  	(v2sf) =	vpush v13, $0x0;
	v13 =	vld [tilespmem:s18+$0x64E0];
	_ =	sdelay $0x4  }
0xe7: {  	vm8 =	vne.s32 v14, $0x0;
	vm7 =	vne.s32 v13, $0x0  }
0xe8: {  	vm8 =	vmand vm8, vm7  }
0xe9: {  	v13 =	vmpcnt.ones.xlane vm8;
	_ =	sdelay $0x1  }
0xea: {  	(v2sf) =	vpush v13, $0x0;
	_ =	sdelay $0x5  }
0xeb: {  	s29 =	spop (v2sf)  }
0xec: {  	s20 =	sadd.s32 s20, s29  }
0xed: {  	[tilespmem:s20+$0xCA00] =	vst.msk vm8, v14  }
0xee: {  	v13 =	vld [tilespmem:s18+$0x70]  }
0xef: {  	v14 =	vld [tilespmem:s18+$0x64F0];
	_ =	sdelay $0x4  }
0xf0: {  	vm8 =	vne.s32 v14, $0x0;
	vm9 =	vne.s32 v13, $0x0;
	s30 =	spop (v2sf)  }
0xf1: {  	vm9 =	vmand vm9, vm8;
	s20 =	sadd.s32 s20, s30  }
0xf2: {  	s31 =	sand.u32 $0x7FF8, s18;
	[tilespmem:s20+$0xCA00] =	vst.msk vm9, v13;
	v13 =	vmpcnt.ones.xlane vm9  }
0xf3: {  	v14 =	vld [tilespmem:s31+$0x80]  }
0xf4: {  	(v2sf) =	vpush v13, $0x0;
	v13 =	vld [tilespmem:s31+$0x6500];
	_ =	sdelay $0x4  }
0xf5: {  	vm10 =	vne.s32 v14, $0x0;
	vm9 =	vne.s32 v13, $0x0  }
0xf6: {  	vm10 =	vmand vm10, vm9  }
0xf7: {  	v13 =	vmpcnt.ones.xlane vm10;
	_ =	sdelay $0x1  }
0xf8: {  	(v2sf) =	vpush v13, $0x0;
	_ =	sdelay $0x5  }
0xf9: {  	s24 =	spop (v2sf)  }
0xfa: {  	s20 =	sadd.s32 s20, s24  }
0xfb: {  	[tilespmem:s20+$0xCA00] =	vst.msk vm10, v14  }
0xfc: {  	v13 =	vld [tilespmem:s18+$0x90]  }
0xfd: {  	v14 =	vld [tilespmem:s18+$0x6510];
	_ =	sdelay $0x4  }
0xfe: {  	vm10 =	vne.s32 v14, $0x0;
	vm11 =	vne.s32 v13, $0x0;
	s25 =	spop (v2sf)  }
0xff: {  	vm11 =	vmand vm11, vm10;
	s20 =	sadd.s32 s20, s25  }
0x100: {  	[tilespmem:s20+$0xCA00] =	vst.msk vm11, v13;
	v13 =	vmpcnt.ones.xlane vm11  }
0x101: {  	v14 =	vld [tilespmem:s18+$0xA0]  }
0x102: {  	(v2sf) =	vpush v13, $0x0;
	v13 =	vld [tilespmem:s18+$0x6520];
	_ =	sdelay $0x4  }
0x103: {  	vm12 =	vne.s32 v14, $0x0;
	vm11 =	vne.s32 v13, $0x0  }
0x104: {  	vm12 =	vmand vm12, vm11  }
0x105: {  	v13 =	vmpcnt.ones.xlane vm12;
	_ =	sdelay $0x1  }
0x106: {  	(v2sf) =	vpush v13, $0x0;
	_ =	sdelay $0x5  }
0x107: {  	s26 =	spop (v2sf)  }
0x108: {  	s20 =	sadd.s32 s20, s26  }
0x109: {  	[tilespmem:s20+$0xCA00] =	vst.msk vm12, v14  }
0x10a: {  	v13 =	vld [tilespmem:s18+$0xB0]  }
0x10b: {  	v14 =	vld [tilespmem:s18+$0x6530];
	_ =	sdelay $0x4  }
0x10c: {  	vm13 =	vne.s32 v14, $0x0;
	vm12 =	vne.s32 v13, $0x0;
	s28 =	spop (v2sf)  }
0x10d: {  	vm12 =	vmand vm12, vm13;
	s20 =	sadd.s32 s20, s28  }
0x10e: {  	[tilespmem:s20+$0xCA00] =	vst.msk vm12, v13  }
0x10f: {  	v13 =	vld [tilespmem:s18+$0x6540]  }
0x110: {  	v14 =	vld [tilespmem:s18+$0xC0];
	_ =	sdelay $0x3  }
0x111: {  	vm14 =	vne.s32 v13, $0x0  }
0x112: {  	vm15 =	vne.s32 v14, $0x0;
	vm14 =	vmand vm14, vm0  }
0x113: {  	v13 =	vmpcnt.ones.xlane vm12;
	vm12 =	vmand vm15, vm14  }
0x114: {  	v15 =	vmpcnt.ones.xlane vm12  }
0x115: {  	(v2sf) =	vpush v13, $0x0  }
0x116: {  	(v2sf) =	vpush v15, $0x0;
	_ =	sdelay $0x4  }
0x117: {  	v13 =	vsel vm1, $0x1, v12;
	v15 =	vsel vm2, $0x1, v12  }
0x118: {  	v16 =	vsel vm3, $0x1, v12;
	v13 =	vadd.s32 v13, v15  }
0x119: {  	v15 =	vsel vm4, $0x1, v12;
	v13 =	vadd.s32 v16, v13  }
0x11a: {  	v60 =	vsel vm5, $0x1, v12;
	v13 =	vadd.s32 v15, v13  }
0x11b: {  	v15 =	vsel vm6, $0x1, v12;
	v13 =	vadd.s32 v60, v13  }
0x11c: {  	v61 =	vsel vm7, $0x1, v12;
	v13 =	vadd.s32 v15, v13  }
0x11d: {  	v15 =	vsel vm8, $0x1, v12;
	v13 =	vadd.s32 v61, v13  }
0x11e: {  	v62 =	vsel vm9, $0x1, v12;
	v13 =	vadd.s32 v15, v13  }
0x11f: {  	v15 =	vsel vm10, $0x1, v12;
	v13 =	vadd.s32 v62, v13  }
0x120: {  	v63 =	vsel vm11, $0x1, v12;
	v13 =	vadd.s32 v15, v13;
	s29 =	spop (v2sf)  }
0x121: {  	v15 =	vsel vm13, $0x1, v12;
	v13 =	vadd.s32 v63, v13;
	s23 =	sadd.s32 s20, s29;
	s30 =	spop (v2sf)  }
0x122: {  	v13 =	vadd.s32 v15, v13;
	v15 =	vsel vm14, $0x1, v12;
	s18 =	sadd.s32 s23, s30  }
0x123: {  	v13 =	vadd.s32 v15, v13;
	s31 =	sadd.s32 $0x7, s18  }
0x124: {  	(xrf0) =	vadd.scan.msk.s32 $0xffff, v13;
	s20 =	sshra.s32 s31, $0x3  }
0x125: {  	p0 =	sgt.s32 s20, $0x0  }
.Ltmp7:
0x126: {  	_ = 	snop;
	(pc) =	sbr.rel @!p0 .LBB2_4-.Ltmp7, $2  }
0x127: {  	_ =	sdelay $0x2  }
0x128: {  	[tilespmem:s23+$0xCA00] =	vst.msk vm12, v14;
	s23 =	simm.s32 $0x12F00;
	v13, _, _ =	vpop (xrf0)  }
0x129: {  	p1 =	seq.s32 s20, $0x1  }
.Ltmp8:
0x12a: {  	_ = 	snop;
	(pc) =	sbr.rel @p1 .LBB2_4-.Ltmp8, $3  }
0x12b: {  	_ =	sdelay $0x1  }
0x12c: {  	[tilespmem:s23], [sflag:$0x2] =	stream.indirect.gather [hbm4b:s2+s10], $0x80, s22, s10, $0xb8;
	[tilespmem:$0x1D300] =	vst v63  }
0x12d: {  	s24 =	sadd.s32 $0xFFFFFFFF, s20  }
.LBB2_10:
0x12e: {  	p1 =	seq.s32 s24, $0x1  }
.Ltmp9:
0x12f: {  	_ = 	snop;
	(pc) =	sbr.rel @!p1 .LBB2_10-.Ltmp9, $4  }
0x130: {  	_ = 	snop  }
0x131: {  	s22 =	sadd.s32 $0x8, s22;
	s23 =	sadd.s32 $0x400, s23  }
0x132: {  	s24 =	sadd.s32 $0xFFFFFFFF, s24  }
0x133: {  	[tilespmem:s23], [sflag:$0x2] =	stream.indirect.gather [hbm4b:s2+s10], $0x80, s22, s10, $0xb8;
	[tilespmem:$0x1D300] =	vst v63  }
.LBB2_4:
0x134: {  	p1 =	sgt.s32 s21, $0x0  }
.Ltmp10:
0x135: {  	_ = 	snop;
	(pc) =	sbr.rel @!p1 .LBB2_5-.Ltmp10, $1  }
0x136: {  	_ =	sdelay $0x3  }
0x137: {  	p1 =	seq.s32 s21, $0x1  }
.Ltmp11:
0x138: {  	_ = 	snop;
	(pc) =	sbr.rel @p1 .LBB2_13-.Ltmp11, $3  }
0x139: {  	_ =	sdelay $0x1  }
0x13a: {  	_ =	swait.ge [sflag:s11], $0x400  }
0x13b: {  	s21 =	sadd.s32 $0xFFFFFFFF, s21;
	[sflag:s11] =	ssyncset.done $0x0  }
.LBB2_12:
0x13c: {  	p1 =	seq.s32 s21, $0x1;
	s21 =	sadd.s32 $0xFFFFFFFF, s21;
	[sflag:s11] =	ssyncadd.s32 $0xFFFFFC00  }
.Ltmp12:
0x13d: {  	(pc) =	sbr.rel @!p1 .LBB2_12-.Ltmp12, $3  }
0x13e: {  	_ =	sdelay $0x1  }
0x13f: {  	_ =	swait.ge [sflag:s11], $0x400  }
0x140: {  	[sflag:s11] =	ssyncset.done $0x0  }
.LBB2_13:
0x141: {  	[sflag:s11] =	ssyncadd.s32 $0xFFFFFC00  }
.LBB2_5:
0x142: {  	p1 =	sgt.s32 s19, $0x0  }
.Ltmp13:
0x143: {  	_ = 	snop;
	(pc) =	sbr.rel @!p1 .LBB2_6-.Ltmp13, $2  }
0x144: {  	_ =	sdelay $0x2  }
0x145: {  	v14 =	vimm.f32 $0.0e+00;
	s21 =	simm.s32 $0xCB40  }
0x146: {  	p2 =	sne.s32 s19, $0x1  }
.Ltmp14:
0x147: {  	_ = 	snop;
	(pc) =	sbr.rel @!p2 .LBB2_15-.Ltmp14, $2  }
0x148: {  	_ =	sdelay $0x2  }
0x149: {  	v16 =	vld [tilespmem:s21+$0x30];
	s19 =	sadd.s32 $0xFFFFFFFF, s19;
	p1 =	por $0x0, $0x0  }
0x14a: {  	v17 =	vld [tilespmem:s21+$0xFFFFFFD0]  }
0x14b: {  	v18 =	vld [tilespmem:s21+$0xFFFFFFE0]  }
0x14c: {  	v19 =	vld [tilespmem:s21+$0xFFFFFFF0];
	p2 =	sne.s32 s19, $0x1  }
.Ltmp15:
0x14d: {  	v21 =	vld [tilespmem:s21+$0x0];
	(pc) =	sbr.rel @!p2 .LBB2_17-.Ltmp15, $4  }
0x14e: {  	v22 =	vld [tilespmem:s21+$0x10]  }
0x14f: {  	v23 =	vld [tilespmem:s21+$0x20];
	v20 =	vimm.f32 $0.0e+00;
	v24 =	vimm.f32 $0.0e+00  }
0x150: {  	v25 =	vld [tilespmem:s21+$0xFFFFFFC0];
	s21 =	sadd.s32 $0x80, s21;
	v26 =	vimm.f32 $0.0e+00;
	v15 =	vadd.f32 v16, v14;
	v17 =	vadd.f32 v17, v14  }
0x151: {  	s19 =	sadd.s32 $0xFFFFFFFF, s19;
	p1 =	por $0x1, $0x1;
	v27 =	vimm.f32 $0.0e+00;
	v16 =	vld [tilespmem:s21+$0x30];
	v18 =	vadd.f32 v18, v14;
	v19 =	vadd.f32 v19, v14  }
.LBB2_18:
0x152: {  	p2 =	sne.s32 s19, $0x1;
	v28 =	vld [tilespmem:s21+$0xFFFFFFD0];
	v20 =	vadd.f32 v21, v20  }
0x153: {  	v29 =	vld [tilespmem:s21+$0xFFFFFFE0];
	v24 =	vadd.f32 v22, v24  }
0x154: {  	v30 =	vld [tilespmem:s21+$0xFFFFFFF0];
	v26 =	vadd.f32 v23, v26  }
.Ltmp16:
0x155: {  	v21 =	vld [tilespmem:s21+$0x0];
	v27 =	vadd.f32 v25, v27;
	(pc) =	sbr.rel @p2 .LBB2_18-.Ltmp16, $4  }
0x156: {  	v22 =	vld [tilespmem:s21+$0x10];
	v15 =	vadd.f32 v16, v15  }
0x157: {  	v17 =	vadd.f32 v28, v17;
	v23 =	vld [tilespmem:s21+$0x20]  }
0x158: {  	v25 =	vld [tilespmem:s21+$0xFFFFFFC0];
	v18 =	vadd.f32 v29, v18;
	s21 =	sadd.s32 $0x80, s21  }
0x159: {  	s19 =	sadd.s32 $0xFFFFFFFF, s19;
	v16 =	vld [tilespmem:s21+$0x30];
	v19 =	vadd.f32 v30, v19  }
.LBB2_19:
0x15a: {  	v28 =	vld [tilespmem:s21+$0xFFFFFFD0]  }
0x15b: {  	v29 =	vld [tilespmem:s21+$0xFFFFFFE0]  }
0x15c: {  	v30 =	vld [tilespmem:s21+$0xFFFFFFF0]  }
0x15d: {  	v31 =	vld [tilespmem:s21+$0x0]  }
0x15e: {  	v32 =	vld [tilespmem:s21+$0x10]  }
0x15f: {  	v20 =	vadd.f32 @p1 v21, v20;
	v63 =	vld [tilespmem:s21+$0xFFFFFFC0];
	v21 =	vadd.f32 @p1 v22, v24  }
0x160: {  	v22 =	vld [tilespmem:s21+$0x20];
	v23 =	vadd.f32 @p1 v23, v26  }
.Ltmp17:
0x161: {  	v24 =	vadd.f32 @p1 v25, v27;
	v21 =	vpsel p1, v21, v14;
	(pc) =	sbr.rel .LBB2_20-.Ltmp17, $4  }
0x162: {  	v15 =	vadd.f32 v16, v15;
	v23 =	vpsel p1, v23, v14;
	v16 =	vadd.f32 v28, v17  }
0x163: {  	v17 =	vadd.f32 v29, v18;
	v18 =	vadd.f32 v30, v19;
	v19 =	vpsel p1, v20, v14  }
0x164: {  	v14 =	vpsel p1, v24, v14;
	v21 =	vadd.f32 v32, v21;
	v20 =	vadd.f32 v31, v19  }
0x165: {  	v19 =	vadd.f32 v22, v23;
	v14 =	vadd.f32 v63, v14  }
.LBB2_6:
0x166: {  	v16 =	vimm.f32 $0.0e+00  }
0x167: {  	v17 =	vimm.f32 $0.0e+00;
	v18 =	vimm.f32 $0.0e+00;
	v20 =	vimm.f32 $0.0e+00  }
0x168: {  	v21 =	vimm.f32 $0.0e+00;
	v19 =	vimm.f32 $0.0e+00;
	v15 =	vimm.f32 $0.0e+00  }
.LBB2_20:
0x169: {  	v22 =	vmov s17  }
0x16a: {  	vm1 =	vgt.s32 v22, $0x1  }
0x16b: {  	v22 =	vnsel vm1, $0x1, v22  }
0x16c: {  	v22 =	vcvt.s32.f32 v22;
	_ =	sdelay $0x1  }
0x16d: {  	v22 =	vbroadcast v22, $0x0;
	_ =	sdelay $0x1  }
0x16e: {  	(erf) = vrcp.f32 v22;
	_ =	sdelay $0x8  }
0x16f: {  	v22 =	vpop (erf)  }
0x170: {  	s25 =	sshll.u32 s15, $0x8;
	v14 =	vmul.f32 v14, v22  }
0x171: {  	s19 =	sand.u32 $0x3FFFFF00, s25;
	v16 =	vmul.f32 v16, v22  }
0x172: {  	v53 =	vmul.f32 v18, v22;
	[tilespmem:s19+$0x19300] =	vst v14  }
0x173: {  	v14 =	vmul.f32 v17, v22;
	[tilespmem:s19+$0x19310] =	vst v16  }
0x174: {  	v54 =	vmul.f32 v21, v22;
	[tilespmem:s19+$0x19330] =	vst v53  }
0x175: {  	[tilespmem:s19+$0x19320] =	vst v14;
	v14 =	vmul.f32 v20, v22  }
0x176: {  	s26 =	sshll.u32 s15, $0x1;
	v15 =	vmul.f32 v15, v22;
	[tilespmem:s19+$0x19350] =	vst v54  }
0x177: {  	s17 =	smin.u32 s26, $0x7D;
	[tilespmem:s19+$0x19340] =	vst v14;
	v14 =	vmul.f32 v19, v22  }
0x178: {  	s17 =	smul.u32 $0xC8, s17;
	[tilespmem:s19+$0x19370] =	vst v15  }
0x179: {  	[tilespmem:s19+$0x19360] =	vst v14  }
0x17a: {  	v14 =	vld [tilespmem:s17+$0x190]  }
0x17b: {  	v15 =	vld [tilespmem:s17+$0x6610];
	_ =	sdelay $0x4  }
0x17c: {  	vm1 =	vne.s32 v15, $0x0;
	vm2 =	vne.s32 v14, $0x0  }
0x17d: {  	vm2 =	vmand vm2, vm1  }
0x17e: {  	v15 =	vmpcnt.ones.xlane vm2;
	_ =	sdelay $0x1  }
0x17f: {  	(v2sf) =	vpush v15, $0x0;
	_ =	sdelay $0x5  }
0x180: {  	s22 =	simm.s32 $0xC900  }
0x181: {  	[tilespmem:s22+$0x0] =	vst.msk vm2, v14  }
0x182: {  	v14 =	vld [tilespmem:s17+$0x1A0]  }
0x183: {  	v15 =	vld [tilespmem:s17+$0x6620];
	_ =	sdelay $0x4  }
0x184: {  	vm3 =	vne.s32 v14, $0x0;
	vm2 =	vne.s32 v15, $0x0  }
0x185: {  	vm3 =	vmand vm3, vm2;
	s28 =	spop (v2sf)  }
0x186: {  	[tilespmem:s28+$0xC900] =	vst.msk vm3, v14;
	v14 =	vmpcnt.ones.xlane vm3  }
0x187: {  	v15 =	vld [tilespmem:s17+$0x1B0]  }
0x188: {  	(v2sf) =	vpush v14, $0x0;
	v14 =	vld [tilespmem:s17+$0x6630];
	_ =	sdelay $0x4  }
0x189: {  	vm4 =	vne.s32 v15, $0x0;
	vm3 =	vne.s32 v14, $0x0  }
0x18a: {  	vm4 =	vmand vm4, vm3  }
0x18b: {  	v14 =	vmpcnt.ones.xlane vm4;
	_ =	sdelay $0x1  }
0x18c: {  	(v2sf) =	vpush v14, $0x0;
	_ =	sdelay $0x5  }
0x18d: {  	s21 =	spop (v2sf)  }
0x18e: {  	s19 =	sadd.s32 s28, s21  }
0x18f: {  	[tilespmem:s19+$0xC900] =	vst.msk vm4, v15  }
0x190: {  	v14 =	vld [tilespmem:s17+$0x1C0]  }
0x191: {  	v15 =	vld [tilespmem:s17+$0x6640];
	_ =	sdelay $0x4  }
0x192: {  	vm4 =	vne.s32 v15, $0x0;
	vm5 =	vne.s32 v14, $0x0;
	s29 =	spop (v2sf)  }
0x193: {  	vm5 =	vmand vm5, vm4;
	s19 =	sadd.s32 s19, s29  }
0x194: {  	[tilespmem:s19+$0xC900] =	vst.msk vm5, v14;
	v14 =	vmpcnt.ones.xlane vm5  }
0x195: {  	v15 =	vld [tilespmem:s17+$0x1D0]  }
0x196: {  	(v2sf) =	vpush v14, $0x0;
	v14 =	vld [tilespmem:s17+$0x6650];
	_ =	sdelay $0x4  }
0x197: {  	vm6 =	vne.s32 v15, $0x0;
	vm5 =	vne.s32 v14, $0x0  }
0x198: {  	vm6 =	vmand vm6, vm5  }
0x199: {  	v14 =	vmpcnt.ones.xlane vm6;
	_ =	sdelay $0x1  }
0x19a: {  	(v2sf) =	vpush v14, $0x0;
	_ =	sdelay $0x5  }
0x19b: {  	s30 =	spop (v2sf)  }
0x19c: {  	s19 =	sadd.s32 s19, s30  }
0x19d: {  	[tilespmem:s19+$0xC900] =	vst.msk vm6, v15  }
0x19e: {  	v14 =	vld [tilespmem:s17+$0x1E0]  }
0x19f: {  	v15 =	vld [tilespmem:s17+$0x6660];
	_ =	sdelay $0x4  }
0x1a0: {  	vm6 =	vne.s32 v15, $0x0;
	vm7 =	vne.s32 v14, $0x0;
	s31 =	spop (v2sf)  }
0x1a1: {  	vm7 =	vmand vm7, vm6;
	s19 =	sadd.s32 s19, s31  }
0x1a2: {  	[tilespmem:s19+$0xC900] =	vst.msk vm7, v14;
	v14 =	vmpcnt.ones.xlane vm7  }
0x1a3: {  	v15 =	vld [tilespmem:s17+$0x1F0]  }
0x1a4: {  	(v2sf) =	vpush v14, $0x0;
	v14 =	vld [tilespmem:s17+$0x6670];
	_ =	sdelay $0x4  }
0x1a5: {  	vm8 =	vne.s32 v15, $0x0;
	vm7 =	vne.s32 v14, $0x0  }
0x1a6: {  	vm8 =	vmand vm8, vm7  }
0x1a7: {  	v14 =	vmpcnt.ones.xlane vm8;
	_ =	sdelay $0x1  }
0x1a8: {  	(v2sf) =	vpush v14, $0x0;
	_ =	sdelay $0x5  }
0x1a9: {  	s23 =	spop (v2sf)  }
0x1aa: {  	s19 =	sadd.s32 s19, s23  }
0x1ab: {  	[tilespmem:s19+$0xC900] =	vst.msk vm8, v15  }
0x1ac: {  	v14 =	vld [tilespmem:s17+$0x200]  }
0x1ad: {  	v15 =	vld [tilespmem:s17+$0x6680];
	_ =	sdelay $0x4  }
0x1ae: {  	vm8 =	vne.s32 v15, $0x0;
	vm9 =	vne.s32 v14, $0x0;
	s24 =	spop (v2sf)  }
0x1af: {  	vm9 =	vmand vm9, vm8;
	s19 =	sadd.s32 s19, s24  }
0x1b0: {  	[tilespmem:s19+$0xC900] =	vst.msk vm9, v14;
	v14 =	vmpcnt.ones.xlane vm9  }
0x1b1: {  	v15 =	vld [tilespmem:s17+$0x210]  }
0x1b2: {  	(v2sf) =	vpush v14, $0x0;
	v14 =	vld [tilespmem:s17+$0x6690];
	_ =	sdelay $0x4  }
0x1b3: {  	vm10 =	vne.s32 v15, $0x0;
	vm9 =	vne.s32 v14, $0x0  }
0x1b4: {  	vm10 =	vmand vm10, vm9  }
0x1b5: {  	v14 =	vmpcnt.ones.xlane vm10;
	_ =	sdelay $0x1  }
0x1b6: {  	(v2sf) =	vpush v14, $0x0;
	_ =	sdelay $0x5  }
0x1b7: {  	s25 =	spop (v2sf)  }
0x1b8: {  	s19 =	sadd.s32 s19, s25  }
0x1b9: {  	[tilespmem:s19+$0xC900] =	vst.msk vm10, v15  }
0x1ba: {  	v14 =	vld [tilespmem:s17+$0x220]  }
0x1bb: {  	v15 =	vld [tilespmem:s17+$0x66A0];
	_ =	sdelay $0x4  }
0x1bc: {  	vm10 =	vne.s32 v15, $0x0;
	vm11 =	vne.s32 v14, $0x0;
	s26 =	spop (v2sf)  }
0x1bd: {  	vm11 =	vmand vm11, vm10;
	s19 =	sadd.s32 s19, s26  }
0x1be: {  	[tilespmem:s19+$0xC900] =	vst.msk vm11, v14;
	v14 =	vmpcnt.ones.xlane vm11  }
0x1bf: {  	v15 =	vld [tilespmem:s17+$0x230]  }
0x1c0: {  	(v2sf) =	vpush v14, $0x0;
	v14 =	vld [tilespmem:s17+$0x66B0];
	_ =	sdelay $0x4  }
0x1c1: {  	vm12 =	vne.s32 v15, $0x0;
	vm11 =	vne.s32 v14, $0x0  }
0x1c2: {  	vm12 =	vmand vm12, vm11  }
0x1c3: {  	v14 =	vmpcnt.ones.xlane vm12;
	_ =	sdelay $0x1  }
0x1c4: {  	(v2sf) =	vpush v14, $0x0;
	_ =	sdelay $0x5  }
0x1c5: {  	s28 =	spop (v2sf)  }
0x1c6: {  	s19 =	sadd.s32 s19, s28  }
0x1c7: {  	[tilespmem:s19+$0xC900] =	vst.msk vm12, v15  }
0x1c8: {  	v14 =	vld [tilespmem:s17+$0x240]  }
0x1c9: {  	v15 =	vld [tilespmem:s17+$0x66C0];
	_ =	sdelay $0x1  }
0x1ca: {  	v55 =	vsel vm1, $0x1, v12;
	v56 =	vsel vm2, $0x1, v12  }
0x1cb: {  	v16 =	vadd.s32 v55, v56;
	v57 =	vsel vm3, $0x1, v12  }
0x1cc: {  	v16 =	vadd.s32 v57, v16  }
0x1cd: {  	vm1 =	vne.s32 v15, $0x0;
	vm2 =	vne.s32 v14, $0x0;
	v15 =	vsel vm4, $0x1, v12;
	s29 =	spop (v2sf)  }
0x1ce: {  	v58 =	vsel vm5, $0x1, v12;
	vm2 =	vmand vm2, vm1;
	v15 =	vadd.s32 v15, v16;
	s19 =	sadd.s32 s19, s29  }
0x1cf: {  	v15 =	vadd.s32 v58, v15;
	[tilespmem:s19+$0xC900] =	vst.msk vm2, v14;
	v14 =	vsel vm6, $0x1, v12  }
0x1d0: {  	v60 =	vsel vm7, $0x1, v12;
	v59 =	vld [tilespmem:s17+$0x66D0];
	v14 =	vadd.s32 v14, v15  }
0x1d1: {  	v15 =	vsel vm8, $0x1, v12;
	v61 =	vld [tilespmem:s17+$0x250];
	v14 =	vadd.s32 v60, v14  }
0x1d2: {  	v62 =	vsel vm9, $0x1, v12;
	v14 =	vadd.s32 v15, v14  }
0x1d3: {  	v15 =	vsel vm10, $0x1, v12;
	v14 =	vadd.s32 v62, v14  }
0x1d4: {  	v14 =	vadd.s32 v15, v14;
	v15 =	vsel vm11, $0x1, v12  }
0x1d5: {  	v63 =	vmpcnt.ones.xlane vm2;
	vm3 =	vne.s32 v59, $0x0;
	v14 =	vadd.s32 v15, v14  }
0x1d6: {  	v15 =	vsel vm1, $0x1, v12;
	vm1 =	vmand vm3, vm0;
	vm3 =	vne.s32 v61, $0x0  }
0x1d7: {  	v14 =	vadd.s32 v15, v14;
	v15 =	vsel vm1, $0x1, v12;
	vm1 =	vmand vm3, vm1  }
0x1d8: {  	v14 =	vadd.s32 v15, v14;
	v15 =	vmpcnt.ones.xlane vm1  }
0x1d9: {  	(v2sf) =	vpush v63, $0x0  }
0x1da: {  	(v2sf) =	vpush v15, $0x0;
	_ =	sdelay $0x1  }
0x1db: {  	(xrf0) =	vadd.scan.msk.s32 $0xffff, v14;
	_ =	sdelay $0x5  }
0x1dc: {  	v14, _, _ =	vpop (xrf0)  }
0x1dd: {  	(v2sf) =	vpush v14, $0xF;
	_ =	sdelay $0x4  }
0x1de: {  	s30 =	spop (v2sf)  }
0x1df: {  	s17 =	sadd.s32 s19, s30;
	s31 =	spop (v2sf)  }
0x1e0: {  	s19 =	sadd.s32 s17, s31  }
0x1e1: {  	s21 =	sadd.s32 $0x7, s19  }
0x1e2: {  	s21 =	sshra.s32 s21, $0x3  }
0x1e3: {  	p1 =	sgt.s32 s21, $0x0  }
.Ltmp18:
0x1e4: {  	_ = 	snop;
	(pc) =	sbr.rel @!p1 .LBB2_21-.Ltmp18, $2  }
0x1e5: {  	_ =	sdelay $0x2  }
0x1e6: {  	s23 =	simm.s32 $0xCB00;
	[tilespmem:s17+$0xC900] =	vst.msk vm1, v61;
	s17 =	spop (v2sf)  }
0x1e7: {  	p2 =	seq.s32 s21, $0x1  }
.Ltmp19:
0x1e8: {  	_ = 	snop;
	(pc) =	sbr.rel @p2 .LBB2_21-.Ltmp19, $3  }
0x1e9: {  	_ =	sdelay $0x1  }
0x1ea: {  	[tilespmem:s23], [sflag:$0x1] =	stream.indirect.gather [hbm4b:s2+s10], $0x80, s22, s10, $0xb8;
	[tilespmem:$0x1D300] =	vst v63  }
0x1eb: {  	s24 =	sadd.s32 $0xFFFFFFFF, s21  }
.LBB2_25:
0x1ec: {  	p2 =	seq.s32 s24, $0x1  }
.Ltmp20:
0x1ed: {  	_ = 	snop;
	(pc) =	sbr.rel @!p2 .LBB2_25-.Ltmp20, $4  }
0x1ee: {  	_ = 	snop  }
0x1ef: {  	s22 =	sadd.s32 $0x8, s22;
	s23 =	sadd.s32 $0x400, s23  }
0x1f0: {  	s24 =	sadd.s32 $0xFFFFFFFF, s24  }
0x1f1: {  	[tilespmem:s23], [sflag:$0x1] =	stream.indirect.gather [hbm4b:s2+s10], $0x80, s22, s10, $0xb8;
	[tilespmem:$0x1D300] =	vst v63  }
.LBB2_21:
.Ltmp21:
0x1f2: {  	(pc) =	sbr.rel @!p0 .LBB2_22-.Ltmp21, $1  }
0x1f3: {  	_ =	sdelay $0x3  }
0x1f4: {  	p0 =	seq.s32 s20, $0x1  }
.Ltmp22:
0x1f5: {  	_ = 	snop;
	(pc) =	sbr.rel @p0 .LBB2_28-.Ltmp22, $3  }
0x1f6: {  	_ =	sdelay $0x1  }
0x1f7: {  	_ =	swait.ge [sflag:s12], $0x400  }
0x1f8: {  	s20 =	sadd.s32 $0xFFFFFFFF, s20;
	[sflag:s12] =	ssyncset.done $0x0  }
.LBB2_27:
0x1f9: {  	p0 =	seq.s32 s20, $0x1;
	s20 =	sadd.s32 $0xFFFFFFFF, s20;
	[sflag:s12] =	ssyncadd.s32 $0xFFFFFC00  }
.Ltmp23:
0x1fa: {  	(pc) =	sbr.rel @!p0 .LBB2_27-.Ltmp23, $3  }
0x1fb: {  	_ =	sdelay $0x1  }
0x1fc: {  	_ =	swait.ge [sflag:s12], $0x400  }
0x1fd: {  	[sflag:s12] =	ssyncset.done $0x0  }
.LBB2_28:
0x1fe: {  	[sflag:s12] =	ssyncadd.s32 $0xFFFFFC00  }
.LBB2_22:
0x1ff: {  	p0 =	sgt.s32 s18, $0x0  }
.Ltmp24:
0x200: {  	_ = 	snop;
	(pc) =	sbr.rel @!p0 .LBB2_23-.Ltmp24, $2  }
0x201: {  	_ =	sdelay $0x2  }
0x202: {  	v14 =	vimm.f32 $0.0e+00  }
0x203: {  	s22 =	simm.s32 $0x12F40  }
0x204: {  	v15 =	vld [tilespmem:s22+$0x30]  }
0x205: {  	v16 =	vld [tilespmem:s22+$0xFFFFFFD0]  }
0x206: {  	p0 =	sgt.s32 s18, $0x1;
	v17 =	vld [tilespmem:s22+$0xFFFFFFE0]  }
.Ltmp25:
0x207: {  	v21 =	vld [tilespmem:s22+$0xFFFFFFF0];
	(pc) =	sbr.rel @!p0 .LBB2_31-.Ltmp25, $4  }
0x208: {  	v19 =	vld [tilespmem:s22+$0x0]  }
0x209: {  	v18 =	vimm.f32 $0.0e+00;
	v20 =	vld [tilespmem:s22+$0x10]  }
0x20a: {  	v22 =	vimm.f32 $0.0e+00;
	v23 =	vimm.f32 $0.0e+00;
	v25 =	vld [tilespmem:s22+$0x20];
	v15 =	vadd.f32 v15, v14  }
0x20b: {  	s20 =	simm.s32 $0x1;
	v24 =	vimm.f32 $0.0e+00;
	v26 =	vld [tilespmem:s22+$0xFFFFFFC0];
	s22 =	simm.s32 $0x12FC0;
	v16 =	vadd.f32 v16, v14;
	v17 =	vadd.f32 v17, v14  }
.LBB2_30:
0x20c: {  	v27 =	vld [tilespmem:s22+$0x30];
	s20 =	sadd.s32 $0x1, s20;
	v14 =	vadd.f32 v21, v14  }
0x20d: {  	v28 =	vld [tilespmem:s22+$0xFFFFFFD0];
	p0 =	slt.s32 s20, s18;
	v18 =	vadd.f32 v19, v18  }
0x20e: {  	v29 =	vld [tilespmem:s22+$0xFFFFFFE0];
	v22 =	vadd.f32 v20, v22  }
.Ltmp26:
0x20f: {  	v21 =	vld [tilespmem:s22+$0xFFFFFFF0];
	v23 =	vadd.f32 v25, v23;
	(pc) =	sbr.rel @p0 .LBB2_30-.Ltmp26, $4  }
0x210: {  	v19 =	vld [tilespmem:s22+$0x0];
	v24 =	vadd.f32 v26, v24  }
0x211: {  	v20 =	vld [tilespmem:s22+$0x10];
	v15 =	vadd.f32 v27, v15  }
0x212: {  	v16 =	vadd.f32 v28, v16;
	v25 =	vld [tilespmem:s22+$0x20]  }
0x213: {  	v26 =	vld [tilespmem:s22+$0xFFFFFFC0];
	v17 =	vadd.f32 v29, v17;
	s22 =	sadd.s32 $0x80, s22  }
.LBB2_31:
.Ltmp27:
0x214: {  	_ = 	snop;
	(pc) =	sbr.rel .LBB2_32-.Ltmp27, $4  }
0x215: {  	_ = 	snop  }
0x216: {  	v21 =	vadd.f32 v21, v14  }
0x217: {  	v18 =	vadd.f32 v19, v18;
	v19 =	vadd.f32 v20, v22  }
0x218: {  	v20 =	vadd.f32 v25, v23;
	v14 =	vadd.f32 v26, v24  }
.LBB2_15:
.Ltmp28:
0x219: {  	(pc) =	sbr.rel .LBB2_19-.Ltmp28, $4  }
0x21a: {  	_ = 	snop  }
0x21b: {  	v20 =	vimm.f32 $0.0e+00;
	v24 =	vimm.f32 $0.0e+00  }
0x21c: {  	v26 =	vimm.f32 $0.0e+00;
	v27 =	vimm.f32 $0.0e+00;
	v15 =	vimm.f32 $0.0e+00  }
0x21d: {  	v17 =	vimm.f32 $0.0e+00;
	v18 =	vimm.f32 $0.0e+00;
	v19 =	vimm.f32 $0.0e+00  }
.LBB2_17:
.Ltmp29:
0x21e: {  	(pc) =	sbr.rel .LBB2_19-.Ltmp29, $3  }
0x21f: {  	_ =	sdelay $0x1  }
0x220: {  	v20 =	vimm.f32 $0.0e+00  }
0x221: {  	v24 =	vimm.f32 $0.0e+00;
	v26 =	vimm.f32 $0.0e+00;
	v27 =	vimm.f32 $0.0e+00  }
.LBB2_33:
.Ltmp30:
0x222: {  	(pc) =	sbr.rel @!p1 .LBB2_37-.Ltmp30, $1  }
0x223: {  	_ =	sdelay $0x3  }
0x224: {  	p0 =	sne.s32 s21, $0x1  }
.Ltmp31:
0x225: {  	_ = 	snop;
	(pc) =	sbr.rel @!p0 .LBB2_36-.Ltmp31, $3  }
0x226: {  	_ =	sdelay $0x1  }
0x227: {  	_ =	swait.ge [sflag:s11], $0x400  }
0x228: {  	s15 =	sadd.s32 $0xFFFFFFFF, s21;
	[sflag:s11] =	ssyncset.done $0x0  }
.LBB2_35:
0x229: {  	p0 =	sne.s32 s15, $0x1;
	s15 =	sadd.s32 $0xFFFFFFFF, s15;
	[sflag:s11] =	ssyncadd.s32 $0xFFFFFC00  }
.Ltmp32:
0x22a: {  	(pc) =	sbr.rel @p0 .LBB2_35-.Ltmp32, $3  }
0x22b: {  	_ =	sdelay $0x1  }
0x22c: {  	_ =	swait.ge [sflag:s11], $0x400  }
0x22d: {  	[sflag:s11] =	ssyncset.done $0x0  }
.Ltmp33:
0x22e: {  	_ = 	snop;
	(pc) =	sbr.rel .LBB2_36-.Ltmp33, $1  }
0x22f: {  	_ =	sdelay $0x3  }
.LBB2_38:
0x230: {  	_ =	sfence.sel $0x180000  }
0x231: {  	[bflag:$0x0] =	sbarrier.arrive $0xFFFF  }
0x232: {  	p0 =	sne.s32 s0, $0x0;
	_ =	strace $0x90000047  }
0x233: {  	s0 =	sadd.s32 @!p0 $0x100000, s1;
	[bflag:$0x2] =	sbarrier.arrive $0xFFFF  }
0x234: {  	[sflag:s0] =	ssyncadd.tile.s32 @!p0 $0x1;
	_ =	shalt  }
.Lfunc_end2:
_tile_overlayer_lowered:
.L_overlay_start_2:
0x235: {  	(tag) =	ssettag $0x2  }
0x236: {  	s0 =	rddreg [dreg:$0x0];
	s2 =	stileid.u32  }
0x237: {  	s1 =	rddreg [dreg:$0x1];
	p0 =	sne.s32 s2, $0x0  }
0x238: {  	s3 =	rddreg [dreg:$0x2];
	[bflag:$0x3] =	sbarrier.arrive $0xFFFF;
	s2 =	simm.s32 @!p0 $0x1C03  }
0x239: {  	[timem:s3], [sflag:s2] =	dma.local @!p0 [hbm:s0], s1  }
0x23a: {  	s0 =	simm.s32 @!p0 $0x3  }
0x23b: {  	_ =	swait.ge @!p0 [sflag:s0], s1  }
0x23c: {  	s1 =	ssub.s32 @!p0 $0x0, s1;
	[sflag:s0] =	ssyncset.done @!p0 $0x0  }
0x23d: {  	[sflag:s0] =	ssyncadd.s32 @!p0 s1  }
0x23e: {  	[bflag:$0x3] =	sbarrier.arrive $0xFFFF  }
0x23f: {  	_ =	shalt  }

</sc_bundles>
